<compile_context>
chip_gen: v7x
topology: tpu7x:2x2x1
jax: 0.10.2.dev20260603
libtpu: 0.0.44.dev20260713+nightly
codegen_flags: <defaults>
</compile_context>

<pallas_src>
import functools

import jax
import jax.numpy as jnp
from jax import lax
from jax.experimental import pallas as pl
from jax.experimental.pallas import tpu as pltpu
from jax.experimental.pallas import tpu_sc as plsc

BATCH = 16384
EMBED_DIM = 16
N_ROWS = 1000000
TAIL_START = (N_ROWS // 128) * 128
NC = 2
NS = 16
NW = NC * NS
B_PER_W = BATCH // NW
GRP = 8
NPAIR = B_PER_W // (2 * GRP)


def _sc_gather_score(user_ids, item_ids, utT, itT, tail_u, tail_i, drain_tmpl):
    mesh = plsc.VectorSubcoreMesh(core_axis_name="c", subcore_axis_name="s")

    @functools.partial(
        pl.kernel,
        mesh=mesh,
        out_type=[
            jax.ShapeDtypeStruct((BATCH,), jnp.float32),
            jax.ShapeDtypeStruct((EMBED_DIM, BATCH), jnp.float32),
        ],
        scratch_types=[
            pltpu.VMEM((B_PER_W,), jnp.int32),
            pltpu.VMEM((B_PER_W,), jnp.int32),
            pltpu.VMEM((GRP, 16, 128), jnp.float32),
            pltpu.VMEM((GRP, 16, 128), jnp.float32),
            pltpu.VMEM((GRP, 16, 128), jnp.float32),
            pltpu.VMEM((GRP, 16, 128), jnp.float32),
            pltpu.VMEM((16, 128), jnp.float32),
            pltpu.VMEM((16, 64), jnp.float32),
            pltpu.VMEM((16, 64), jnp.float32),
            pltpu.VMEM((B_PER_W,), jnp.float32),
            pltpu.SemaphoreType.DMA,
            pltpu.SemaphoreType.DMA,
            pltpu.SemaphoreType.DMA,
        ],
        compiler_params=pltpu.CompilerParams(
            use_tc_tiling_on_sc=True, needs_layout_passes=False),
    )
    def score_kernel(uid_hbm, iid_hbm, utT_hbm, itT_hbm, tailu_hbm, taili_hbm,
                     tmpl_hbm, s1_hbm, ig_hbm,
                     idx_u, idx_i, su0, su1, si0, si1, igb, tu, ti, sbuf,
                     sem0, sem1, semw):
        su_slots = (su0, su1)
        si_slots = (si0, si1)
        wid = lax.axis_index("s") * NC + lax.axis_index("c")
        base = wid * B_PER_W
        pltpu.sync_copy(uid_hbm.at[pl.ds(base, B_PER_W)], idx_u)
        pltpu.sync_copy(iid_hbm.at[pl.ds(base, B_PER_W)], idx_i)
        pltpu.sync_copy(tailu_hbm, tu)
        pltpu.sync_copy(taili_hbm, ti)

        lane_iota = lax.iota(jnp.int32, 16)

        def fire(g, slot, sem):
            half = slot
            pb = (g // 2) * 16
            ids_u = idx_u[pl.ds(pb, 16)]
            ids_i = idx_i[pl.ds(pb, 16)]
            for k in range(GRP):
                u = ids_u[half * GRP + k]
                i = ids_i[half * GRP + k]
                au = pl.multiple_of(
                    jnp.minimum((u >> 7) << 7, TAIL_START - 128), 128)
                ai = pl.multiple_of(
                    jnp.minimum((i >> 7) << 7, TAIL_START - 128), 128)
                pltpu.async_copy(
                    utT_hbm.at[:, pl.ds(au, 128)], su_slots[slot].at[k], sem)
                pltpu.async_copy(
                    itT_hbm.at[:, pl.ds(ai, 128)], si_slots[slot].at[k], sem)

        def drain(slot, sem):
            pltpu.make_async_copy(tmpl_hbm, su_slots[slot], sem).wait()
            pltpu.make_async_copy(tmpl_hbm, si_slots[slot], sem).wait()

        def extract(buf, lane):
            return plsc.load_gather(
                buf, [lane_iota, jnp.broadcast_to(lane, (16,))])

        def compute(g, slot, acc):
            half = slot
            pb = (g // 2) * 16
            ids_u = idx_u[pl.ds(pb, 16)]
            ids_i = idx_i[pl.ds(pb, 16)]
            for k in range(GRP):
                u = ids_u[half * GRP + k]
                i = ids_i[half * GRP + k]
                uvec = jnp.where(
                    u >= TAIL_START,
                    extract(tu, jnp.clip(u - TAIL_START, 0, 63)),
                    extract(su_slots[slot].at[k], u & 127))
                ivec = jnp.where(
                    i >= TAIL_START,
                    extract(ti, jnp.clip(i - TAIL_START, 0, 63)),
                    extract(si_slots[slot].at[k], i & 127))
                col = (g & 15) * GRP + k
                plsc.store_scatter(
                    igb, [lane_iota, jnp.broadcast_to(col, (16,))], ivec)
                s = jnp.sum(uvec * ivec, axis=0)
                acc = jnp.where(lane_iota == (slot * GRP + k), s, acc)
            return acc

        fire(0, 0, sem0)

        def pair_body(p, _):
            g0 = 2 * p
            fire(g0 + 1, 1, sem1)
            drain(0, sem0)
            acc = compute(g0, 0, jnp.zeros((16,), jnp.float32))

            @pl.when(p + 1 < NPAIR)
            def _():
                fire(g0 + 2, 0, sem0)

            drain(1, sem1)
            acc = compute(g0 + 1, 1, acc)
            sbuf[pl.ds(p * 16, 16)] = acc

            @pl.when((p & 7) == 7)
            def _():
                tile = pl.multiple_of(((p >> 3) << 7), 128)
                pltpu.sync_copy(
                    igb, ig_hbm.at[:, pl.ds(base + tile, 128)])
            return ()

        lax.fori_loop(0, NPAIR, pair_body, (), unroll=False)
        pltpu.sync_copy(sbuf, s1_hbm.at[pl.ds(base, B_PER_W)])

    return score_kernel(user_ids, item_ids, utT, itT, tail_u, tail_i,
                        drain_tmpl)


def _tc_combine_body(ufT_ref, w1T_ref, b1_ref, w2T_ref, b2_ref, igT_ref,
                     s1_ref, out_ref):
    hT = jnp.maximum(
        jnp.dot(w1T_ref[...], ufT_ref[...],
                preferred_element_type=jnp.float32) + b1_ref[...], 0.0)
    cT = jnp.dot(w2T_ref[...], hT, preferred_element_type=jnp.float32) \
        + b2_ref[...]
    s2 = jnp.sum(cT * igT_ref[...], axis=0)
    out_ref[...] = s1_ref[...] + s2


def _tc_combine(user_features, W1, b1, W2, b2, igT, s1):
    blk = 2048
    ufT = user_features.T
    w1T = W1.T
    w2T = W2.T
    return pl.pallas_call(
        _tc_combine_body,
        grid=(BATCH // blk,),
        in_specs=[
            pl.BlockSpec((64, blk), lambda i: (0, i)),
            pl.BlockSpec((32, 64), lambda i: (0, 0)),
            pl.BlockSpec((32, 1), lambda i: (0, 0)),
            pl.BlockSpec((EMBED_DIM, 32), lambda i: (0, 0)),
            pl.BlockSpec((EMBED_DIM, 1), lambda i: (0, 0)),
            pl.BlockSpec((EMBED_DIM, blk), lambda i: (0, i)),
            pl.BlockSpec((blk,), lambda i: (i,)),
        ],
        out_specs=pl.BlockSpec((blk,), lambda i: (i,)),
        out_shape=jax.ShapeDtypeStruct((BATCH,), jnp.float32),
    )(ufT, w1T, b1.reshape(32, 1), w2T, b2.reshape(EMBED_DIM, 1), igT, s1)


def kernel(user_ids, item_ids, user_features, cf_user_table, cf_item_table,
           W1, b1, W2, b2):
    utT = cf_user_table.T
    itT = cf_item_table.T
    tail_u = lax.slice(utT, (0, TAIL_START), (EMBED_DIM, N_ROWS))
    tail_i = lax.slice(itT, (0, TAIL_START), (EMBED_DIM, N_ROWS))
    drain_tmpl = jnp.zeros((GRP, 16, 128), jnp.float32)
    s1, igT = _sc_gather_score(user_ids, item_ids, utT, itT, tail_u, tail_i,
                               drain_tmpl)
    return _tc_combine(user_features, W1, b1, W2, b2, igT, s1)

# --- scband reference (transcript-rebuilt; emitter-appended) ---
"""Pipeline reference for scband-hybrid-preference-model-6081673691704 (READ-ONLY COPY).

The authoritative reference and input builder live on the scoring server;
editing this copy changes nothing except your own understanding.
"""

import jax, jax.numpy as jnp
import numpy as np

N_USERS = 1000000
N_ITEMS = 1000000
USER_FEAT_DIM = 64
EMBED_DIM = 16
BATCH = 16384


def setup_inputs(seed: int = 0) -> dict:
    key = jax.random.key(seed)
    k1, k2, k3, k4, k5, k6, k7, k8 = jax.random.split(key, 8)
    user_ids = jax.random.randint(k1, (BATCH,), 0, N_USERS, dtype=jnp.int64 if jax.config.jax_enable_x64 else jnp.int32)
    item_ids = jax.random.randint(k2, (BATCH,), 0, N_ITEMS, dtype=jnp.int64 if jax.config.jax_enable_x64 else jnp.int32)
    user_features = jax.random.normal(k3, (BATCH, USER_FEAT_DIM), dtype=jnp.float32)
    # learned parameters
    cf_user_table = jax.random.normal(k4, (N_USERS, EMBED_DIM), dtype=jnp.float32) * 0.01
    cf_item_table = jax.random.normal(k5, (N_ITEMS, EMBED_DIM), dtype=jnp.float32) * 0.01
    # user_mlp: Linear(user_feat_dim, 32) -> ReLU -> Linear(32, embedding_dim)
    lim1 = 1.0 / np.sqrt(USER_FEAT_DIM)
    W1 = jax.random.uniform(k6, (USER_FEAT_DIM, 32), minval=-lim1, maxval=lim1, dtype=jnp.float32)
    b1 = jax.random.uniform(k7, (32,), minval=-lim1, maxval=lim1, dtype=jnp.float32)
    lim2 = 1.0 / np.sqrt(32)
    W2 = jax.random.uniform(k8, (32, EMBED_DIM), minval=-lim2, maxval=lim2, dtype=jnp.float32)
    b2 = jax.random.uniform(jax.random.fold_in(key, 99), (EMBED_DIM,), minval=-lim2, maxval=lim2, dtype=jnp.float32)
    return {
        "user_ids": user_ids,
        "item_ids": item_ids,
        "user_features": user_features,
        "cf_user_table": cf_user_table,
        "cf_item_table": cf_item_table,
        "W1": W1,
        "b1": b1,
        "W2": W2,
        "b2": b2,
    }


def reference(user_ids, item_ids, user_features, cf_user_table, cf_item_table, W1, b1, W2, b2):
    # collaborative-filtering embedding lookups (gather)
    cf_user = jnp.take(cf_user_table, user_ids, axis=0)  # [B, D]
    cf_item = jnp.take(cf_item_table, item_ids, axis=0)  # [B, D]
    # content tower MLP on user features
    h = jnp.maximum(user_features @ W1 + b1, 0.0)
    content_user = h @ W2 + b2  # [B, D]
    final_user = cf_user + content_user
    scores = jnp.sum(final_user * cf_item, axis=1)  # [B]
    return scores

if __name__ == "__main__":
    import jax
    _d = setup_inputs()
    print(jax.jit(kernel)(*tuple(_d.values())))

</pallas_src>

<mosaic_0001>
#map = affine_map<(d0, d1) -> (0)>
#map1 = affine_map<(d0, d1) -> (0, 0)>
#map2 = affine_map<(d0, d1) -> (0, 0, 0)>
module attributes {stable_mosaic.version = 14 : i64} {
  func.func @score_kernel(%arg0: i32, %arg1: i32, %arg2: memref<16384xi32, #tpu.memory_space<hbm>>, %arg3: memref<16384xi32, #tpu.memory_space<hbm>>, %arg4: memref<16x1000000xf32, #tpu.memory_space<hbm>>, %arg5: memref<16x1000000xf32, #tpu.memory_space<hbm>>, %arg6: memref<16x64xf32, #tpu.memory_space<hbm>>, %arg7: memref<16x64xf32, #tpu.memory_space<hbm>>, %arg8: memref<8x16x128xf32, #tpu.memory_space<hbm>>, %arg9: memref<16384xf32, #tpu.memory_space<hbm>>, %arg10: memref<16x16384xf32, #tpu.memory_space<hbm>>, %arg11: memref<512xi32, #tpu.memory_space<vmem>>, %arg12: memref<512xi32, #tpu.memory_space<vmem>>, %arg13: memref<8x16x128xf32, #tpu.memory_space<vmem>>, %arg14: memref<8x16x128xf32, #tpu.memory_space<vmem>>, %arg15: memref<8x16x128xf32, #tpu.memory_space<vmem>>, %arg16: memref<8x16x128xf32, #tpu.memory_space<vmem>>, %arg17: memref<16x128xf32, #tpu.memory_space<vmem>>, %arg18: memref<16x64xf32, #tpu.memory_space<vmem>>, %arg19: memref<16x64xf32, #tpu.memory_space<vmem>>, %arg20: memref<512xf32, #tpu.memory_space<vmem>>, %arg21: memref<!tpu.dma_semaphore, #tpu.memory_space<semaphore_mem>>, %arg22: memref<!tpu.dma_semaphore, #tpu.memory_space<semaphore_mem>>, %arg23: memref<!tpu.dma_semaphore, #tpu.memory_space<semaphore_mem>>) attributes {dimension_semantics = [#tpu.dimension_semantics<core_parallel>, #tpu.dimension_semantics<subcore_parallel>], iteration_bounds = array<i64: 2, 16>, scalar_prefetch = 0 : i64, scratch_operands = 13 : i64, tpu.core_type = #tpu.core_type<sc_vector_subcore>, window_params = [{transform_indices = #map}, {transform_indices = #map}, {transform_indices = #map1}, {transform_indices = #map1}, {transform_indices = #map1}, {transform_indices = #map1}, {transform_indices = #map2}, {transform_indices = #map}, {transform_indices = #map1}]} {
    %mul3A = arith.constant 2 : i32
    %mul3A_0 = arith.muli %arg1, %mul3A : i32
    %add3A = arith.addi %mul3A_0, %arg0 : i32
    %mul3A_1 = arith.constant 512 : i32
    %mul3A_2 = arith.muli %add3A, %mul3A_1 : i32
    "tpu.region"() ({
      %run_scoped3A = tpu.sem_alloc : memref<!tpu.dma_semaphore, #tpu.memory_space<semaphore_mem>>
      %dma_start3A_355 = tpu.memref_slice %arg2[%mul3A_2] : memref<16384xi32, #tpu.memory_space<hbm>> -> memref<512xi32, #tpu.memory_space<hbm>>
      %dma_start3A_356 = tpu.memref_slice %arg2[%mul3A_2] : memref<16384xi32, #tpu.memory_space<hbm>> -> memref<512xi32, #tpu.memory_space<hbm>>
      tpu.enqueue_dma source(%dma_start3A_356 : memref<512xi32, #tpu.memory_space<hbm>>) target(%arg11 : memref<512xi32, #tpu.memory_space<vmem>>) target_semaphore(%run_scoped3A : memref<!tpu.dma_semaphore, #tpu.memory_space<semaphore_mem>>)
      %dma_wait3A = tpu.memref_slice %arg2[%mul3A_2] : memref<16384xi32, #tpu.memory_space<hbm>> -> memref<512xi32, #tpu.memory_space<hbm>>
      %dma_wait3A_357 = tpu.memref_slice %arg2[%mul3A_2] : memref<16384xi32, #tpu.memory_space<hbm>> -> memref<512xi32, #tpu.memory_space<hbm>>
      tpu.wait_dma2 semaphore(%run_scoped3A : memref<!tpu.dma_semaphore, #tpu.memory_space<semaphore_mem>>) src(%dma_wait3A_357 : memref<512xi32, #tpu.memory_space<hbm>>) dst(%arg11 : memref<512xi32, #tpu.memory_space<vmem>>)
      tpu.yield
    }) : () -> ()
    "tpu.region"() ({
      %run_scoped3A = tpu.sem_alloc : memref<!tpu.dma_semaphore, #tpu.memory_space<semaphore_mem>>
      %dma_start3A_355 = tpu.memref_slice %arg3[%mul3A_2] : memref<16384xi32, #tpu.memory_space<hbm>> -> memref<512xi32, #tpu.memory_space<hbm>>
      %dma_start3A_356 = tpu.memref_slice %arg3[%mul3A_2] : memref<16384xi32, #tpu.memory_space<hbm>> -> memref<512xi32, #tpu.memory_space<hbm>>
      tpu.enqueue_dma source(%dma_start3A_356 : memref<512xi32, #tpu.memory_space<hbm>>) target(%arg12 : memref<512xi32, #tpu.memory_space<vmem>>) target_semaphore(%run_scoped3A : memref<!tpu.dma_semaphore, #tpu.memory_space<semaphore_mem>>)
      %dma_wait3A = tpu.memref_slice %arg3[%mul3A_2] : memref<16384xi32, #tpu.memory_space<hbm>> -> memref<512xi32, #tpu.memory_space<hbm>>
      %dma_wait3A_357 = tpu.memref_slice %arg3[%mul3A_2] : memref<16384xi32, #tpu.memory_space<hbm>> -> memref<512xi32, #tpu.memory_space<hbm>>
      tpu.wait_dma2 semaphore(%run_scoped3A : memref<!tpu.dma_semaphore, #tpu.memory_space<semaphore_mem>>) src(%dma_wait3A_357 : memref<512xi32, #tpu.memory_space<hbm>>) dst(%arg12 : memref<512xi32, #tpu.memory_space<vmem>>)
      tpu.yield
    }) : () -> ()
    "tpu.region"() ({
      %run_scoped3A = tpu.sem_alloc : memref<!tpu.dma_semaphore, #tpu.memory_space<semaphore_mem>>
      tpu.enqueue_dma source(%arg6 : memref<16x64xf32, #tpu.memory_space<hbm>>) target(%arg18 : memref<16x64xf32, #tpu.memory_space<vmem>>) target_semaphore(%run_scoped3A : memref<!tpu.dma_semaphore, #tpu.memory_space<semaphore_mem>>)
      tpu.wait_dma2 semaphore(%run_scoped3A : memref<!tpu.dma_semaphore, #tpu.memory_space<semaphore_mem>>) src(%arg6 : memref<16x64xf32, #tpu.memory_space<hbm>>) dst(%arg18 : memref<16x64xf32, #tpu.memory_space<vmem>>)
      tpu.yield
    }) : () -> ()
    "tpu.region"() ({
      %run_scoped3A = tpu.sem_alloc : memref<!tpu.dma_semaphore, #tpu.memory_space<semaphore_mem>>
      tpu.enqueue_dma source(%arg7 : memref<16x64xf32, #tpu.memory_space<hbm>>) target(%arg19 : memref<16x64xf32, #tpu.memory_space<vmem>>) target_semaphore(%run_scoped3A : memref<!tpu.dma_semaphore, #tpu.memory_space<semaphore_mem>>)
      tpu.wait_dma2 semaphore(%run_scoped3A : memref<!tpu.dma_semaphore, #tpu.memory_space<semaphore_mem>>) src(%arg7 : memref<16x64xf32, #tpu.memory_space<hbm>>) dst(%arg19 : memref<16x64xf32, #tpu.memory_space<vmem>>)
      tpu.yield
    }) : () -> ()
    %iota3A = tpu.iota {dimensions = array<i32: 0>} : vector<16xi32>
    %get3A = arith.constant 0 : index
    %get3A_3 = tpu.vector_load %arg11[%get3A] {strides = array<i32>} : memref<512xi32, #tpu.memory_space<vmem>>, vector<16xi32>,
    %get3A_4 = arith.constant 0 : index
    %get3A_5 = tpu.vector_load %arg12[%get3A_4] {strides = array<i32>} : memref<512xi32, #tpu.memory_space<vmem>>, vector<16xi32>,
    %slice3A = vector.extract_strided_slice %get3A_3 {offsets = [0], sizes = [1], strides = [1]} : vector<16xi32> to vector<1xi32>
    %squeeze3A = vector.extract %slice3A[0] : i32 from vector<1xi32>
    %slice3A_6 = vector.extract_strided_slice %get3A_5 {offsets = [0], sizes = [1], strides = [1]} : vector<16xi32> to vector<1xi32>
    %squeeze3A_7 = vector.extract %slice3A_6[0] : i32 from vector<1xi32>
    %shift_right_arithmetic3A = arith.constant 7 : i32
    %shift_right_arithmetic3A_8 = arith.shrsi %squeeze3A, %shift_right_arithmetic3A : i32
    %shift_left3A = arith.constant 7 : i32
    %shift_left3A_9 = arith.shli %shift_right_arithmetic3A_8, %shift_left3A : i32
    %min3A = arith.constant 999808 : i32
    %min3A_10 = arith.minsi %shift_left3A_9, %min3A : i32
    %multiple_of3A = tpu.assume_multiple %min3A_10, 128 : i32
    %shift_right_arithmetic3A_11 = arith.constant 7 : i32
    %shift_right_arithmetic3A_12 = arith.shrsi %squeeze3A_7, %shift_right_arithmetic3A_11 : i32
    %shift_left3A_13 = arith.constant 7 : i32
    %shift_left3A_14 = arith.shli %shift_right_arithmetic3A_12, %shift_left3A_13 : i32
    %min3A_15 = arith.constant 999808 : i32
    %min3A_16 = arith.minsi %shift_left3A_14, %min3A_15 : i32
    %multiple_of3A_17 = tpu.assume_multiple %min3A_16, 128 : i32
    %dma_start3A = arith.constant 0 : i32
    %dma_start3A_18 = arith.constant 0 : i32
    %dma_start3A_19 = arith.constant 0 : i32
    %dma_start3A_20 = tpu.memref_slice %arg13[%dma_start3A, %dma_start3A_18, %dma_start3A_19] : memref<8x16x128xf32, #tpu.memory_space<vmem>> -> memref<1x16x128xf32, #tpu.memory_space<vmem>>
    %dma_start3A_21 = tpu.memref_squeeze %dma_start3A_20 : memref<1x16x128xf32, #tpu.memory_space<vmem>> -> memref<16x128xf32, #tpu.memory_space<vmem>>
    %dma_start3A_22 = arith.constant 0 : i32
    %dma_start3A_23 = tpu.memref_slice %arg4[%dma_start3A_22, %multiple_of3A] : memref<16x1000000xf32, #tpu.memory_space<hbm>> -> memref<16x128xf32, #tpu.memory_space<hbm>>
    %dma_start3A_24 = arith.constant 0 : i32
    %dma_start3A_25 = arith.constant 0 : i32
    %dma_start3A_26 = tpu.memref_slice %arg13[%dma_start3A, %dma_start3A_24, %dma_start3A_25] : memref<8x16x128xf32, #tpu.memory_space<vmem>> -> memref<1x16x128xf32, #tpu.memory_space<vmem>>
    %dma_start3A_27 = tpu.memref_squeeze %dma_start3A_26 : memref<1x16x128xf32, #tpu.memory_space<vmem>> -> memref<16x128xf32, #tpu.memory_space<vmem>>
    %dma_start3A_28 = arith.constant 0 : i32
    %dma_start3A_29 = tpu.memref_slice %arg4[%dma_start3A_28, %multiple_of3A] : memref<16x1000000xf32, #tpu.memory_space<hbm>> -> memref<16x128xf32, #tpu.memory_space<hbm>>
    tpu.enqueue_dma source(%dma_start3A_29 : memref<16x128xf32, #tpu.memory_space<hbm>>) target(%dma_start3A_27 : memref<16x128xf32, #tpu.memory_space<vmem>>) target_semaphore(%arg21 : memref<!tpu.dma_semaphore, #tpu.memory_space<semaphore_mem>>)
    %dma_start3A_30 = arith.constant 0 : i32
    %dma_start3A_31 = arith.constant 0 : i32
    %dma_start3A_32 = arith.constant 0 : i32
    %dma_start3A_33 = tpu.memref_slice %arg15[%dma_start3A_30, %dma_start3A_31, %dma_start3A_32] : memref<8x16x128xf32, #tpu.memory_space<vmem>> -> memref<1x16x128xf32, #tpu.memory_space<vmem>>
    %dma_start3A_34 = tpu.memref_squeeze %dma_start3A_33 : memref<1x16x128xf32, #tpu.memory_space<vmem>> -> memref<16x128xf32, #tpu.memory_space<vmem>>
    %dma_start3A_35 = arith.constant 0 : i32
    %dma_start3A_36 = tpu.memref_slice %arg5[%dma_start3A_35, %multiple_of3A_17] : memref<16x1000000xf32, #tpu.memory_space<hbm>> -> memref<16x128xf32, #tpu.memory_space<hbm>>
    %dma_start3A_37 = arith.constant 0 : i32
    %dma_start3A_38 = arith.constant 0 : i32
    %dma_start3A_39 = tpu.memref_slice %arg15[%dma_start3A_30, %dma_start3A_37, %dma_start3A_38] : memref<8x16x128xf32, #tpu.memory_space<vmem>> -> memref<1x16x128xf32, #tpu.memory_space<vmem>>
    %dma_start3A_40 = tpu.memref_squeeze %dma_start3A_39 : memref<1x16x128xf32, #tpu.memory_space<vmem>> -> memref<16x128xf32, #tpu.memory_space<vmem>>
    %dma_start3A_41 = arith.constant 0 : i32
    %dma_start3A_42 = tpu.memref_slice %arg5[%dma_start3A_41, %multiple_of3A_17] : memref<16x1000000xf32, #tpu.memory_space<hbm>> -> memref<16x128xf32, #tpu.memory_space<hbm>>
    tpu.enqueue_dma source(%dma_start3A_42 : memref<16x128xf32, #tpu.memory_space<hbm>>) target(%dma_start3A_40 : memref<16x128xf32, #tpu.memory_space<vmem>>) target_semaphore(%arg21 : memref<!tpu.dma_semaphore, #tpu.memory_space<semaphore_mem>>)
    %slice3A_43 = vector.extract_strided_slice %get3A_3 {offsets = [1], sizes = [1], strides = [1]} : vector<16xi32> to vector<1xi32>
    %squeeze3A_44 = vector.extract %slice3A_43[0] : i32 from vector<1xi32>
    %slice3A_45 = vector.extract_strided_slice %get3A_5 {offsets = [1], sizes = [1], strides = [1]} : vector<16xi32> to vector<1xi32>
    %squeeze3A_46 = vector.extract %slice3A_45[0] : i32 from vector<1xi32>
    %shift_right_arithmetic3A_47 = arith.constant 7 : i32
    %shift_right_arithmetic3A_48 = arith.shrsi %squeeze3A_44, %shift_right_arithmetic3A_47 : i32
    %shift_left3A_49 = arith.constant 7 : i32
    %shift_left3A_50 = arith.shli %shift_right_arithmetic3A_48, %shift_left3A_49 : i32
    %min3A_51 = arith.constant 999808 : i32
    %min3A_52 = arith.minsi %shift_left3A_50, %min3A_51 : i32
    %multiple_of3A_53 = tpu.assume_multiple %min3A_52, 128 : i32
    %shift_right_arithmetic3A_54 = arith.constant 7 : i32
    %shift_right_arithmetic3A_55 = arith.shrsi %squeeze3A_46, %shift_right_arithmetic3A_54 : i32
    %shift_left3A_56 = arith.constant 7 : i32
    %shift_left3A_57 = arith.shli %shift_right_arithmetic3A_55, %shift_left3A_56 : i32
    %min3A_58 = arith.constant 999808 : i32
    %min3A_59 = arith.minsi %shift_left3A_57, %min3A_58 : i32
    %multiple_of3A_60 = tpu.assume_multiple %min3A_59, 128 : i32
    %dma_start3A_61 = arith.constant 1 : i32
    %dma_start3A_62 = arith.constant 0 : i32
    %dma_start3A_63 = arith.constant 0 : i32
    %dma_start3A_64 = tpu.memref_slice %arg13[%dma_start3A_61, %dma_start3A_62, %dma_start3A_63] : memref<8x16x128xf32, #tpu.memory_space<vmem>> -> memref<1x16x128xf32, #tpu.memory_space<vmem>>
    %dma_start3A_65 = tpu.memref_squeeze %dma_start3A_64 : memref<1x16x128xf32, #tpu.memory_space<vmem>> -> memref<16x128xf32, #tpu.memory_space<vmem>>
    %dma_start3A_66 = arith.constant 0 : i32
    %dma_start3A_67 = tpu.memref_slice %arg4[%dma_start3A_66, %multiple_of3A_53] : memref<16x1000000xf32, #tpu.memory_space<hbm>> -> memref<16x128xf32, #tpu.memory_space<hbm>>
    %dma_start3A_68 = arith.constant 0 : i32
    %dma_start3A_69 = arith.constant 0 : i32
    %dma_start3A_70 = tpu.memref_slice %arg13[%dma_start3A_61, %dma_start3A_68, %dma_start3A_69] : memref<8x16x128xf32, #tpu.memory_space<vmem>> -> memref<1x16x128xf32, #tpu.memory_space<vmem>>
    %dma_start3A_71 = tpu.memref_squeeze %dma_start3A_70 : memref<1x16x128xf32, #tpu.memory_space<vmem>> -> memref<16x128xf32, #tpu.memory_space<vmem>>
    %dma_start3A_72 = arith.constant 0 : i32
    %dma_start3A_73 = tpu.memref_slice %arg4[%dma_start3A_72, %multiple_of3A_53] : memref<16x1000000xf32, #tpu.memory_space<hbm>> -> memref<16x128xf32, #tpu.memory_space<hbm>>
    tpu.enqueue_dma source(%dma_start3A_73 : memref<16x128xf32, #tpu.memory_space<hbm>>) target(%dma_start3A_71 : memref<16x128xf32, #tpu.memory_space<vmem>>) target_semaphore(%arg21 : memref<!tpu.dma_semaphore, #tpu.memory_space<semaphore_mem>>)
    %dma_start3A_74 = arith.constant 1 : i32
    %dma_start3A_75 = arith.constant 0 : i32
    %dma_start3A_76 = arith.constant 0 : i32
    %dma_start3A_77 = tpu.memref_slice %arg15[%dma_start3A_74, %dma_start3A_75, %dma_start3A_76] : memref<8x16x128xf32, #tpu.memory_space<vmem>> -> memref<1x16x128xf32, #tpu.memory_space<vmem>>
    %dma_start3A_78 = tpu.memref_squeeze %dma_start3A_77 : memref<1x16x128xf32, #tpu.memory_space<vmem>> -> memref<16x128xf32, #tpu.memory_space<vmem>>
    %dma_start3A_79 = arith.constant 0 : i32
    %dma_start3A_80 = tpu.memref_slice %arg5[%dma_start3A_79, %multiple_of3A_60] : memref<16x1000000xf32, #tpu.memory_space<hbm>> -> memref<16x128xf32, #tpu.memory_space<hbm>>
    %dma_start3A_81 = arith.constant 0 : i32
    %dma_start3A_82 = arith.constant 0 : i32
    %dma_start3A_83 = tpu.memref_slice %arg15[%dma_start3A_74, %dma_start3A_81, %dma_start3A_82] : memref<8x16x128xf32, #tpu.memory_space<vmem>> -> memref<1x16x128xf32, #tpu.memory_space<vmem>>
    %dma_start3A_84 = tpu.memref_squeeze %dma_start3A_83 : memref<1x16x128xf32, #tpu.memory_space<vmem>> -> memref<16x128xf32, #tpu.memory_space<vmem>>
    %dma_start3A_85 = arith.constant 0 : i32
    %dma_start3A_86 = tpu.memref_slice %arg5[%dma_start3A_85, %multiple_of3A_60] : memref<16x1000000xf32, #tpu.memory_space<hbm>> -> memref<16x128xf32, #tpu.memory_space<hbm>>
    tpu.enqueue_dma source(%dma_start3A_86 : memref<16x128xf32, #tpu.memory_space<hbm>>) target(%dma_start3A_84 : memref<16x128xf32, #tpu.memory_space<vmem>>) target_semaphore(%arg21 : memref<!tpu.dma_semaphore, #tpu.memory_space<semaphore_mem>>)
    %slice3A_87 = vector.extract_strided_slice %get3A_3 {offsets = [2], sizes = [1], strides = [1]} : vector<16xi32> to vector<1xi32>
    %squeeze3A_88 = vector.extract %slice3A_87[0] : i32 from vector<1xi32>
    %slice3A_89 = vector.extract_strided_slice %get3A_5 {offsets = [2], sizes = [1], strides = [1]} : vector<16xi32> to vector<1xi32>
    %squeeze3A_90 = vector.extract %slice3A_89[0] : i32 from vector<1xi32>
    %shift_right_arithmetic3A_91 = arith.constant 7 : i32
    %shift_right_arithmetic3A_92 = arith.shrsi %squeeze3A_88, %shift_right_arithmetic3A_91 : i32
    %shift_left3A_93 = arith.constant 7 : i32
    %shift_left3A_94 = arith.shli %shift_right_arithmetic3A_92, %shift_left3A_93 : i32
    %min3A_95 = arith.constant 999808 : i32
    %min3A_96 = arith.minsi %shift_left3A_94, %min3A_95 : i32
    %multiple_of3A_97 = tpu.assume_multiple %min3A_96, 128 : i32
    %shift_right_arithmetic3A_98 = arith.constant 7 : i32
    %shift_right_arithmetic3A_99 = arith.shrsi %squeeze3A_90, %shift_right_arithmetic3A_98 : i32
    %shift_left3A_100 = arith.constant 7 : i32
    %shift_left3A_101 = arith.shli %shift_right_arithmetic3A_99, %shift_left3A_100 : i32
    %min3A_102 = arith.constant 999808 : i32
    %min3A_103 = arith.minsi %shift_left3A_101, %min3A_102 : i32
    %multiple_of3A_104 = tpu.assume_multiple %min3A_103, 128 : i32
    %dma_start3A_105 = arith.constant 2 : i32
    %dma_start3A_106 = arith.constant 0 : i32
    %dma_start3A_107 = arith.constant 0 : i32
    %dma_start3A_108 = tpu.memref_slice %arg13[%dma_start3A_105, %dma_start3A_106, %dma_start3A_107] : memref<8x16x128xf32, #tpu.memory_space<vmem>> -> memref<1x16x128xf32, #tpu.memory_space<vmem>>
    %dma_start3A_109 = tpu.memref_squeeze %dma_start3A_108 : memref<1x16x128xf32, #tpu.memory_space<vmem>> -> memref<16x128xf32, #tpu.memory_space<vmem>>
    %dma_start3A_110 = arith.constant 0 : i32
    %dma_start3A_111 = tpu.memref_slice %arg4[%dma_start3A_110, %multiple_of3A_97] : memref<16x1000000xf32, #tpu.memory_space<hbm>> -> memref<16x128xf32, #tpu.memory_space<hbm>>
    %dma_start3A_112 = arith.constant 0 : i32
    %dma_start3A_113 = arith.constant 0 : i32
    %dma_start3A_114 = tpu.memref_slice %arg13[%dma_start3A_105, %dma_start3A_112, %dma_start3A_113] : memref<8x16x128xf32, #tpu.memory_space<vmem>> -> memref<1x16x128xf32, #tpu.memory_space<vmem>>
    %dma_start3A_115 = tpu.memref_squeeze %dma_start3A_114 : memref<1x16x128xf32, #tpu.memory_space<vmem>> -> memref<16x128xf32, #tpu.memory_space<vmem>>
    %dma_start3A_116 = arith.constant 0 : i32
    %dma_start3A_117 = tpu.memref_slice %arg4[%dma_start3A_116, %multiple_of3A_97] : memref<16x1000000xf32, #tpu.memory_space<hbm>> -> memref<16x128xf32, #tpu.memory_space<hbm>>
    tpu.enqueue_dma source(%dma_start3A_117 : memref<16x128xf32, #tpu.memory_space<hbm>>) target(%dma_start3A_115 : memref<16x128xf32, #tpu.memory_space<vmem>>) target_semaphore(%arg21 : memref<!tpu.dma_semaphore, #tpu.memory_space<semaphore_mem>>)
    %dma_start3A_118 = arith.constant 2 : i32
    %dma_start3A_119 = arith.constant 0 : i32
    %dma_start3A_120 = arith.constant 0 : i32
    %dma_start3A_121 = tpu.memref_slice %arg15[%dma_start3A_118, %dma_start3A_119, %dma_start3A_120] : memref<8x16x128xf32, #tpu.memory_space<vmem>> -> memref<1x16x128xf32, #tpu.memory_space<vmem>>
    %dma_start3A_122 = tpu.memref_squeeze %dma_start3A_121 : memref<1x16x128xf32, #tpu.memory_space<vmem>> -> memref<16x128xf32, #tpu.memory_space<vmem>>
    %dma_start3A_123 = arith.constant 0 : i32
    %dma_start3A_124 = tpu.memref_slice %arg5[%dma_start3A_123, %multiple_of3A_104] : memref<16x1000000xf32, #tpu.memory_space<hbm>> -> memref<16x128xf32, #tpu.memory_space<hbm>>
    %dma_start3A_125 = arith.constant 0 : i32
    %dma_start3A_126 = arith.constant 0 : i32
    %dma_start3A_127 = tpu.memref_slice %arg15[%dma_start3A_118, %dma_start3A_125, %dma_start3A_126] : memref<8x16x128xf32, #tpu.memory_space<vmem>> -> memref<1x16x128xf32, #tpu.memory_space<vmem>>
    %dma_start3A_128 = tpu.memref_squeeze %dma_start3A_127 : memref<1x16x128xf32, #tpu.memory_space<vmem>> -> memref<16x128xf32, #tpu.memory_space<vmem>>
    %dma_start3A_129 = arith.constant 0 : i32
    %dma_start3A_130 = tpu.memref_slice %arg5[%dma_start3A_129, %multiple_of3A_104] : memref<16x1000000xf32, #tpu.memory_space<hbm>> -> memref<16x128xf32, #tpu.memory_space<hbm>>
    tpu.enqueue_dma source(%dma_start3A_130 : memref<16x128xf32, #tpu.memory_space<hbm>>) target(%dma_start3A_128 : memref<16x128xf32, #tpu.memory_space<vmem>>) target_semaphore(%arg21 : memref<!tpu.dma_semaphore, #tpu.memory_space<semaphore_mem>>)
    %slice3A_131 = vector.extract_strided_slice %get3A_3 {offsets = [3], sizes = [1], strides = [1]} : vector<16xi32> to vector<1xi32>
    %squeeze3A_132 = vector.extract %slice3A_131[0] : i32 from vector<1xi32>
    %slice3A_133 = vector.extract_strided_slice %get3A_5 {offsets = [3], sizes = [1], strides = [1]} : vector<16xi32> to vector<1xi32>
    %squeeze3A_134 = vector.extract %slice3A_133[0] : i32 from vector<1xi32>
    %shift_right_arithmetic3A_135 = arith.constant 7 : i32
    %shift_right_arithmetic3A_136 = arith.shrsi %squeeze3A_132, %shift_right_arithmetic3A_135 : i32
    %shift_left3A_137 = arith.constant 7 : i32
    %shift_left3A_138 = arith.shli %shift_right_arithmetic3A_136, %shift_left3A_137 : i32
    %min3A_139 = arith.constant 999808 : i32
    %min3A_140 = arith.minsi %shift_left3A_138, %min3A_139 : i32
    %multiple_of3A_141 = tpu.assume_multiple %min3A_140, 128 : i32
    %shift_right_arithmetic3A_142 = arith.constant 7 : i32
    %shift_right_arithmetic3A_143 = arith.shrsi %squeeze3A_134, %shift_right_arithmetic3A_142 : i32
    %shift_left3A_144 = arith.constant 7 : i32
    %shift_left3A_145 = arith.shli %shift_right_arithmetic3A_143, %shift_left3A_144 : i32
    %min3A_146 = arith.constant 999808 : i32
    %min3A_147 = arith.minsi %shift_left3A_145, %min3A_146 : i32
    %multiple_of3A_148 = tpu.assume_multiple %min3A_147, 128 : i32
    %dma_start3A_149 = arith.constant 3 : i32
    %dma_start3A_150 = arith.constant 0 : i32
    %dma_start3A_151 = arith.constant 0 : i32
    %dma_start3A_152 = tpu.memref_slice %arg13[%dma_start3A_149, %dma_start3A_150, %dma_start3A_151] : memref<8x16x128xf32, #tpu.memory_space<vmem>> -> memref<1x16x128xf32, #tpu.memory_space<vmem>>
    %dma_start3A_153 = tpu.memref_squeeze %dma_start3A_152 : memref<1x16x128xf32, #tpu.memory_space<vmem>> -> memref<16x128xf32, #tpu.memory_space<vmem>>
    %dma_start3A_154 = arith.constant 0 : i32
    %dma_start3A_155 = tpu.memref_slice %arg4[%dma_start3A_154, %multiple_of3A_141] : memref<16x1000000xf32, #tpu.memory_space<hbm>> -> memref<16x128xf32, #tpu.memory_space<hbm>>
    %dma_start3A_156 = arith.constant 0 : i32
    %dma_start3A_157 = arith.constant 0 : i32
    %dma_start3A_158 = tpu.memref_slice %arg13[%dma_start3A_149, %dma_start3A_156, %dma_start3A_157] : memref<8x16x128xf32, #tpu.memory_space<vmem>> -> memref<1x16x128xf32, #tpu.memory_space<vmem>>
    %dma_start3A_159 = tpu.memref_squeeze %dma_start3A_158 : memref<1x16x128xf32, #tpu.memory_space<vmem>> -> memref<16x128xf32, #tpu.memory_space<vmem>>
    %dma_start3A_160 = arith.constant 0 : i32
    %dma_start3A_161 = tpu.memref_slice %arg4[%dma_start3A_160, %multiple_of3A_141] : memref<16x1000000xf32, #tpu.memory_space<hbm>> -> memref<16x128xf32, #tpu.memory_space<hbm>>
    tpu.enqueue_dma source(%dma_start3A_161 : memref<16x128xf32, #tpu.memory_space<hbm>>) target(%dma_start3A_159 : memref<16x128xf32, #tpu.memory_space<vmem>>) target_semaphore(%arg21 : memref<!tpu.dma_semaphore, #tpu.memory_space<semaphore_mem>>)
    %dma_start3A_162 = arith.constant 3 : i32
    %dma_start3A_163 = arith.constant 0 : i32
    %dma_start3A_164 = arith.constant 0 : i32
    %dma_start3A_165 = tpu.memref_slice %arg15[%dma_start3A_162, %dma_start3A_163, %dma_start3A_164] : memref<8x16x128xf32, #tpu.memory_space<vmem>> -> memref<1x16x128xf32, #tpu.memory_space<vmem>>
    %dma_start3A_166 = tpu.memref_squeeze %dma_start3A_165 : memref<1x16x128xf32, #tpu.memory_space<vmem>> -> memref<16x128xf32, #tpu.memory_space<vmem>>
    %dma_start3A_167 = arith.constant 0 : i32
    %dma_start3A_168 = tpu.memref_slice %arg5[%dma_start3A_167, %multiple_of3A_148] : memref<16x1000000xf32, #tpu.memory_space<hbm>> -> memref<16x128xf32, #tpu.memory_space<hbm>>
    %dma_start3A_169 = arith.constant 0 : i32
    %dma_start3A_170 = arith.constant 0 : i32
    %dma_start3A_171 = tpu.memref_slice %arg15[%dma_start3A_162, %dma_start3A_169, %dma_start3A_170] : memref<8x16x128xf32, #tpu.memory_space<vmem>> -> memref<1x16x128xf32, #tpu.memory_space<vmem>>
    %dma_start3A_172 = tpu.memref_squeeze %dma_start3A_171 : memref<1x16x128xf32, #tpu.memory_space<vmem>> -> memref<16x128xf32, #tpu.memory_space<vmem>>
    %dma_start3A_173 = arith.constant 0 : i32
    %dma_start3A_174 = tpu.memref_slice %arg5[%dma_start3A_173, %multiple_of3A_148] : memref<16x1000000xf32, #tpu.memory_space<hbm>> -> memref<16x128xf32, #tpu.memory_space<hbm>>
    tpu.enqueue_dma source(%dma_start3A_174 : memref<16x128xf32, #tpu.memory_space<hbm>>) target(%dma_start3A_172 : memref<16x128xf32, #tpu.memory_space<vmem>>) target_semaphore(%arg21 : memref<!tpu.dma_semaphore, #tpu.memory_space<semaphore_mem>>)
    %slice3A_175 = vector.extract_strided_slice %get3A_3 {offsets = [4], sizes = [1], strides = [1]} : vector<16xi32> to vector<1xi32>
    %squeeze3A_176 = vector.extract %slice3A_175[0] : i32 from vector<1xi32>
    %slice3A_177 = vector.extract_strided_slice %get3A_5 {offsets = [4], sizes = [1], strides = [1]} : vector<16xi32> to vector<1xi32>
    %squeeze3A_178 = vector.extract %slice3A_177[0] : i32 from vector<1xi32>
    %shift_right_arithmetic3A_179 = arith.constant 7 : i32
    %shift_right_arithmetic3A_180 = arith.shrsi %squeeze3A_176, %shift_right_arithmetic3A_179 : i32
    %shift_left3A_181 = arith.constant 7 : i32
    %shift_left3A_182 = arith.shli %shift_right_arithmetic3A_180, %shift_left3A_181 : i32
    %min3A_183 = arith.constant 999808 : i32
    %min3A_184 = arith.minsi %shift_left3A_182, %min3A_183 : i32
    %multiple_of3A_185 = tpu.assume_multiple %min3A_184, 128 : i32
    %shift_right_arithmetic3A_186 = arith.constant 7 : i32
    %shift_right_arithmetic3A_187 = arith.shrsi %squeeze3A_178, %shift_right_arithmetic3A_186 : i32
    %shift_left3A_188 = arith.constant 7 : i32
    %shift_left3A_189 = arith.shli %shift_right_arithmetic3A_187, %shift_left3A_188 : i32
    %min3A_190 = arith.constant 999808 : i32
    %min3A_191 = arith.minsi %shift_left3A_189, %min3A_190 : i32
    %multiple_of3A_192 = tpu.assume_multiple %min3A_191, 128 : i32
    %dma_start3A_193 = arith.constant 4 : i32
    %dma_start3A_194 = arith.constant 0 : i32
    %dma_start3A_195 = arith.constant 0 : i32
    %dma_start3A_196 = tpu.memref_slice %arg13[%dma_start3A_193, %dma_start3A_194, %dma_start3A_195] : memref<8x16x128xf32, #tpu.memory_space<vmem>> -> memref<1x16x128xf32, #tpu.memory_space<vmem>>
    %dma_start3A_197 = tpu.memref_squeeze %dma_start3A_196 : memref<1x16x128xf32, #tpu.memory_space<vmem>> -> memref<16x128xf32, #tpu.memory_space<vmem>>
    %dma_start3A_198 = arith.constant 0 : i32
    %dma_start3A_199 = tpu.memref_slice %arg4[%dma_start3A_198, %multiple_of3A_185] : memref<16x1000000xf32, #tpu.memory_space<hbm>> -> memref<16x128xf32, #tpu.memory_space<hbm>>
    %dma_start3A_200 = arith.constant 0 : i32
    %dma_start3A_201 = arith.constant 0 : i32
    %dma_start3A_202 = tpu.memref_slice %arg13[%dma_start3A_193, %dma_start3A_200, %dma_start3A_201] : memref<8x16x128xf32, #tpu.memory_space<vmem>> -> memref<1x16x128xf32, #tpu.memory_space<vmem>>
    %dma_start3A_203 = tpu.memref_squeeze %dma_start3A_202 : memref<1x16x128xf32, #tpu.memory_space<vmem>> -> memref<16x128xf32, #tpu.memory_space<vmem>>
    %dma_start3A_204 = arith.constant 0 : i32
    %dma_start3A_205 = tpu.memref_slice %arg4[%dma_start3A_204, %multiple_of3A_185] : memref<16x1000000xf32, #tpu.memory_space<hbm>> -> memref<16x128xf32, #tpu.memory_space<hbm>>
    tpu.enqueue_dma source(%dma_start3A_205 : memref<16x128xf32, #tpu.memory_space<hbm>>) target(%dma_start3A_203 : memref<16x128xf32, #tpu.memory_space<vmem>>) target_semaphore(%arg21 : memref<!tpu.dma_semaphore, #tpu.memory_space<semaphore_mem>>)
    %dma_start3A_206 = arith.constant 4 : i32
    %dma_start3A_207 = arith.constant 0 : i32
    %dma_start3A_208 = arith.constant 0 : i32
    %dma_start3A_209 = tpu.memref_slice %arg15[%dma_start3A_206, %dma_start3A_207, %dma_start3A_208] : memref<8x16x128xf32, #tpu.memory_space<vmem>> -> memref<1x16x128xf32, #tpu.memory_space<vmem>>
    %dma_start3A_210 = tpu.memref_squeeze %dma_start3A_209 : memref<1x16x128xf32, #tpu.memory_space<vmem>> -> memref<16x128xf32, #tpu.memory_space<vmem>>
    %dma_start3A_211 = arith.constant 0 : i32
    %dma_start3A_212 = tpu.memref_slice %arg5[%dma_start3A_211, %multiple_of3A_192] : memref<16x1000000xf32, #tpu.memory_space<hbm>> -> memref<16x128xf32, #tpu.memory_space<hbm>>
    %dma_start3A_213 = arith.constant 0 : i32
    %dma_start3A_214 = arith.constant 0 : i32
    %dma_start3A_215 = tpu.memref_slice %arg15[%dma_start3A_206, %dma_start3A_213, %dma_start3A_214] : memref<8x16x128xf32, #tpu.memory_space<vmem>> -> memref<1x16x128xf32, #tpu.memory_space<vmem>>
    %dma_start3A_216 = tpu.memref_squeeze %dma_start3A_215 : memref<1x16x128xf32, #tpu.memory_space<vmem>> -> memref<16x128xf32, #tpu.memory_space<vmem>>
    %dma_start3A_217 = arith.constant 0 : i32
    %dma_start3A_218 = tpu.memref_slice %arg5[%dma_start3A_217, %multiple_of3A_192] : memref<16x1000000xf32, #tpu.memory_space<hbm>> -> memref<16x128xf32, #tpu.memory_space<hbm>>
    tpu.enqueue_dma source(%dma_start3A_218 : memref<16x128xf32, #tpu.memory_space<hbm>>) target(%dma_start3A_216 : memref<16x128xf32, #tpu.memory_space<vmem>>) target_semaphore(%arg21 : memref<!tpu.dma_semaphore, #tpu.memory_space<semaphore_mem>>)
    %slice3A_219 = vector.extract_strided_slice %get3A_3 {offsets = [5], sizes = [1], strides = [1]} : vector<16xi32> to vector<1xi32>
    %squeeze3A_220 = vector.extract %slice3A_219[0] : i32 from vector<1xi32>
    %slice3A_221 = vector.extract_strided_slice %get3A_5 {offsets = [5], sizes = [1], strides = [1]} : vector<16xi32> to vector<1xi32>
    %squeeze3A_222 = vector.extract %slice3A_221[0] : i32 from vector<1xi32>
    %shift_right_arithmetic3A_223 = arith.constant 7 : i32
    %shift_right_arithmetic3A_224 = arith.shrsi %squeeze3A_220, %shift_right_arithmetic3A_223 : i32
    %shift_left3A_225 = arith.constant 7 : i32
    %shift_left3A_226 = arith.shli %shift_right_arithmetic3A_224, %shift_left3A_225 : i32
    %min3A_227 = arith.constant 999808 : i32
    %min3A_228 = arith.minsi %shift_left3A_226, %min3A_227 : i32
    %multiple_of3A_229 = tpu.assume_multiple %min3A_228, 128 : i32
    %shift_right_arithmetic3A_230 = arith.constant 7 : i32
    %shift_right_arithmetic3A_231 = arith.shrsi %squeeze3A_222, %shift_right_arithmetic3A_230 : i32
    %shift_left3A_232 = arith.constant 7 : i32
    %shift_left3A_233 = arith.shli %shift_right_arithmetic3A_231, %shift_left3A_232 : i32
    %min3A_234 = arith.constant 999808 : i32
    %min3A_235 = arith.minsi %shift_left3A_233, %min3A_234 : i32
    %multiple_of3A_236 = tpu.assume_multiple %min3A_235, 128 : i32
    %dma_start3A_237 = arith.constant 5 : i32
    %dma_start3A_238 = arith.constant 0 : i32
    %dma_start3A_239 = arith.constant 0 : i32
    %dma_start3A_240 = tpu.memref_slice %arg13[%dma_start3A_237, %dma_start3A_238, %dma_start3A_239] : memref<8x16x128xf32, #tpu.memory_space<vmem>> -> memref<1x16x128xf32, #tpu.memory_space<vmem>>
    %dma_start3A_241 = tpu.memref_squeeze %dma_start3A_240 : memref<1x16x128xf32, #tpu.memory_space<vmem>> -> memref<16x128xf32, #tpu.memory_space<vmem>>
    %dma_start3A_242 = arith.constant 0 : i32
    %dma_start3A_243 = tpu.memref_slice %arg4[%dma_start3A_242, %multiple_of3A_229] : memref<16x1000000xf32, #tpu.memory_space<hbm>> -> memref<16x128xf32, #tpu.memory_space<hbm>>
    %dma_start3A_244 = arith.constant 0 : i32
    %dma_start3A_245 = arith.constant 0 : i32
    %dma_start3A_246 = tpu.memref_slice %arg13[%dma_start3A_237, %dma_start3A_244, %dma_start3A_245] : memref<8x16x128xf32, #tpu.memory_space<vmem>> -> memref<1x16x128xf32, #tpu.memory_space<vmem>>
    %dma_start3A_247 = tpu.memref_squeeze %dma_start3A_246 : memref<1x16x128xf32, #tpu.memory_space<vmem>> -> memref<16x128xf32, #tpu.memory_space<vmem>>
    %dma_start3A_248 = arith.constant 0 : i32
    %dma_start3A_249 = tpu.memref_slice %arg4[%dma_start3A_248, %multiple_of3A_229] : memref<16x1000000xf32, #tpu.memory_space<hbm>> -> memref<16x128xf32, #tpu.memory_space<hbm>>
    tpu.enqueue_dma source(%dma_start3A_249 : memref<16x128xf32, #tpu.memory_space<hbm>>) target(%dma_start3A_247 : memref<16x128xf32, #tpu.memory_space<vmem>>) target_semaphore(%arg21 : memref<!tpu.dma_semaphore, #tpu.memory_space<semaphore_mem>>)
    %dma_start3A_250 = arith.constant 5 : i32
    %dma_start3A_251 = arith.constant 0 : i32
    %dma_start3A_252 = arith.constant 0 : i32
    %dma_start3A_253 = tpu.memref_slice %arg15[%dma_start3A_250, %dma_start3A_251, %dma_start3A_252] : memref<8x16x128xf32, #tpu.memory_space<vmem>> -> memref<1x16x128xf32, #tpu.memory_space<vmem>>
    %dma_start3A_254 = tpu.memref_squeeze %dma_start3A_253 : memref<1x16x128xf32, #tpu.memory_space<vmem>> -> memref<16x128xf32, #tpu.memory_space<vmem>>
    %dma_start3A_255 = arith.constant 0 : i32
    %dma_start3A_256 = tpu.memref_slice %arg5[%dma_start3A_255, %multiple_of3A_236] : memref<16x1000000xf32, #tpu.memory_space<hbm>> -> memref<16x128xf32, #tpu.memory_space<hbm>>
    %dma_start3A_257 = arith.constant 0 : i32
    %dma_start3A_258 = arith.constant 0 : i32
    %dma_start3A_259 = tpu.memref_slice %arg15[%dma_start3A_250, %dma_start3A_257, %dma_start3A_258] : memref<8x16x128xf32, #tpu.memory_space<vmem>> -> memref<1x16x128xf32, #tpu.memory_space<vmem>>
    %dma_start3A_260 = tpu.memref_squeeze %dma_start3A_259 : memref<1x16x128xf32, #tpu.memory_space<vmem>> -> memref<16x128xf32, #tpu.memory_space<vmem>>
    %dma_start3A_261 = arith.constant 0 : i32
    %dma_start3A_262 = tpu.memref_slice %arg5[%dma_start3A_261, %multiple_of3A_236] : memref<16x1000000xf32, #tpu.memory_space<hbm>> -> memref<16x128xf32, #tpu.memory_space<hbm>>
    tpu.enqueue_dma source(%dma_start3A_262 : memref<16x128xf32, #tpu.memory_space<hbm>>) target(%dma_start3A_260 : memref<16x128xf32, #tpu.memory_space<vmem>>) target_semaphore(%arg21 : memref<!tpu.dma_semaphore, #tpu.memory_space<semaphore_mem>>)
    %slice3A_263 = vector.extract_strided_slice %get3A_3 {offsets = [6], sizes = [1], strides = [1]} : vector<16xi32> to vector<1xi32>
    %squeeze3A_264 = vector.extract %slice3A_263[0] : i32 from vector<1xi32>
    %slice3A_265 = vector.extract_strided_slice %get3A_5 {offsets = [6], sizes = [1], strides = [1]} : vector<16xi32> to vector<1xi32>
    %squeeze3A_266 = vector.extract %slice3A_265[0] : i32 from vector<1xi32>
    %shift_right_arithmetic3A_267 = arith.constant 7 : i32
    %shift_right_arithmetic3A_268 = arith.shrsi %squeeze3A_264, %shift_right_arithmetic3A_267 : i32
    %shift_left3A_269 = arith.constant 7 : i32
    %shift_left3A_270 = arith.shli %shift_right_arithmetic3A_268, %shift_left3A_269 : i32
    %min3A_271 = arith.constant 999808 : i32
    %min3A_272 = arith.minsi %shift_left3A_270, %min3A_271 : i32
    %multiple_of3A_273 = tpu.assume_multiple %min3A_272, 128 : i32
    %shift_right_arithmetic3A_274 = arith.constant 7 : i32
    %shift_right_arithmetic3A_275 = arith.shrsi %squeeze3A_266, %shift_right_arithmetic3A_274 : i32
    %shift_left3A_276 = arith.constant 7 : i32
    %shift_left3A_277 = arith.shli %shift_right_arithmetic3A_275, %shift_left3A_276 : i32
    %min3A_278 = arith.constant 999808 : i32
    %min3A_279 = arith.minsi %shift_left3A_277, %min3A_278 : i32
    %multiple_of3A_280 = tpu.assume_multiple %min3A_279, 128 : i32
    %dma_start3A_281 = arith.constant 6 : i32
    %dma_start3A_282 = arith.constant 0 : i32
    %dma_start3A_283 = arith.constant 0 : i32
    %dma_start3A_284 = tpu.memref_slice %arg13[%dma_start3A_281, %dma_start3A_282, %dma_start3A_283] : memref<8x16x128xf32, #tpu.memory_space<vmem>> -> memref<1x16x128xf32, #tpu.memory_space<vmem>>
    %dma_start3A_285 = tpu.memref_squeeze %dma_start3A_284 : memref<1x16x128xf32, #tpu.memory_space<vmem>> -> memref<16x128xf32, #tpu.memory_space<vmem>>
    %dma_start3A_286 = arith.constant 0 : i32
    %dma_start3A_287 = tpu.memref_slice %arg4[%dma_start3A_286, %multiple_of3A_273] : memref<16x1000000xf32, #tpu.memory_space<hbm>> -> memref<16x128xf32, #tpu.memory_space<hbm>>
    %dma_start3A_288 = arith.constant 0 : i32
    %dma_start3A_289 = arith.constant 0 : i32
    %dma_start3A_290 = tpu.memref_slice %arg13[%dma_start3A_281, %dma_start3A_288, %dma_start3A_289] : memref<8x16x128xf32, #tpu.memory_space<vmem>> -> memref<1x16x128xf32, #tpu.memory_space<vmem>>
    %dma_start3A_291 = tpu.memref_squeeze %dma_start3A_290 : memref<1x16x128xf32, #tpu.memory_space<vmem>> -> memref<16x128xf32, #tpu.memory_space<vmem>>
    %dma_start3A_292 = arith.constant 0 : i32
    %dma_start3A_293 = tpu.memref_slice %arg4[%dma_start3A_292, %multiple_of3A_273] : memref<16x1000000xf32, #tpu.memory_space<hbm>> -> memref<16x128xf32, #tpu.memory_space<hbm>>
    tpu.enqueue_dma source(%dma_start3A_293 : memref<16x128xf32, #tpu.memory_space<hbm>>) target(%dma_start3A_291 : memref<16x128xf32, #tpu.memory_space<vmem>>) target_semaphore(%arg21 : memref<!tpu.dma_semaphore, #tpu.memory_space<semaphore_mem>>)
    %dma_start3A_294 = arith.constant 6 : i32
    %dma_start3A_295 = arith.constant 0 : i32
    %dma_start3A_296 = arith.constant 0 : i32
    %dma_start3A_297 = tpu.memref_slice %arg15[%dma_start3A_294, %dma_start3A_295, %dma_start3A_296] : memref<8x16x128xf32, #tpu.memory_space<vmem>> -> memref<1x16x128xf32, #tpu.memory_space<vmem>>
    %dma_start3A_298 = tpu.memref_squeeze %dma_start3A_297 : memref<1x16x128xf32, #tpu.memory_space<vmem>> -> memref<16x128xf32, #tpu.memory_space<vmem>>
    %dma_start3A_299 = arith.constant 0 : i32
    %dma_start3A_300 = tpu.memref_slice %arg5[%dma_start3A_299, %multiple_of3A_280] : memref<16x1000000xf32, #tpu.memory_space<hbm>> -> memref<16x128xf32, #tpu.memory_space<hbm>>
    %dma_start3A_301 = arith.constant 0 : i32
    %dma_start3A_302 = arith.constant 0 : i32
    %dma_start3A_303 = tpu.memref_slice %arg15[%dma_start3A_294, %dma_start3A_301, %dma_start3A_302] : memref<8x16x128xf32, #tpu.memory_space<vmem>> -> memref<1x16x128xf32, #tpu.memory_space<vmem>>
    %dma_start3A_304 = tpu.memref_squeeze %dma_start3A_303 : memref<1x16x128xf32, #tpu.memory_space<vmem>> -> memref<16x128xf32, #tpu.memory_space<vmem>>
    %dma_start3A_305 = arith.constant 0 : i32
    %dma_start3A_306 = tpu.memref_slice %arg5[%dma_start3A_305, %multiple_of3A_280] : memref<16x1000000xf32, #tpu.memory_space<hbm>> -> memref<16x128xf32, #tpu.memory_space<hbm>>
    tpu.enqueue_dma source(%dma_start3A_306 : memref<16x128xf32, #tpu.memory_space<hbm>>) target(%dma_start3A_304 : memref<16x128xf32, #tpu.memory_space<vmem>>) target_semaphore(%arg21 : memref<!tpu.dma_semaphore, #tpu.memory_space<semaphore_mem>>)
    %slice3A_307 = vector.extract_strided_slice %get3A_3 {offsets = [7], sizes = [1], strides = [1]} : vector<16xi32> to vector<1xi32>
    %squeeze3A_308 = vector.extract %slice3A_307[0] : i32 from vector<1xi32>
    %slice3A_309 = vector.extract_strided_slice %get3A_5 {offsets = [7], sizes = [1], strides = [1]} : vector<16xi32> to vector<1xi32>
    %squeeze3A_310 = vector.extract %slice3A_309[0] : i32 from vector<1xi32>
    %shift_right_arithmetic3A_311 = arith.constant 7 : i32
    %shift_right_arithmetic3A_312 = arith.shrsi %squeeze3A_308, %shift_right_arithmetic3A_311 : i32
    %shift_left3A_313 = arith.constant 7 : i32
    %shift_left3A_314 = arith.shli %shift_right_arithmetic3A_312, %shift_left3A_313 : i32
    %min3A_315 = arith.constant 999808 : i32
    %min3A_316 = arith.minsi %shift_left3A_314, %min3A_315 : i32
    %multiple_of3A_317 = tpu.assume_multiple %min3A_316, 128 : i32
    %shift_right_arithmetic3A_318 = arith.constant 7 : i32
    %shift_right_arithmetic3A_319 = arith.shrsi %squeeze3A_310, %shift_right_arithmetic3A_318 : i32
    %shift_left3A_320 = arith.constant 7 : i32
    %shift_left3A_321 = arith.shli %shift_right_arithmetic3A_319, %shift_left3A_320 : i32
    %min3A_322 = arith.constant 999808 : i32
    %min3A_323 = arith.minsi %shift_left3A_321, %min3A_322 : i32
    %multiple_of3A_324 = tpu.assume_multiple %min3A_323, 128 : i32
    %dma_start3A_325 = arith.constant 7 : i32
    %dma_start3A_326 = arith.constant 0 : i32
    %dma_start3A_327 = arith.constant 0 : i32
    %dma_start3A_328 = tpu.memref_slice %arg13[%dma_start3A_325, %dma_start3A_326, %dma_start3A_327] : memref<8x16x128xf32, #tpu.memory_space<vmem>> -> memref<1x16x128xf32, #tpu.memory_space<vmem>>
    %dma_start3A_329 = tpu.memref_squeeze %dma_start3A_328 : memref<1x16x128xf32, #tpu.memory_space<vmem>> -> memref<16x128xf32, #tpu.memory_space<vmem>>
    %dma_start3A_330 = arith.constant 0 : i32
    %dma_start3A_331 = tpu.memref_slice %arg4[%dma_start3A_330, %multiple_of3A_317] : memref<16x1000000xf32, #tpu.memory_space<hbm>> -> memref<16x128xf32, #tpu.memory_space<hbm>>
    %dma_start3A_332 = arith.constant 0 : i32
    %dma_start3A_333 = arith.constant 0 : i32
    %dma_start3A_334 = tpu.memref_slice %arg13[%dma_start3A_325, %dma_start3A_332, %dma_start3A_333] : memref<8x16x128xf32, #tpu.memory_space<vmem>> -> memref<1x16x128xf32, #tpu.memory_space<vmem>>
    %dma_start3A_335 = tpu.memref_squeeze %dma_start3A_334 : memref<1x16x128xf32, #tpu.memory_space<vmem>> -> memref<16x128xf32, #tpu.memory_space<vmem>>
    %dma_start3A_336 = arith.constant 0 : i32
    %dma_start3A_337 = tpu.memref_slice %arg4[%dma_start3A_336, %multiple_of3A_317] : memref<16x1000000xf32, #tpu.memory_space<hbm>> -> memref<16x128xf32, #tpu.memory_space<hbm>>
    tpu.enqueue_dma source(%dma_start3A_337 : memref<16x128xf32, #tpu.memory_space<hbm>>) target(%dma_start3A_335 : memref<16x128xf32, #tpu.memory_space<vmem>>) target_semaphore(%arg21 : memref<!tpu.dma_semaphore, #tpu.memory_space<semaphore_mem>>)
    %dma_start3A_338 = arith.constant 7 : i32
    %dma_start3A_339 = arith.constant 0 : i32
    %dma_start3A_340 = arith.constant 0 : i32
    %dma_start3A_341 = tpu.memref_slice %arg15[%dma_start3A_338, %dma_start3A_339, %dma_start3A_340] : memref<8x16x128xf32, #tpu.memory_space<vmem>> -> memref<1x16x128xf32, #tpu.memory_space<vmem>>
    %dma_start3A_342 = tpu.memref_squeeze %dma_start3A_341 : memref<1x16x128xf32, #tpu.memory_space<vmem>> -> memref<16x128xf32, #tpu.memory_space<vmem>>
    %dma_start3A_343 = arith.constant 0 : i32
    %dma_start3A_344 = tpu.memref_slice %arg5[%dma_start3A_343, %multiple_of3A_324] : memref<16x1000000xf32, #tpu.memory_space<hbm>> -> memref<16x128xf32, #tpu.memory_space<hbm>>
    %dma_start3A_345 = arith.constant 0 : i32
    %dma_start3A_346 = arith.constant 0 : i32
    %dma_start3A_347 = tpu.memref_slice %arg15[%dma_start3A_338, %dma_start3A_345, %dma_start3A_346] : memref<8x16x128xf32, #tpu.memory_space<vmem>> -> memref<1x16x128xf32, #tpu.memory_space<vmem>>
    %dma_start3A_348 = tpu.memref_squeeze %dma_start3A_347 : memref<1x16x128xf32, #tpu.memory_space<vmem>> -> memref<16x128xf32, #tpu.memory_space<vmem>>
    %dma_start3A_349 = arith.constant 0 : i32
    %dma_start3A_350 = tpu.memref_slice %arg5[%dma_start3A_349, %multiple_of3A_324] : memref<16x1000000xf32, #tpu.memory_space<hbm>> -> memref<16x128xf32, #tpu.memory_space<hbm>>
    tpu.enqueue_dma source(%dma_start3A_350 : memref<16x128xf32, #tpu.memory_space<hbm>>) target(%dma_start3A_348 : memref<16x128xf32, #tpu.memory_space<vmem>>) target_semaphore(%arg21 : memref<!tpu.dma_semaphore, #tpu.memory_space<semaphore_mem>>)
    %scan3A = arith.constant 0 : i32
    %scan3A_351 = arith.constant 32 : i32
    %scan3A_352 = arith.addi %scan3A, %scan3A_351 : i32
    %scan3A_353 = arith.constant 1 : i32
    scf.for %scan3A_355 = %scan3A to %scan3A_352 step %scan3A_353  : i32 {
      %mul3A_356 = arith.constant 2 : i32
      %mul3A_357 = arith.muli %mul3A_356, %scan3A_355 : i32
      %add3A_358 = arith.constant 1 : i32
      %add3A_359 = arith.addi %mul3A_357, %add3A_358 : i32
      %jit3A = arith.constant 2 : i32
      %div3A = arith.divsi %add3A_359, %jit3A : i32
      %sign3A = arith.constant 0 : i32
      %sign3A_360 = arith.cmpi sgt, %add3A_359, %sign3A : i32
      %sign3A_361 = arith.extui %sign3A_360 : i1 to i32
      %sign3A_362 = arith.constant 0 : i32
      %sign3A_363 = arith.cmpi slt, %add3A_359, %sign3A_362 : i32
      %sign3A_364 = arith.extui %sign3A_363 : i1 to i32
      %sign3A_365 = arith.subi %sign3A_361, %sign3A_364 : i32
      %sign3A_366 = arith.constant 0 : i32
      %sign3A_367 = arith.cmpi sgt, %jit3A, %sign3A_366 : i32
      %sign3A_368 = arith.extui %sign3A_367 : i1 to i32
      %sign3A_369 = arith.constant 0 : i32
      %sign3A_370 = arith.cmpi slt, %jit3A, %sign3A_369 : i32
      %sign3A_371 = arith.extui %sign3A_370 : i1 to i32
      %sign3A_372 = arith.subi %sign3A_368, %sign3A_371 : i32
      %ne3A = arith.cmpi ne, %sign3A_365, %sign3A_372 : i32
      %rem3A = arith.remsi %add3A_359, %jit3A : i32
      %ne3A_373 = arith.constant 0 : i32
      %ne3A_374 = arith.cmpi ne, %rem3A, %ne3A_373 : i32
      %and3A = arith.andi %ne3A, %ne3A_374 : i1
      %sub3A = arith.constant 1 : i32
      %sub3A_375 = arith.subi %div3A, %sub3A : i32
      %select_n3A = arith.select %and3A, %sub3A_375, %div3A : i32
      %mul3A_376 = arith.constant 16 : i32
      %mul3A_377 = arith.muli %select_n3A, %mul3A_376 : i32
      %get3A_378 = arith.index_cast %mul3A_377 : i32 to index
      %get3A_379 = tpu.vector_load %arg11[%get3A_378] {strides = array<i32>} : memref<512xi32, #tpu.memory_space<vmem>>, vector<16xi32>,
      %get3A_380 = arith.index_cast %mul3A_377 : i32 to index
      %get3A_381 = tpu.vector_load %arg12[%get3A_380] {strides = array<i32>} : memref<512xi32, #tpu.memory_space<vmem>>, vector<16xi32>,
      %slice3A_382 = vector.extract_strided_slice %get3A_379 {offsets = [8], sizes = [1], strides = [1]} : vector<16xi32> to vector<1xi32>
      %squeeze3A_383 = vector.extract %slice3A_382[0] : i32 from vector<1xi32>
      %slice3A_384 = vector.extract_strided_slice %get3A_381 {offsets = [8], sizes = [1], strides = [1]} : vector<16xi32> to vector<1xi32>
      %squeeze3A_385 = vector.extract %slice3A_384[0] : i32 from vector<1xi32>
      %shift_right_arithmetic3A_386 = arith.constant 7 : i32
      %shift_right_arithmetic3A_387 = arith.shrsi %squeeze3A_383, %shift_right_arithmetic3A_386 : i32
      %shift_left3A_388 = arith.constant 7 : i32
      %shift_left3A_389 = arith.shli %shift_right_arithmetic3A_387, %shift_left3A_388 : i32
      %min3A_390 = arith.constant 999808 : i32
      %min3A_391 = arith.minsi %shift_left3A_389, %min3A_390 : i32
      %multiple_of3A_392 = tpu.assume_multiple %min3A_391, 128 : i32
      %shift_right_arithmetic3A_393 = arith.constant 7 : i32
      %shift_right_arithmetic3A_394 = arith.shrsi %squeeze3A_385, %shift_right_arithmetic3A_393 : i32
      %shift_left3A_395 = arith.constant 7 : i32
      %shift_left3A_396 = arith.shli %shift_right_arithmetic3A_394, %shift_left3A_395 : i32
      %min3A_397 = arith.constant 999808 : i32
      %min3A_398 = arith.minsi %shift_left3A_396, %min3A_397 : i32
      %multiple_of3A_399 = tpu.assume_multiple %min3A_398, 128 : i32
      %dma_start3A_400 = arith.constant 0 : i32
      %dma_start3A_401 = arith.constant 0 : i32
      %dma_start3A_402 = arith.constant 0 : i32
      %dma_start3A_403 = tpu.memref_slice %arg14[%dma_start3A_400, %dma_start3A_401, %dma_start3A_402] : memref<8x16x128xf32, #tpu.memory_space<vmem>> -> memref<1x16x128xf32, #tpu.memory_space<vmem>>
      %dma_start3A_404 = tpu.memref_squeeze %dma_start3A_403 : memref<1x16x128xf32, #tpu.memory_space<vmem>> -> memref<16x128xf32, #tpu.memory_space<vmem>>
      %dma_start3A_405 = arith.constant 0 : i32
      %dma_start3A_406 = tpu.memref_slice %arg4[%dma_start3A_405, %multiple_of3A_392] : memref<16x1000000xf32, #tpu.memory_space<hbm>> -> memref<16x128xf32, #tpu.memory_space<hbm>>
      %dma_start3A_407 = arith.constant 0 : i32
      %dma_start3A_408 = arith.constant 0 : i32
      %dma_start3A_409 = tpu.memref_slice %arg14[%dma_start3A_400, %dma_start3A_407, %dma_start3A_408] : memref<8x16x128xf32, #tpu.memory_space<vmem>> -> memref<1x16x128xf32, #tpu.memory_space<vmem>>
      %dma_start3A_410 = tpu.memref_squeeze %dma_start3A_409 : memref<1x16x128xf32, #tpu.memory_space<vmem>> -> memref<16x128xf32, #tpu.memory_space<vmem>>
      %dma_start3A_411 = arith.constant 0 : i32
      %dma_start3A_412 = tpu.memref_slice %arg4[%dma_start3A_411, %multiple_of3A_392] : memref<16x1000000xf32, #tpu.memory_space<hbm>> -> memref<16x128xf32, #tpu.memory_space<hbm>>
      tpu.enqueue_dma source(%dma_start3A_412 : memref<16x128xf32, #tpu.memory_space<hbm>>) target(%dma_start3A_410 : memref<16x128xf32, #tpu.memory_space<vmem>>) target_semaphore(%arg22 : memref<!tpu.dma_semaphore, #tpu.memory_space<semaphore_mem>>)
      %dma_start3A_413 = arith.constant 0 : i32
      %dma_start3A_414 = arith.constant 0 : i32
      %dma_start3A_415 = arith.constant 0 : i32
      %dma_start3A_416 = tpu.memref_slice %arg16[%dma_start3A_413, %dma_start3A_414, %dma_start3A_415] : memref<8x16x128xf32, #tpu.memory_space<vmem>> -> memref<1x16x128xf32, #tpu.memory_space<vmem>>
      %dma_start3A_417 = tpu.memref_squeeze %dma_start3A_416 : memref<1x16x128xf32, #tpu.memory_space<vmem>> -> memref<16x128xf32, #tpu.memory_space<vmem>>
      %dma_start3A_418 = arith.constant 0 : i32
      %dma_start3A_419 = tpu.memref_slice %arg5[%dma_start3A_418, %multiple_of3A_399] : memref<16x1000000xf32, #tpu.memory_space<hbm>> -> memref<16x128xf32, #tpu.memory_space<hbm>>
      %dma_start3A_420 = arith.constant 0 : i32
      %dma_start3A_421 = arith.constant 0 : i32
      %dma_start3A_422 = tpu.memref_slice %arg16[%dma_start3A_413, %dma_start3A_420, %dma_start3A_421] : memref<8x16x128xf32, #tpu.memory_space<vmem>> -> memref<1x16x128xf32, #tpu.memory_space<vmem>>
      %dma_start3A_423 = tpu.memref_squeeze %dma_start3A_422 : memref<1x16x128xf32, #tpu.memory_space<vmem>> -> memref<16x128xf32, #tpu.memory_space<vmem>>
      %dma_start3A_424 = arith.constant 0 : i32
      %dma_start3A_425 = tpu.memref_slice %arg5[%dma_start3A_424, %multiple_of3A_399] : memref<16x1000000xf32, #tpu.memory_space<hbm>> -> memref<16x128xf32, #tpu.memory_space<hbm>>
      tpu.enqueue_dma source(%dma_start3A_425 : memref<16x128xf32, #tpu.memory_space<hbm>>) target(%dma_start3A_423 : memref<16x128xf32, #tpu.memory_space<vmem>>) target_semaphore(%arg22 : memref<!tpu.dma_semaphore, #tpu.memory_space<semaphore_mem>>)
      %slice3A_426 = vector.extract_strided_slice %get3A_379 {offsets = [9], sizes = [1], strides = [1]} : vector<16xi32> to vector<1xi32>
      %squeeze3A_427 = vector.extract %slice3A_426[0] : i32 from vector<1xi32>
      %slice3A_428 = vector.extract_strided_slice %get3A_381 {offsets = [9], sizes = [1], strides = [1]} : vector<16xi32> to vector<1xi32>
      %squeeze3A_429 = vector.extract %slice3A_428[0] : i32 from vector<1xi32>
      %shift_right_arithmetic3A_430 = arith.constant 7 : i32
      %shift_right_arithmetic3A_431 = arith.shrsi %squeeze3A_427, %shift_right_arithmetic3A_430 : i32
      %shift_left3A_432 = arith.constant 7 : i32
      %shift_left3A_433 = arith.shli %shift_right_arithmetic3A_431, %shift_left3A_432 : i32
      %min3A_434 = arith.constant 999808 : i32
      %min3A_435 = arith.minsi %shift_left3A_433, %min3A_434 : i32
      %multiple_of3A_436 = tpu.assume_multiple %min3A_435, 128 : i32
      %shift_right_arithmetic3A_437 = arith.constant 7 : i32
      %shift_right_arithmetic3A_438 = arith.shrsi %squeeze3A_429, %shift_right_arithmetic3A_437 : i32
      %shift_left3A_439 = arith.constant 7 : i32
      %shift_left3A_440 = arith.shli %shift_right_arithmetic3A_438, %shift_left3A_439 : i32
      %min3A_441 = arith.constant 999808 : i32
      %min3A_442 = arith.minsi %shift_left3A_440, %min3A_441 : i32
      %multiple_of3A_443 = tpu.assume_multiple %min3A_442, 128 : i32
      %dma_start3A_444 = arith.constant 1 : i32
      %dma_start3A_445 = arith.constant 0 : i32
      %dma_start3A_446 = arith.constant 0 : i32
      %dma_start3A_447 = tpu.memref_slice %arg14[%dma_start3A_444, %dma_start3A_445, %dma_start3A_446] : memref<8x16x128xf32, #tpu.memory_space<vmem>> -> memref<1x16x128xf32, #tpu.memory_space<vmem>>
      %dma_start3A_448 = tpu.memref_squeeze %dma_start3A_447 : memref<1x16x128xf32, #tpu.memory_space<vmem>> -> memref<16x128xf32, #tpu.memory_space<vmem>>
      %dma_start3A_449 = arith.constant 0 : i32
      %dma_start3A_450 = tpu.memref_slice %arg4[%dma_start3A_449, %multiple_of3A_436] : memref<16x1000000xf32, #tpu.memory_space<hbm>> -> memref<16x128xf32, #tpu.memory_space<hbm>>
      %dma_start3A_451 = arith.constant 0 : i32
      %dma_start3A_452 = arith.constant 0 : i32
      %dma_start3A_453 = tpu.memref_slice %arg14[%dma_start3A_444, %dma_start3A_451, %dma_start3A_452] : memref<8x16x128xf32, #tpu.memory_space<vmem>> -> memref<1x16x128xf32, #tpu.memory_space<vmem>>
      %dma_start3A_454 = tpu.memref_squeeze %dma_start3A_453 : memref<1x16x128xf32, #tpu.memory_space<vmem>> -> memref<16x128xf32, #tpu.memory_space<vmem>>
      %dma_start3A_455 = arith.constant 0 : i32
      %dma_start3A_456 = tpu.memref_slice %arg4[%dma_start3A_455, %multiple_of3A_436] : memref<16x1000000xf32, #tpu.memory_space<hbm>> -> memref<16x128xf32, #tpu.memory_space<hbm>>
      tpu.enqueue_dma source(%dma_start3A_456 : memref<16x128xf32, #tpu.memory_space<hbm>>) target(%dma_start3A_454 : memref<16x128xf32, #tpu.memory_space<vmem>>) target_semaphore(%arg22 : memref<!tpu.dma_semaphore, #tpu.memory_space<semaphore_mem>>)
      %dma_start3A_457 = arith.constant 1 : i32
      %dma_start3A_458 = arith.constant 0 : i32
      %dma_start3A_459 = arith.constant 0 : i32
      %dma_start3A_460 = tpu.memref_slice %arg16[%dma_start3A_457, %dma_start3A_458, %dma_start3A_459] : memref<8x16x128xf32, #tpu.memory_space<vmem>> -> memref<1x16x128xf32, #tpu.memory_space<vmem>>
      %dma_start3A_461 = tpu.memref_squeeze %dma_start3A_460 : memref<1x16x128xf32, #tpu.memory_space<vmem>> -> memref<16x128xf32, #tpu.memory_space<vmem>>
      %dma_start3A_462 = arith.constant 0 : i32
      %dma_start3A_463 = tpu.memref_slice %arg5[%dma_start3A_462, %multiple_of3A_443] : memref<16x1000000xf32, #tpu.memory_space<hbm>> -> memref<16x128xf32, #tpu.memory_space<hbm>>
      %dma_start3A_464 = arith.constant 0 : i32
      %dma_start3A_465 = arith.constant 0 : i32
      %dma_start3A_466 = tpu.memref_slice %arg16[%dma_start3A_457, %dma_start3A_464, %dma_start3A_465] : memref<8x16x128xf32, #tpu.memory_space<vmem>> -> memref<1x16x128xf32, #tpu.memory_space<vmem>>
      %dma_start3A_467 = tpu.memref_squeeze %dma_start3A_466 : memref<1x16x128xf32, #tpu.memory_space<vmem>> -> memref<16x128xf32, #tpu.memory_space<vmem>>
      %dma_start3A_468 = arith.constant 0 : i32
      %dma_start3A_469 = tpu.memref_slice %arg5[%dma_start3A_468, %multiple_of3A_443] : memref<16x1000000xf32, #tpu.memory_space<hbm>> -> memref<16x128xf32, #tpu.memory_space<hbm>>
      tpu.enqueue_dma source(%dma_start3A_469 : memref<16x128xf32, #tpu.memory_space<hbm>>) target(%dma_start3A_467 : memref<16x128xf32, #tpu.memory_space<vmem>>) target_semaphore(%arg22 : memref<!tpu.dma_semaphore, #tpu.memory_space<semaphore_mem>>)
      %slice3A_470 = vector.extract_strided_slice %get3A_379 {offsets = [10], sizes = [1], strides = [1]} : vector<16xi32> to vector<1xi32>
      %squeeze3A_471 = vector.extract %slice3A_470[0] : i32 from vector<1xi32>
      %slice3A_472 = vector.extract_strided_slice %get3A_381 {offsets = [10], sizes = [1], strides = [1]} : vector<16xi32> to vector<1xi32>
      %squeeze3A_473 = vector.extract %slice3A_472[0] : i32 from vector<1xi32>
      %shift_right_arithmetic3A_474 = arith.constant 7 : i32
      %shift_right_arithmetic3A_475 = arith.shrsi %squeeze3A_471, %shift_right_arithmetic3A_474 : i32
      %shift_left3A_476 = arith.constant 7 : i32
      %shift_left3A_477 = arith.shli %shift_right_arithmetic3A_475, %shift_left3A_476 : i32
      %min3A_478 = arith.constant 999808 : i32
      %min3A_479 = arith.minsi %shift_left3A_477, %min3A_478 : i32
      %multiple_of3A_480 = tpu.assume_multiple %min3A_479, 128 : i32
      %shift_right_arithmetic3A_481 = arith.constant 7 : i32
      %shift_right_arithmetic3A_482 = arith.shrsi %squeeze3A_473, %shift_right_arithmetic3A_481 : i32
      %shift_left3A_483 = arith.constant 7 : i32
      %shift_left3A_484 = arith.shli %shift_right_arithmetic3A_482, %shift_left3A_483 : i32
      %min3A_485 = arith.constant 999808 : i32
      %min3A_486 = arith.minsi %shift_left3A_484, %min3A_485 : i32
      %multiple_of3A_487 = tpu.assume_multiple %min3A_486, 128 : i32
      %dma_start3A_488 = arith.constant 2 : i32
      %dma_start3A_489 = arith.constant 0 : i32
      %dma_start3A_490 = arith.constant 0 : i32
      %dma_start3A_491 = tpu.memref_slice %arg14[%dma_start3A_488, %dma_start3A_489, %dma_start3A_490] : memref<8x16x128xf32, #tpu.memory_space<vmem>> -> memref<1x16x128xf32, #tpu.memory_space<vmem>>
      %dma_start3A_492 = tpu.memref_squeeze %dma_start3A_491 : memref<1x16x128xf32, #tpu.memory_space<vmem>> -> memref<16x128xf32, #tpu.memory_space<vmem>>
      %dma_start3A_493 = arith.constant 0 : i32
      %dma_start3A_494 = tpu.memref_slice %arg4[%dma_start3A_493, %multiple_of3A_480] : memref<16x1000000xf32, #tpu.memory_space<hbm>> -> memref<16x128xf32, #tpu.memory_space<hbm>>
      %dma_start3A_495 = arith.constant 0 : i32
      %dma_start3A_496 = arith.constant 0 : i32
      %dma_start3A_497 = tpu.memref_slice %arg14[%dma_start3A_488, %dma_start3A_495, %dma_start3A_496] : memref<8x16x128xf32, #tpu.memory_space<vmem>> -> memref<1x16x128xf32, #tpu.memory_space<vmem>>
      %dma_start3A_498 = tpu.memref_squeeze %dma_start3A_497 : memref<1x16x128xf32, #tpu.memory_space<vmem>> -> memref<16x128xf32, #tpu.memory_space<vmem>>
      %dma_start3A_499 = arith.constant 0 : i32
      %dma_start3A_500 = tpu.memref_slice %arg4[%dma_start3A_499, %multiple_of3A_480] : memref<16x1000000xf32, #tpu.memory_space<hbm>> -> memref<16x128xf32, #tpu.memory_space<hbm>>
      tpu.enqueue_dma source(%dma_start3A_500 : memref<16x128xf32, #tpu.memory_space<hbm>>) target(%dma_start3A_498 : memref<16x128xf32, #tpu.memory_space<vmem>>) target_semaphore(%arg22 : memref<!tpu.dma_semaphore, #tpu.memory_space<semaphore_mem>>)
      %dma_start3A_501 = arith.constant 2 : i32
      %dma_start3A_502 = arith.constant 0 : i32
      %dma_start3A_503 = arith.constant 0 : i32
      %dma_start3A_504 = tpu.memref_slice %arg16[%dma_start3A_501, %dma_start3A_502, %dma_start3A_503] : memref<8x16x128xf32, #tpu.memory_space<vmem>> -> memref<1x16x128xf32, #tpu.memory_space<vmem>>
      %dma_start3A_505 = tpu.memref_squeeze %dma_start3A_504 : memref<1x16x128xf32, #tpu.memory_space<vmem>> -> memref<16x128xf32, #tpu.memory_space<vmem>>
      %dma_start3A_506 = arith.constant 0 : i32
      %dma_start3A_507 = tpu.memref_slice %arg5[%dma_start3A_506, %multiple_of3A_487] : memref<16x1000000xf32, #tpu.memory_space<hbm>> -> memref<16x128xf32, #tpu.memory_space<hbm>>
      %dma_start3A_508 = arith.constant 0 : i32
      %dma_start3A_509 = arith.constant 0 : i32
      %dma_start3A_510 = tpu.memref_slice %arg16[%dma_start3A_501, %dma_start3A_508, %dma_start3A_509] : memref<8x16x128xf32, #tpu.memory_space<vmem>> -> memref<1x16x128xf32, #tpu.memory_space<vmem>>
      %dma_start3A_511 = tpu.memref_squeeze %dma_start3A_510 : memref<1x16x128xf32, #tpu.memory_space<vmem>> -> memref<16x128xf32, #tpu.memory_space<vmem>>
      %dma_start3A_512 = arith.constant 0 : i32
      %dma_start3A_513 = tpu.memref_slice %arg5[%dma_start3A_512, %multiple_of3A_487] : memref<16x1000000xf32, #tpu.memory_space<hbm>> -> memref<16x128xf32, #tpu.memory_space<hbm>>
      tpu.enqueue_dma source(%dma_start3A_513 : memref<16x128xf32, #tpu.memory_space<hbm>>) target(%dma_start3A_511 : memref<16x128xf32, #tpu.memory_space<vmem>>) target_semaphore(%arg22 : memref<!tpu.dma_semaphore, #tpu.memory_space<semaphore_mem>>)
      %slice3A_514 = vector.extract_strided_slice %get3A_379 {offsets = [11], sizes = [1], strides = [1]} : vector<16xi32> to vector<1xi32>
      %squeeze3A_515 = vector.extract %slice3A_514[0] : i32 from vector<1xi32>
      %slice3A_516 = vector.extract_strided_slice %get3A_381 {offsets = [11], sizes = [1], strides = [1]} : vector<16xi32> to vector<1xi32>
      %squeeze3A_517 = vector.extract %slice3A_516[0] : i32 from vector<1xi32>
      %shift_right_arithmetic3A_518 = arith.constant 7 : i32
      %shift_right_arithmetic3A_519 = arith.shrsi %squeeze3A_515, %shift_right_arithmetic3A_518 : i32
      %shift_left3A_520 = arith.constant 7 : i32
      %shift_left3A_521 = arith.shli %shift_right_arithmetic3A_519, %shift_left3A_520 : i32
      %min3A_522 = arith.constant 999808 : i32
      %min3A_523 = arith.minsi %shift_left3A_521, %min3A_522 : i32
      %multiple_of3A_524 = tpu.assume_multiple %min3A_523, 128 : i32
      %shift_right_arithmetic3A_525 = arith.constant 7 : i32
      %shift_right_arithmetic3A_526 = arith.shrsi %squeeze3A_517, %shift_right_arithmetic3A_525 : i32
      %shift_left3A_527 = arith.constant 7 : i32
      %shift_left3A_528 = arith.shli %shift_right_arithmetic3A_526, %shift_left3A_527 : i32
      %min3A_529 = arith.constant 999808 : i32
      %min3A_530 = arith.minsi %shift_left3A_528, %min3A_529 : i32
      %multiple_of3A_531 = tpu.assume_multiple %min3A_530, 128 : i32
      %dma_start3A_532 = arith.constant 3 : i32
      %dma_start3A_533 = arith.constant 0 : i32
      %dma_start3A_534 = arith.constant 0 : i32
      %dma_start3A_535 = tpu.memref_slice %arg14[%dma_start3A_532, %dma_start3A_533, %dma_start3A_534] : memref<8x16x128xf32, #tpu.memory_space<vmem>> -> memref<1x16x128xf32, #tpu.memory_space<vmem>>
      %dma_start3A_536 = tpu.memref_squeeze %dma_start3A_535 : memref<1x16x128xf32, #tpu.memory_space<vmem>> -> memref<16x128xf32, #tpu.memory_space<vmem>>
      %dma_start3A_537 = arith.constant 0 : i32
      %dma_start3A_538 = tpu.memref_slice %arg4[%dma_start3A_537, %multiple_of3A_524] : memref<16x1000000xf32, #tpu.memory_space<hbm>> -> memref<16x128xf32, #tpu.memory_space<hbm>>
      %dma_start3A_539 = arith.constant 0 : i32
      %dma_start3A_540 = arith.constant 0 : i32
      %dma_start3A_541 = tpu.memref_slice %arg14[%dma_start3A_532, %dma_start3A_539, %dma_start3A_540] : memref<8x16x128xf32, #tpu.memory_space<vmem>> -> memref<1x16x128xf32, #tpu.memory_space<vmem>>
      %dma_start3A_542 = tpu.memref_squeeze %dma_start3A_541 : memref<1x16x128xf32, #tpu.memory_space<vmem>> -> memref<16x128xf32, #tpu.memory_space<vmem>>
      %dma_start3A_543 = arith.constant 0 : i32
      %dma_start3A_544 = tpu.memref_slice %arg4[%dma_start3A_543, %multiple_of3A_524] : memref<16x1000000xf32, #tpu.memory_space<hbm>> -> memref<16x128xf32, #tpu.memory_space<hbm>>
      tpu.enqueue_dma source(%dma_start3A_544 : memref<16x128xf32, #tpu.memory_space<hbm>>) target(%dma_start3A_542 : memref<16x128xf32, #tpu.memory_space<vmem>>) target_semaphore(%arg22 : memref<!tpu.dma_semaphore, #tpu.memory_space<semaphore_mem>>)
      %dma_start3A_545 = arith.constant 3 : i32
      %dma_start3A_546 = arith.constant 0 : i32
      %dma_start3A_547 = arith.constant 0 : i32
      %dma_start3A_548 = tpu.memref_slice %arg16[%dma_start3A_545, %dma_start3A_546, %dma_start3A_547] : memref<8x16x128xf32, #tpu.memory_space<vmem>> -> memref<1x16x128xf32, #tpu.memory_space<vmem>>
      %dma_start3A_549 = tpu.memref_squeeze %dma_start3A_548 : memref<1x16x128xf32, #tpu.memory_space<vmem>> -> memref<16x128xf32, #tpu.memory_space<vmem>>
      %dma_start3A_550 = arith.constant 0 : i32
      %dma_start3A_551 = tpu.memref_slice %arg5[%dma_start3A_550, %multiple_of3A_531] : memref<16x1000000xf32, #tpu.memory_space<hbm>> -> memref<16x128xf32, #tpu.memory_space<hbm>>
      %dma_start3A_552 = arith.constant 0 : i32
      %dma_start3A_553 = arith.constant 0 : i32
      %dma_start3A_554 = tpu.memref_slice %arg16[%dma_start3A_545, %dma_start3A_552, %dma_start3A_553] : memref<8x16x128xf32, #tpu.memory_space<vmem>> -> memref<1x16x128xf32, #tpu.memory_space<vmem>>
      %dma_start3A_555 = tpu.memref_squeeze %dma_start3A_554 : memref<1x16x128xf32, #tpu.memory_space<vmem>> -> memref<16x128xf32, #tpu.memory_space<vmem>>
      %dma_start3A_556 = arith.constant 0 : i32
      %dma_start3A_557 = tpu.memref_slice %arg5[%dma_start3A_556, %multiple_of3A_531] : memref<16x1000000xf32, #tpu.memory_space<hbm>> -> memref<16x128xf32, #tpu.memory_space<hbm>>
      tpu.enqueue_dma source(%dma_start3A_557 : memref<16x128xf32, #tpu.memory_space<hbm>>) target(%dma_start3A_555 : memref<16x128xf32, #tpu.memory_space<vmem>>) target_semaphore(%arg22 : memref<!tpu.dma_semaphore, #tpu.memory_space<semaphore_mem>>)
      %slice3A_558 = vector.extract_strided_slice %get3A_379 {offsets = [12], sizes = [1], strides = [1]} : vector<16xi32> to vector<1xi32>
      %squeeze3A_559 = vector.extract %slice3A_558[0] : i32 from vector<1xi32>
      %slice3A_560 = vector.extract_strided_slice %get3A_381 {offsets = [12], sizes = [1], strides = [1]} : vector<16xi32> to vector<1xi32>
      %squeeze3A_561 = vector.extract %slice3A_560[0] : i32 from vector<1xi32>
      %shift_right_arithmetic3A_562 = arith.constant 7 : i32
      %shift_right_arithmetic3A_563 = arith.shrsi %squeeze3A_559, %shift_right_arithmetic3A_562 : i32
      %shift_left3A_564 = arith.constant 7 : i32
      %shift_left3A_565 = arith.shli %shift_right_arithmetic3A_563, %shift_left3A_564 : i32
      %min3A_566 = arith.constant 999808 : i32
      %min3A_567 = arith.minsi %shift_left3A_565, %min3A_566 : i32
      %multiple_of3A_568 = tpu.assume_multiple %min3A_567, 128 : i32
      %shift_right_arithmetic3A_569 = arith.constant 7 : i32
      %shift_right_arithmetic3A_570 = arith.shrsi %squeeze3A_561, %shift_right_arithmetic3A_569 : i32
      %shift_left3A_571 = arith.constant 7 : i32
      %shift_left3A_572 = arith.shli %shift_right_arithmetic3A_570, %shift_left3A_571 : i32
      %min3A_573 = arith.constant 999808 : i32
      %min3A_574 = arith.minsi %shift_left3A_572, %min3A_573 : i32
      %multiple_of3A_575 = tpu.assume_multiple %min3A_574, 128 : i32
      %dma_start3A_576 = arith.constant 4 : i32
      %dma_start3A_577 = arith.constant 0 : i32
      %dma_start3A_578 = arith.constant 0 : i32
      %dma_start3A_579 = tpu.memref_slice %arg14[%dma_start3A_576, %dma_start3A_577, %dma_start3A_578] : memref<8x16x128xf32, #tpu.memory_space<vmem>> -> memref<1x16x128xf32, #tpu.memory_space<vmem>>
      %dma_start3A_580 = tpu.memref_squeeze %dma_start3A_579 : memref<1x16x128xf32, #tpu.memory_space<vmem>> -> memref<16x128xf32, #tpu.memory_space<vmem>>
      %dma_start3A_581 = arith.constant 0 : i32
      %dma_start3A_582 = tpu.memref_slice %arg4[%dma_start3A_581, %multiple_of3A_568] : memref<16x1000000xf32, #tpu.memory_space<hbm>> -> memref<16x128xf32, #tpu.memory_space<hbm>>
      %dma_start3A_583 = arith.constant 0 : i32
      %dma_start3A_584 = arith.constant 0 : i32
      %dma_start3A_585 = tpu.memref_slice %arg14[%dma_start3A_576, %dma_start3A_583, %dma_start3A_584] : memref<8x16x128xf32, #tpu.memory_space<vmem>> -> memref<1x16x128xf32, #tpu.memory_space<vmem>>
      %dma_start3A_586 = tpu.memref_squeeze %dma_start3A_585 : memref<1x16x128xf32, #tpu.memory_space<vmem>> -> memref<16x128xf32, #tpu.memory_space<vmem>>
      %dma_start3A_587 = arith.constant 0 : i32
      %dma_start3A_588 = tpu.memref_slice %arg4[%dma_start3A_587, %multiple_of3A_568] : memref<16x1000000xf32, #tpu.memory_space<hbm>> -> memref<16x128xf32, #tpu.memory_space<hbm>>
      tpu.enqueue_dma source(%dma_start3A_588 : memref<16x128xf32, #tpu.memory_space<hbm>>) target(%dma_start3A_586 : memref<16x128xf32, #tpu.memory_space<vmem>>) target_semaphore(%arg22 : memref<!tpu.dma_semaphore, #tpu.memory_space<semaphore_mem>>)
      %dma_start3A_589 = arith.constant 4 : i32
      %dma_start3A_590 = arith.constant 0 : i32
      %dma_start3A_591 = arith.constant 0 : i32
      %dma_start3A_592 = tpu.memref_slice %arg16[%dma_start3A_589, %dma_start3A_590, %dma_start3A_591] : memref<8x16x128xf32, #tpu.memory_space<vmem>> -> memref<1x16x128xf32, #tpu.memory_space<vmem>>
      %dma_start3A_593 = tpu.memref_squeeze %dma_start3A_592 : memref<1x16x128xf32, #tpu.memory_space<vmem>> -> memref<16x128xf32, #tpu.memory_space<vmem>>
      %dma_start3A_594 = arith.constant 0 : i32
      %dma_start3A_595 = tpu.memref_slice %arg5[%dma_start3A_594, %multiple_of3A_575] : memref<16x1000000xf32, #tpu.memory_space<hbm>> -> memref<16x128xf32, #tpu.memory_space<hbm>>
      %dma_start3A_596 = arith.constant 0 : i32
      %dma_start3A_597 = arith.constant 0 : i32
      %dma_start3A_598 = tpu.memref_slice %arg16[%dma_start3A_589, %dma_start3A_596, %dma_start3A_597] : memref<8x16x128xf32, #tpu.memory_space<vmem>> -> memref<1x16x128xf32, #tpu.memory_space<vmem>>
      %dma_start3A_599 = tpu.memref_squeeze %dma_start3A_598 : memref<1x16x128xf32, #tpu.memory_space<vmem>> -> memref<16x128xf32, #tpu.memory_space<vmem>>
      %dma_start3A_600 = arith.constant 0 : i32
      %dma_start3A_601 = tpu.memref_slice %arg5[%dma_start3A_600, %multiple_of3A_575] : memref<16x1000000xf32, #tpu.memory_space<hbm>> -> memref<16x128xf32, #tpu.memory_space<hbm>>
      tpu.enqueue_dma source(%dma_start3A_601 : memref<16x128xf32, #tpu.memory_space<hbm>>) target(%dma_start3A_599 : memref<16x128xf32, #tpu.memory_space<vmem>>) target_semaphore(%arg22 : memref<!tpu.dma_semaphore, #tpu.memory_space<semaphore_mem>>)
      %slice3A_602 = vector.extract_strided_slice %get3A_379 {offsets = [13], sizes = [1], strides = [1]} : vector<16xi32> to vector<1xi32>
      %squeeze3A_603 = vector.extract %slice3A_602[0] : i32 from vector<1xi32>
      %slice3A_604 = vector.extract_strided_slice %get3A_381 {offsets = [13], sizes = [1], strides = [1]} : vector<16xi32> to vector<1xi32>
      %squeeze3A_605 = vector.extract %slice3A_604[0] : i32 from vector<1xi32>
      %shift_right_arithmetic3A_606 = arith.constant 7 : i32
      %shift_right_arithmetic3A_607 = arith.shrsi %squeeze3A_603, %shift_right_arithmetic3A_606 : i32
      %shift_left3A_608 = arith.constant 7 : i32
      %shift_left3A_609 = arith.shli %shift_right_arithmetic3A_607, %shift_left3A_608 : i32
      %min3A_610 = arith.constant 999808 : i32
      %min3A_611 = arith.minsi %shift_left3A_609, %min3A_610 : i32
      %multiple_of3A_612 = tpu.assume_multiple %min3A_611, 128 : i32
      %shift_right_arithmetic3A_613 = arith.constant 7 : i32
      %shift_right_arithmetic3A_614 = arith.shrsi %squeeze3A_605, %shift_right_arithmetic3A_613 : i32
      %shift_left3A_615 = arith.constant 7 : i32
      %shift_left3A_616 = arith.shli %shift_right_arithmetic3A_614, %shift_left3A_615 : i32
      %min3A_617 = arith.constant 999808 : i32
      %min3A_618 = arith.minsi %shift_left3A_616, %min3A_617 : i32
      %multiple_of3A_619 = tpu.assume_multiple %min3A_618, 128 : i32
      %dma_start3A_620 = arith.constant 5 : i32
      %dma_start3A_621 = arith.constant 0 : i32
      %dma_start3A_622 = arith.constant 0 : i32
      %dma_start3A_623 = tpu.memref_slice %arg14[%dma_start3A_620, %dma_start3A_621, %dma_start3A_622] : memref<8x16x128xf32, #tpu.memory_space<vmem>> -> memref<1x16x128xf32, #tpu.memory_space<vmem>>
      %dma_start3A_624 = tpu.memref_squeeze %dma_start3A_623 : memref<1x16x128xf32, #tpu.memory_space<vmem>> -> memref<16x128xf32, #tpu.memory_space<vmem>>
      %dma_start3A_625 = arith.constant 0 : i32
      %dma_start3A_626 = tpu.memref_slice %arg4[%dma_start3A_625, %multiple_of3A_612] : memref<16x1000000xf32, #tpu.memory_space<hbm>> -> memref<16x128xf32, #tpu.memory_space<hbm>>
      %dma_start3A_627 = arith.constant 0 : i32
      %dma_start3A_628 = arith.constant 0 : i32
      %dma_start3A_629 = tpu.memref_slice %arg14[%dma_start3A_620, %dma_start3A_627, %dma_start3A_628] : memref<8x16x128xf32, #tpu.memory_space<vmem>> -> memref<1x16x128xf32, #tpu.memory_space<vmem>>
      %dma_start3A_630 = tpu.memref_squeeze %dma_start3A_629 : memref<1x16x128xf32, #tpu.memory_space<vmem>> -> memref<16x128xf32, #tpu.memory_space<vmem>>
      %dma_start3A_631 = arith.constant 0 : i32
      %dma_start3A_632 = tpu.memref_slice %arg4[%dma_start3A_631, %multiple_of3A_612] : memref<16x1000000xf32, #tpu.memory_space<hbm>> -> memref<16x128xf32, #tpu.memory_space<hbm>>
      tpu.enqueue_dma source(%dma_start3A_632 : memref<16x128xf32, #tpu.memory_space<hbm>>) target(%dma_start3A_630 : memref<16x128xf32, #tpu.memory_space<vmem>>) target_semaphore(%arg22 : memref<!tpu.dma_semaphore, #tpu.memory_space<semaphore_mem>>)
      %dma_start3A_633 = arith.constant 5 : i32
      %dma_start3A_634 = arith.constant 0 : i32
      %dma_start3A_635 = arith.constant 0 : i32
      %dma_start3A_636 = tpu.memref_slice %arg16[%dma_start3A_633, %dma_start3A_634, %dma_start3A_635] : memref<8x16x128xf32, #tpu.memory_space<vmem>> -> memref<1x16x128xf32, #tpu.memory_space<vmem>>
      %dma_start3A_637 = tpu.memref_squeeze %dma_start3A_636 : memref<1x16x128xf32, #tpu.memory_space<vmem>> -> memref<16x128xf32, #tpu.memory_space<vmem>>
      %dma_start3A_638 = arith.constant 0 : i32
      %dma_start3A_639 = tpu.memref_slice %arg5[%dma_start3A_638, %multiple_of3A_619] : memref<16x1000000xf32, #tpu.memory_space<hbm>> -> memref<16x128xf32, #tpu.memory_space<hbm>>
      %dma_start3A_640 = arith.constant 0 : i32
      %dma_start3A_641 = arith.constant 0 : i32
      %dma_start3A_642 = tpu.memref_slice %arg16[%dma_start3A_633, %dma_start3A_640, %dma_start3A_641] : memref<8x16x128xf32, #tpu.memory_space<vmem>> -> memref<1x16x128xf32, #tpu.memory_space<vmem>>
      %dma_start3A_643 = tpu.memref_squeeze %dma_start3A_642 : memref<1x16x128xf32, #tpu.memory_space<vmem>> -> memref<16x128xf32, #tpu.memory_space<vmem>>
      %dma_start3A_644 = arith.constant 0 : i32
      %dma_start3A_645 = tpu.memref_slice %arg5[%dma_start3A_644, %multiple_of3A_619] : memref<16x1000000xf32, #tpu.memory_space<hbm>> -> memref<16x128xf32, #tpu.memory_space<hbm>>
      tpu.enqueue_dma source(%dma_start3A_645 : memref<16x128xf32, #tpu.memory_space<hbm>>) target(%dma_start3A_643 : memref<16x128xf32, #tpu.memory_space<vmem>>) target_semaphore(%arg22 : memref<!tpu.dma_semaphore, #tpu.memory_space<semaphore_mem>>)
      %slice3A_646 = vector.extract_strided_slice %get3A_379 {offsets = [14], sizes = [1], strides = [1]} : vector<16xi32> to vector<1xi32>
      %squeeze3A_647 = vector.extract %slice3A_646[0] : i32 from vector<1xi32>
      %slice3A_648 = vector.extract_strided_slice %get3A_381 {offsets = [14], sizes = [1], strides = [1]} : vector<16xi32> to vector<1xi32>
      %squeeze3A_649 = vector.extract %slice3A_648[0] : i32 from vector<1xi32>
      %shift_right_arithmetic3A_650 = arith.constant 7 : i32
      %shift_right_arithmetic3A_651 = arith.shrsi %squeeze3A_647, %shift_right_arithmetic3A_650 : i32
      %shift_left3A_652 = arith.constant 7 : i32
      %shift_left3A_653 = arith.shli %shift_right_arithmetic3A_651, %shift_left3A_652 : i32
      %min3A_654 = arith.constant 999808 : i32
      %min3A_655 = arith.minsi %shift_left3A_653, %min3A_654 : i32
      %multiple_of3A_656 = tpu.assume_multiple %min3A_655, 128 : i32
      %shift_right_arithmetic3A_657 = arith.constant 7 : i32
      %shift_right_arithmetic3A_658 = arith.shrsi %squeeze3A_649, %shift_right_arithmetic3A_657 : i32
      %shift_left3A_659 = arith.constant 7 : i32
      %shift_left3A_660 = arith.shli %shift_right_arithmetic3A_658, %shift_left3A_659 : i32
      %min3A_661 = arith.constant 999808 : i32
      %min3A_662 = arith.minsi %shift_left3A_660, %min3A_661 : i32
      %multiple_of3A_663 = tpu.assume_multiple %min3A_662, 128 : i32
      %dma_start3A_664 = arith.constant 6 : i32
      %dma_start3A_665 = arith.constant 0 : i32
      %dma_start3A_666 = arith.constant 0 : i32
      %dma_start3A_667 = tpu.memref_slice %arg14[%dma_start3A_664, %dma_start3A_665, %dma_start3A_666] : memref<8x16x128xf32, #tpu.memory_space<vmem>> -> memref<1x16x128xf32, #tpu.memory_space<vmem>>
      %dma_start3A_668 = tpu.memref_squeeze %dma_start3A_667 : memref<1x16x128xf32, #tpu.memory_space<vmem>> -> memref<16x128xf32, #tpu.memory_space<vmem>>
      %dma_start3A_669 = arith.constant 0 : i32
      %dma_start3A_670 = tpu.memref_slice %arg4[%dma_start3A_669, %multiple_of3A_656] : memref<16x1000000xf32, #tpu.memory_space<hbm>> -> memref<16x128xf32, #tpu.memory_space<hbm>>
      %dma_start3A_671 = arith.constant 0 : i32
      %dma_start3A_672 = arith.constant 0 : i32
      %dma_start3A_673 = tpu.memref_slice %arg14[%dma_start3A_664, %dma_start3A_671, %dma_start3A_672] : memref<8x16x128xf32, #tpu.memory_space<vmem>> -> memref<1x16x128xf32, #tpu.memory_space<vmem>>
      %dma_start3A_674 = tpu.memref_squeeze %dma_start3A_673 : memref<1x16x128xf32, #tpu.memory_space<vmem>> -> memref<16x128xf32, #tpu.memory_space<vmem>>
      %dma_start3A_675 = arith.constant 0 : i32
      %dma_start3A_676 = tpu.memref_slice %arg4[%dma_start3A_675, %multiple_of3A_656] : memref<16x1000000xf32, #tpu.memory_space<hbm>> -> memref<16x128xf32, #tpu.memory_space<hbm>>
      tpu.enqueue_dma source(%dma_start3A_676 : memref<16x128xf32, #tpu.memory_space<hbm>>) target(%dma_start3A_674 : memref<16x128xf32, #tpu.memory_space<vmem>>) target_semaphore(%arg22 : memref<!tpu.dma_semaphore, #tpu.memory_space<semaphore_mem>>)
      %dma_start3A_677 = arith.constant 6 : i32
      %dma_start3A_678 = arith.constant 0 : i32
      %dma_start3A_679 = arith.constant 0 : i32
      %dma_start3A_680 = tpu.memref_slice %arg16[%dma_start3A_677, %dma_start3A_678, %dma_start3A_679] : memref<8x16x128xf32, #tpu.memory_space<vmem>> -> memref<1x16x128xf32, #tpu.memory_space<vmem>>
      %dma_start3A_681 = tpu.memref_squeeze %dma_start3A_680 : memref<1x16x128xf32, #tpu.memory_space<vmem>> -> memref<16x128xf32, #tpu.memory_space<vmem>>
      %dma_start3A_682 = arith.constant 0 : i32
      %dma_start3A_683 = tpu.memref_slice %arg5[%dma_start3A_682, %multiple_of3A_663] : memref<16x1000000xf32, #tpu.memory_space<hbm>> -> memref<16x128xf32, #tpu.memory_space<hbm>>
      %dma_start3A_684 = arith.constant 0 : i32
      %dma_start3A_685 = arith.constant 0 : i32
      %dma_start3A_686 = tpu.memref_slice %arg16[%dma_start3A_677, %dma_start3A_684, %dma_start3A_685] : memref<8x16x128xf32, #tpu.memory_space<vmem>> -> memref<1x16x128xf32, #tpu.memory_space<vmem>>
      %dma_start3A_687 = tpu.memref_squeeze %dma_start3A_686 : memref<1x16x128xf32, #tpu.memory_space<vmem>> -> memref<16x128xf32, #tpu.memory_space<vmem>>
      %dma_start3A_688 = arith.constant 0 : i32
      %dma_start3A_689 = tpu.memref_slice %arg5[%dma_start3A_688, %multiple_of3A_663] : memref<16x1000000xf32, #tpu.memory_space<hbm>> -> memref<16x128xf32, #tpu.memory_space<hbm>>
      tpu.enqueue_dma source(%dma_start3A_689 : memref<16x128xf32, #tpu.memory_space<hbm>>) target(%dma_start3A_687 : memref<16x128xf32, #tpu.memory_space<vmem>>) target_semaphore(%arg22 : memref<!tpu.dma_semaphore, #tpu.memory_space<semaphore_mem>>)
      %slice3A_690 = vector.extract_strided_slice %get3A_379 {offsets = [15], sizes = [1], strides = [1]} : vector<16xi32> to vector<1xi32>
      %squeeze3A_691 = vector.extract %slice3A_690[0] : i32 from vector<1xi32>
      %slice3A_692 = vector.extract_strided_slice %get3A_381 {offsets = [15], sizes = [1], strides = [1]} : vector<16xi32> to vector<1xi32>
      %squeeze3A_693 = vector.extract %slice3A_692[0] : i32 from vector<1xi32>
      %shift_right_arithmetic3A_694 = arith.constant 7 : i32
      %shift_right_arithmetic3A_695 = arith.shrsi %squeeze3A_691, %shift_right_arithmetic3A_694 : i32
      %shift_left3A_696 = arith.constant 7 : i32
      %shift_left3A_697 = arith.shli %shift_right_arithmetic3A_695, %shift_left3A_696 : i32
      %min3A_698 = arith.constant 999808 : i32
      %min3A_699 = arith.minsi %shift_left3A_697, %min3A_698 : i32
      %multiple_of3A_700 = tpu.assume_multiple %min3A_699, 128 : i32
      %shift_right_arithmetic3A_701 = arith.constant 7 : i32
      %shift_right_arithmetic3A_702 = arith.shrsi %squeeze3A_693, %shift_right_arithmetic3A_701 : i32
      %shift_left3A_703 = arith.constant 7 : i32
      %shift_left3A_704 = arith.shli %shift_right_arithmetic3A_702, %shift_left3A_703 : i32
      %min3A_705 = arith.constant 999808 : i32
      %min3A_706 = arith.minsi %shift_left3A_704, %min3A_705 : i32
      %multiple_of3A_707 = tpu.assume_multiple %min3A_706, 128 : i32
      %dma_start3A_708 = arith.constant 7 : i32
      %dma_start3A_709 = arith.constant 0 : i32
      %dma_start3A_710 = arith.constant 0 : i32
      %dma_start3A_711 = tpu.memref_slice %arg14[%dma_start3A_708, %dma_start3A_709, %dma_start3A_710] : memref<8x16x128xf32, #tpu.memory_space<vmem>> -> memref<1x16x128xf32, #tpu.memory_space<vmem>>
      %dma_start3A_712 = tpu.memref_squeeze %dma_start3A_711 : memref<1x16x128xf32, #tpu.memory_space<vmem>> -> memref<16x128xf32, #tpu.memory_space<vmem>>
      %dma_start3A_713 = arith.constant 0 : i32
      %dma_start3A_714 = tpu.memref_slice %arg4[%dma_start3A_713, %multiple_of3A_700] : memref<16x1000000xf32, #tpu.memory_space<hbm>> -> memref<16x128xf32, #tpu.memory_space<hbm>>
      %dma_start3A_715 = arith.constant 0 : i32
      %dma_start3A_716 = arith.constant 0 : i32
      %dma_start3A_717 = tpu.memref_slice %arg14[%dma_start3A_708, %dma_start3A_715, %dma_start3A_716] : memref<8x16x128xf32, #tpu.memory_space<vmem>> -> memref<1x16x128xf32, #tpu.memory_space<vmem>>
      %dma_start3A_718 = tpu.memref_squeeze %dma_start3A_717 : memref<1x16x128xf32, #tpu.memory_space<vmem>> -> memref<16x128xf32, #tpu.memory_space<vmem>>
      %dma_start3A_719 = arith.constant 0 : i32
      %dma_start3A_720 = tpu.memref_slice %arg4[%dma_start3A_719, %multiple_of3A_700] : memref<16x1000000xf32, #tpu.memory_space<hbm>> -> memref<16x128xf32, #tpu.memory_space<hbm>>
      tpu.enqueue_dma source(%dma_start3A_720 : memref<16x128xf32, #tpu.memory_space<hbm>>) target(%dma_start3A_718 : memref<16x128xf32, #tpu.memory_space<vmem>>) target_semaphore(%arg22 : memref<!tpu.dma_semaphore, #tpu.memory_space<semaphore_mem>>)
      %dma_start3A_721 = arith.constant 7 : i32
      %dma_start3A_722 = arith.constant 0 : i32
      %dma_start3A_723 = arith.constant 0 : i32
      %dma_start3A_724 = tpu.memref_slice %arg16[%dma_start3A_721, %dma_start3A_722, %dma_start3A_723] : memref<8x16x128xf32, #tpu.memory_space<vmem>> -> memref<1x16x128xf32, #tpu.memory_space<vmem>>
      %dma_start3A_725 = tpu.memref_squeeze %dma_start3A_724 : memref<1x16x128xf32, #tpu.memory_space<vmem>> -> memref<16x128xf32, #tpu.memory_space<vmem>>
      %dma_start3A_726 = arith.constant 0 : i32
      %dma_start3A_727 = tpu.memref_slice %arg5[%dma_start3A_726, %multiple_of3A_707] : memref<16x1000000xf32, #tpu.memory_space<hbm>> -> memref<16x128xf32, #tpu.memory_space<hbm>>
      %dma_start3A_728 = arith.constant 0 : i32
      %dma_start3A_729 = arith.constant 0 : i32
      %dma_start3A_730 = tpu.memref_slice %arg16[%dma_start3A_721, %dma_start3A_728, %dma_start3A_729] : memref<8x16x128xf32, #tpu.memory_space<vmem>> -> memref<1x16x128xf32, #tpu.memory_space<vmem>>
      %dma_start3A_731 = tpu.memref_squeeze %dma_start3A_730 : memref<1x16x128xf32, #tpu.memory_space<vmem>> -> memref<16x128xf32, #tpu.memory_space<vmem>>
      %dma_start3A_732 = arith.constant 0 : i32
      %dma_start3A_733 = tpu.memref_slice %arg5[%dma_start3A_732, %multiple_of3A_707] : memref<16x1000000xf32, #tpu.memory_space<hbm>> -> memref<16x128xf32, #tpu.memory_space<hbm>>
      tpu.enqueue_dma source(%dma_start3A_733 : memref<16x128xf32, #tpu.memory_space<hbm>>) target(%dma_start3A_731 : memref<16x128xf32, #tpu.memory_space<vmem>>) target_semaphore(%arg22 : memref<!tpu.dma_semaphore, #tpu.memory_space<semaphore_mem>>)
      tpu.wait_dma2 semaphore(%arg21 : memref<!tpu.dma_semaphore, #tpu.memory_space<semaphore_mem>>) src(%arg8 : memref<8x16x128xf32, #tpu.memory_space<hbm>>) dst(%arg13 : memref<8x16x128xf32, #tpu.memory_space<vmem>>)
      tpu.wait_dma2 semaphore(%arg21 : memref<!tpu.dma_semaphore, #tpu.memory_space<semaphore_mem>>) src(%arg8 : memref<8x16x128xf32, #tpu.memory_space<hbm>>) dst(%arg15 : memref<8x16x128xf32, #tpu.memory_space<vmem>>)
      %broadcast_in_dim3A = arith.constant 0.000000e+00 : f32
      %broadcast_in_dim3A_734 = vector.broadcast %broadcast_in_dim3A : f32 to vector<16xf32>
      %jit3A_735 = arith.constant 2 : i32
      %div3A_736 = arith.divsi %mul3A_357, %jit3A_735 : i32
      %sign3A_737 = arith.constant 0 : i32
      %sign3A_738 = arith.cmpi sgt, %mul3A_357, %sign3A_737 : i32
      %sign3A_739 = arith.extui %sign3A_738 : i1 to i32
      %sign3A_740 = arith.constant 0 : i32
      %sign3A_741 = arith.cmpi slt, %mul3A_357, %sign3A_740 : i32
      %sign3A_742 = arith.extui %sign3A_741 : i1 to i32
      %sign3A_743 = arith.subi %sign3A_739, %sign3A_742 : i32
      %sign3A_744 = arith.constant 0 : i32
      %sign3A_745 = arith.cmpi sgt, %jit3A_735, %sign3A_744 : i32
      %sign3A_746 = arith.extui %sign3A_745 : i1 to i32
      %sign3A_747 = arith.constant 0 : i32
      %sign3A_748 = arith.cmpi slt, %jit3A_735, %sign3A_747 : i32
      %sign3A_749 = arith.extui %sign3A_748 : i1 to i32
      %sign3A_750 = arith.subi %sign3A_746, %sign3A_749 : i32
      %ne3A_751 = arith.cmpi ne, %sign3A_743, %sign3A_750 : i32
      %rem3A_752 = arith.remsi %mul3A_357, %jit3A_735 : i32
      %ne3A_753 = arith.constant 0 : i32
      %ne3A_754 = arith.cmpi ne, %rem3A_752, %ne3A_753 : i32
      %and3A_755 = arith.andi %ne3A_751, %ne3A_754 : i1
      %sub3A_756 = arith.constant 1 : i32
      %sub3A_757 = arith.subi %div3A_736, %sub3A_756 : i32
      %select_n3A_758 = arith.select %and3A_755, %sub3A_757, %div3A_736 : i32
      %mul3A_759 = arith.constant 16 : i32
      %mul3A_760 = arith.muli %select_n3A_758, %mul3A_759 : i32
      %get3A_761 = arith.index_cast %mul3A_760 : i32 to index
      %get3A_762 = tpu.vector_load %arg11[%get3A_761] {strides = array<i32>} : memref<512xi32, #tpu.memory_space<vmem>>, vector<16xi32>,
      %get3A_763 = arith.index_cast %mul3A_760 : i32 to index
      %get3A_764 = tpu.vector_load %arg12[%get3A_763] {strides = array<i32>} : memref<512xi32, #tpu.memory_space<vmem>>, vector<16xi32>,
      %slice3A_765 = vector.extract_strided_slice %get3A_762 {offsets = [0], sizes = [1], strides = [1]} : vector<16xi32> to vector<1xi32>
      %squeeze3A_766 = vector.extract %slice3A_765[0] : i32 from vector<1xi32>
      %slice3A_767 = vector.extract_strided_slice %get3A_764 {offsets = [0], sizes = [1], strides = [1]} : vector<16xi32> to vector<1xi32>
      %squeeze3A_768 = vector.extract %slice3A_767[0] : i32 from vector<1xi32>
      %ge3A = arith.constant 999936 : i32
      %ge3A_769 = arith.cmpi sge, %squeeze3A_766, %ge3A : i32
      %sub3A_770 = arith.constant 999936 : i32
      %sub3A_771 = arith.subi %squeeze3A_766, %sub3A_770 : i32
      %jit3A_772 = arith.constant 0 : i32
      %jit3A_773 = arith.constant 63 : i32
      %max3A = arith.maxsi %jit3A_772, %sub3A_771 : i32
      %min3A_774 = arith.minsi %jit3A_773, %max3A : i32
      %broadcast_in_dim3A_775 = vector.broadcast %min3A_774 : i32 to vector<16xi32>
      %gather3A = tpu.vector_load_idx %arg18[%iota3A, %broadcast_in_dim3A_775] : memref<16x64xf32, #tpu.memory_space<vmem>>[vector<16xi32>, vector<16xi32>], vector<16xf32>,
      %and3A_776 = arith.constant 127 : i32
      %and3A_777 = arith.andi %squeeze3A_766, %and3A_776 : i32
      %broadcast_in_dim3A_778 = vector.broadcast %and3A_777 : i32 to vector<16xi32>
      %gather3A_779 = arith.constant 0 : i32
      %gather3A_780 = arith.constant 0 : i32
      %gather3A_781 = arith.constant 0 : i32
      %gather3A_782 = tpu.memref_slice %arg13[%gather3A_779, %gather3A_780, %gather3A_781] : memref<8x16x128xf32, #tpu.memory_space<vmem>> -> memref<1x16x128xf32, #tpu.memory_space<vmem>>
      %gather3A_783 = tpu.memref_squeeze %gather3A_782 : memref<1x16x128xf32, #tpu.memory_space<vmem>> -> memref<16x128xf32, #tpu.memory_space<vmem>>
      %gather3A_784 = tpu.vector_load_idx %gather3A_783[%iota3A, %broadcast_in_dim3A_778] : memref<16x128xf32, #tpu.memory_space<vmem>>[vector<16xi32>, vector<16xi32>], vector<16xf32>,
      %select_n3A_785 = arith.select %ge3A_769, %gather3A, %gather3A_784 : vector<16xf32>
      %ge3A_786 = arith.constant 999936 : i32
      %ge3A_787 = arith.cmpi sge, %squeeze3A_768, %ge3A_786 : i32
      %sub3A_788 = arith.constant 999936 : i32
      %sub3A_789 = arith.subi %squeeze3A_768, %sub3A_788 : i32
      %jit3A_790 = arith.constant 0 : i32
      %jit3A_791 = arith.constant 63 : i32
      %max3A_792 = arith.maxsi %jit3A_790, %sub3A_789 : i32
      %min3A_793 = arith.minsi %jit3A_791, %max3A_792 : i32
      %broadcast_in_dim3A_794 = vector.broadcast %min3A_793 : i32 to vector<16xi32>
      %gather3A_795 = tpu.vector_load_idx %arg19[%iota3A, %broadcast_in_dim3A_794] : memref<16x64xf32, #tpu.memory_space<vmem>>[vector<16xi32>, vector<16xi32>], vector<16xf32>,
      %and3A_796 = arith.constant 127 : i32
      %and3A_797 = arith.andi %squeeze3A_768, %and3A_796 : i32
      %broadcast_in_dim3A_798 = vector.broadcast %and3A_797 : i32 to vector<16xi32>
      %gather3A_799 = arith.constant 0 : i32
      %gather3A_800 = arith.constant 0 : i32
      %gather3A_801 = arith.constant 0 : i32
      %gather3A_802 = tpu.memref_slice %arg15[%gather3A_799, %gather3A_800, %gather3A_801] : memref<8x16x128xf32, #tpu.memory_space<vmem>> -> memref<1x16x128xf32, #tpu.memory_space<vmem>>
      %gather3A_803 = tpu.memref_squeeze %gather3A_802 : memref<1x16x128xf32, #tpu.memory_space<vmem>> -> memref<16x128xf32, #tpu.memory_space<vmem>>
      %gather3A_804 = tpu.vector_load_idx %gather3A_803[%iota3A, %broadcast_in_dim3A_798] : memref<16x128xf32, #tpu.memory_space<vmem>>[vector<16xi32>, vector<16xi32>], vector<16xf32>,
      %select_n3A_805 = arith.select %ge3A_787, %gather3A_795, %gather3A_804 : vector<16xf32>
      %and3A_806 = arith.constant 15 : i32
      %and3A_807 = arith.andi %mul3A_357, %and3A_806 : i32
      %mul3A_808 = arith.constant 8 : i32
      %mul3A_809 = arith.muli %and3A_807, %mul3A_808 : i32
      %add3A_810 = arith.constant 0 : i32
      %add3A_811 = arith.addi %mul3A_809, %add3A_810 : i32
      %broadcast_in_dim3A_812 = vector.broadcast %add3A_811 : i32 to vector<16xi32>
      tpu.vector_store_idx %arg17[%iota3A, %broadcast_in_dim3A_812], %select_n3A_805 : memref<16x128xf32, #tpu.memory_space<vmem>>[vector<16xi32>, vector<16xi32>], vector<16xf32>,
      %mul3A_813 = arith.mulf %select_n3A_785, %select_n3A_805 : vector<16xf32>
      %reduce_sum3A = arith.constant true
      %reduce_sum3A_814 = vector.broadcast %reduce_sum3A : i1 to vector<16xi1>
      %reduce_sum3A_815 = tpu.scan <sum>, %mul3A_813 masked %reduce_sum3A_814 : vector<16xf32>, vector<16xi1> -> vector<16xf32>
      %reduce_sum3A_816 = vector.extract %reduce_sum3A_815[15] : f32 from vector<16xf32>
      %eq3A = arith.constant 0 : i32
      %eq3A_817 = vector.broadcast %eq3A : i32 to vector<16xi32>
      %eq3A_818 = arith.cmpi eq, %iota3A, %eq3A_817 : vector<16xi32>
      %broadcast_in_dim3A_819 = vector.broadcast %reduce_sum3A_816 : f32 to vector<16xf32>
      %select_n3A_820 = arith.select %eq3A_818, %broadcast_in_dim3A_819, %broadcast_in_dim3A_734 : vector<16xi1>, vector<16xf32>
      %slice3A_821 = vector.extract_strided_slice %get3A_762 {offsets = [1], sizes = [1], strides = [1]} : vector<16xi32> to vector<1xi32>
      %squeeze3A_822 = vector.extract %slice3A_821[0] : i32 from vector<1xi32>
      %slice3A_823 = vector.extract_strided_slice %get3A_764 {offsets = [1], sizes = [1], strides = [1]} : vector<16xi32> to vector<1xi32>
      %squeeze3A_824 = vector.extract %slice3A_823[0] : i32 from vector<1xi32>
      %ge3A_825 = arith.constant 999936 : i32
      %ge3A_826 = arith.cmpi sge, %squeeze3A_822, %ge3A_825 : i32
      %sub3A_827 = arith.constant 999936 : i32
      %sub3A_828 = arith.subi %squeeze3A_822, %sub3A_827 : i32
      %jit3A_829 = arith.constant 0 : i32
      %jit3A_830 = arith.constant 63 : i32
      %max3A_831 = arith.maxsi %jit3A_829, %sub3A_828 : i32
      %min3A_832 = arith.minsi %jit3A_830, %max3A_831 : i32
      %broadcast_in_dim3A_833 = vector.broadcast %min3A_832 : i32 to vector<16xi32>
      %gather3A_834 = tpu.vector_load_idx %arg18[%iota3A, %broadcast_in_dim3A_833] : memref<16x64xf32, #tpu.memory_space<vmem>>[vector<16xi32>, vector<16xi32>], vector<16xf32>,
      %and3A_835 = arith.constant 127 : i32
      %and3A_836 = arith.andi %squeeze3A_822, %and3A_835 : i32
      %broadcast_in_dim3A_837 = vector.broadcast %and3A_836 : i32 to vector<16xi32>
      %gather3A_838 = arith.constant 1 : i32
      %gather3A_839 = arith.constant 0 : i32
      %gather3A_840 = arith.constant 0 : i32
      %gather3A_841 = tpu.memref_slice %arg13[%gather3A_838, %gather3A_839, %gather3A_840] : memref<8x16x128xf32, #tpu.memory_space<vmem>> -> memref<1x16x128xf32, #tpu.memory_space<vmem>>
      %gather3A_842 = tpu.memref_squeeze %gather3A_841 : memref<1x16x128xf32, #tpu.memory_space<vmem>> -> memref<16x128xf32, #tpu.memory_space<vmem>>
      %gather3A_843 = tpu.vector_load_idx %gather3A_842[%iota3A, %broadcast_in_dim3A_837] : memref<16x128xf32, #tpu.memory_space<vmem>>[vector<16xi32>, vector<16xi32>], vector<16xf32>,
      %select_n3A_844 = arith.select %ge3A_826, %gather3A_834, %gather3A_843 : vector<16xf32>
      %ge3A_845 = arith.constant 999936 : i32
      %ge3A_846 = arith.cmpi sge, %squeeze3A_824, %ge3A_845 : i32
      %sub3A_847 = arith.constant 999936 : i32
      %sub3A_848 = arith.subi %squeeze3A_824, %sub3A_847 : i32
      %jit3A_849 = arith.constant 0 : i32
      %jit3A_850 = arith.constant 63 : i32
      %max3A_851 = arith.maxsi %jit3A_849, %sub3A_848 : i32
      %min3A_852 = arith.minsi %jit3A_850, %max3A_851 : i32
      %broadcast_in_dim3A_853 = vector.broadcast %min3A_852 : i32 to vector<16xi32>
      %gather3A_854 = tpu.vector_load_idx %arg19[%iota3A, %broadcast_in_dim3A_853] : memref<16x64xf32, #tpu.memory_space<vmem>>[vector<16xi32>, vector<16xi32>], vector<16xf32>,
      %and3A_855 = arith.constant 127 : i32
      %and3A_856 = arith.andi %squeeze3A_824, %and3A_855 : i32
      %broadcast_in_dim3A_857 = vector.broadcast %and3A_856 : i32 to vector<16xi32>
      %gather3A_858 = arith.constant 1 : i32
      %gather3A_859 = arith.constant 0 : i32
      %gather3A_860 = arith.constant 0 : i32
      %gather3A_861 = tpu.memref_slice %arg15[%gather3A_858, %gather3A_859, %gather3A_860] : memref<8x16x128xf32, #tpu.memory_space<vmem>> -> memref<1x16x128xf32, #tpu.memory_space<vmem>>
      %gather3A_862 = tpu.memref_squeeze %gather3A_861 : memref<1x16x128xf32, #tpu.memory_space<vmem>> -> memref<16x128xf32, #tpu.memory_space<vmem>>
      %gather3A_863 = tpu.vector_load_idx %gather3A_862[%iota3A, %broadcast_in_dim3A_857] : memref<16x128xf32, #tpu.memory_space<vmem>>[vector<16xi32>, vector<16xi32>], vector<16xf32>,
      %select_n3A_864 = arith.select %ge3A_846, %gather3A_854, %gather3A_863 : vector<16xf32>
      %and3A_865 = arith.constant 15 : i32
      %and3A_866 = arith.andi %mul3A_357, %and3A_865 : i32
      %mul3A_867 = arith.constant 8 : i32
      %mul3A_868 = arith.muli %and3A_866, %mul3A_867 : i32
      %add3A_869 = arith.constant 1 : i32
      %add3A_870 = arith.addi %mul3A_868, %add3A_869 : i32
      %broadcast_in_dim3A_871 = vector.broadcast %add3A_870 : i32 to vector<16xi32>
      tpu.vector_store_idx %arg17[%iota3A, %broadcast_in_dim3A_871], %select_n3A_864 : memref<16x128xf32, #tpu.memory_space<vmem>>[vector<16xi32>, vector<16xi32>], vector<16xf32>,
      %mul3A_872 = arith.mulf %select_n3A_844, %select_n3A_864 : vector<16xf32>
      %reduce_sum3A_873 = arith.constant true
      %reduce_sum3A_874 = vector.broadcast %reduce_sum3A_873 : i1 to vector<16xi1>
      %reduce_sum3A_875 = tpu.scan <sum>, %mul3A_872 masked %reduce_sum3A_874 : vector<16xf32>, vector<16xi1> -> vector<16xf32>
      %reduce_sum3A_876 = vector.extract %reduce_sum3A_875[15] : f32 from vector<16xf32>
      %eq3A_877 = arith.constant 1 : i32
      %eq3A_878 = vector.broadcast %eq3A_877 : i32 to vector<16xi32>
      %eq3A_879 = arith.cmpi eq, %iota3A, %eq3A_878 : vector<16xi32>
      %broadcast_in_dim3A_880 = vector.broadcast %reduce_sum3A_876 : f32 to vector<16xf32>
      %select_n3A_881 = arith.select %eq3A_879, %broadcast_in_dim3A_880, %select_n3A_820 : vector<16xi1>, vector<16xf32>
      %slice3A_882 = vector.extract_strided_slice %get3A_762 {offsets = [2], sizes = [1], strides = [1]} : vector<16xi32> to vector<1xi32>
      %squeeze3A_883 = vector.extract %slice3A_882[0] : i32 from vector<1xi32>
      %slice3A_884 = vector.extract_strided_slice %get3A_764 {offsets = [2], sizes = [1], strides = [1]} : vector<16xi32> to vector<1xi32>
      %squeeze3A_885 = vector.extract %slice3A_884[0] : i32 from vector<1xi32>
      %ge3A_886 = arith.constant 999936 : i32
      %ge3A_887 = arith.cmpi sge, %squeeze3A_883, %ge3A_886 : i32
      %sub3A_888 = arith.constant 999936 : i32
      %sub3A_889 = arith.subi %squeeze3A_883, %sub3A_888 : i32
      %jit3A_890 = arith.constant 0 : i32
      %jit3A_891 = arith.constant 63 : i32
      %max3A_892 = arith.maxsi %jit3A_890, %sub3A_889 : i32
      %min3A_893 = arith.minsi %jit3A_891, %max3A_892 : i32
      %broadcast_in_dim3A_894 = vector.broadcast %min3A_893 : i32 to vector<16xi32>
      %gather3A_895 = tpu.vector_load_idx %arg18[%iota3A, %broadcast_in_dim3A_894] : memref<16x64xf32, #tpu.memory_space<vmem>>[vector<16xi32>, vector<16xi32>], vector<16xf32>,
      %and3A_896 = arith.constant 127 : i32
      %and3A_897 = arith.andi %squeeze3A_883, %and3A_896 : i32
      %broadcast_in_dim3A_898 = vector.broadcast %and3A_897 : i32 to vector<16xi32>
      %gather3A_899 = arith.constant 2 : i32
      %gather3A_900 = arith.constant 0 : i32
      %gather3A_901 = arith.constant 0 : i32
      %gather3A_902 = tpu.memref_slice %arg13[%gather3A_899, %gather3A_900, %gather3A_901] : memref<8x16x128xf32, #tpu.memory_space<vmem>> -> memref<1x16x128xf32, #tpu.memory_space<vmem>>
      %gather3A_903 = tpu.memref_squeeze %gather3A_902 : memref<1x16x128xf32, #tpu.memory_space<vmem>> -> memref<16x128xf32, #tpu.memory_space<vmem>>
      %gather3A_904 = tpu.vector_load_idx %gather3A_903[%iota3A, %broadcast_in_dim3A_898] : memref<16x128xf32, #tpu.memory_space<vmem>>[vector<16xi32>, vector<16xi32>], vector<16xf32>,
      %select_n3A_905 = arith.select %ge3A_887, %gather3A_895, %gather3A_904 : vector<16xf32>
      %ge3A_906 = arith.constant 999936 : i32
      %ge3A_907 = arith.cmpi sge, %squeeze3A_885, %ge3A_906 : i32
      %sub3A_908 = arith.constant 999936 : i32
      %sub3A_909 = arith.subi %squeeze3A_885, %sub3A_908 : i32
      %jit3A_910 = arith.constant 0 : i32
      %jit3A_911 = arith.constant 63 : i32
      %max3A_912 = arith.maxsi %jit3A_910, %sub3A_909 : i32
      %min3A_913 = arith.minsi %jit3A_911, %max3A_912 : i32
      %broadcast_in_dim3A_914 = vector.broadcast %min3A_913 : i32 to vector<16xi32>
      %gather3A_915 = tpu.vector_load_idx %arg19[%iota3A, %broadcast_in_dim3A_914] : memref<16x64xf32, #tpu.memory_space<vmem>>[vector<16xi32>, vector<16xi32>], vector<16xf32>,
      %and3A_916 = arith.constant 127 : i32
      %and3A_917 = arith.andi %squeeze3A_885, %and3A_916 : i32
      %broadcast_in_dim3A_918 = vector.broadcast %and3A_917 : i32 to vector<16xi32>
      %gather3A_919 = arith.constant 2 : i32
      %gather3A_920 = arith.constant 0 : i32
      %gather3A_921 = arith.constant 0 : i32
      %gather3A_922 = tpu.memref_slice %arg15[%gather3A_919, %gather3A_920, %gather3A_921] : memref<8x16x128xf32, #tpu.memory_space<vmem>> -> memref<1x16x128xf32, #tpu.memory_space<vmem>>
      %gather3A_923 = tpu.memref_squeeze %gather3A_922 : memref<1x16x128xf32, #tpu.memory_space<vmem>> -> memref<16x128xf32, #tpu.memory_space<vmem>>
      %gather3A_924 = tpu.vector_load_idx %gather3A_923[%iota3A, %broadcast_in_dim3A_918] : memref<16x128xf32, #tpu.memory_space<vmem>>[vector<16xi32>, vector<16xi32>], vector<16xf32>,
      %select_n3A_925 = arith.select %ge3A_907, %gather3A_915, %gather3A_924 : vector<16xf32>
      %and3A_926 = arith.constant 15 : i32
      %and3A_927 = arith.andi %mul3A_357, %and3A_926 : i32
      %mul3A_928 = arith.constant 8 : i32
      %mul3A_929 = arith.muli %and3A_927, %mul3A_928 : i32
      %add3A_930 = arith.constant 2 : i32
      %add3A_931 = arith.addi %mul3A_929, %add3A_930 : i32
      %broadcast_in_dim3A_932 = vector.broadcast %add3A_931 : i32 to vector<16xi32>
      tpu.vector_store_idx %arg17[%iota3A, %broadcast_in_dim3A_932], %select_n3A_925 : memref<16x128xf32, #tpu.memory_space<vmem>>[vector<16xi32>, vector<16xi32>], vector<16xf32>,
      %mul3A_933 = arith.mulf %select_n3A_905, %select_n3A_925 : vector<16xf32>
      %reduce_sum3A_934 = arith.constant true
      %reduce_sum3A_935 = vector.broadcast %reduce_sum3A_934 : i1 to vector<16xi1>
      %reduce_sum3A_936 = tpu.scan <sum>, %mul3A_933 masked %reduce_sum3A_935 : vector<16xf32>, vector<16xi1> -> vector<16xf32>
      %reduce_sum3A_937 = vector.extract %reduce_sum3A_936[15] : f32 from vector<16xf32>
      %eq3A_938 = arith.constant 2 : i32
      %eq3A_939 = vector.broadcast %eq3A_938 : i32 to vector<16xi32>
      %eq3A_940 = arith.cmpi eq, %iota3A, %eq3A_939 : vector<16xi32>
      %broadcast_in_dim3A_941 = vector.broadcast %reduce_sum3A_937 : f32 to vector<16xf32>
      %select_n3A_942 = arith.select %eq3A_940, %broadcast_in_dim3A_941, %select_n3A_881 : vector<16xi1>, vector<16xf32>
      %slice3A_943 = vector.extract_strided_slice %get3A_762 {offsets = [3], sizes = [1], strides = [1]} : vector<16xi32> to vector<1xi32>
      %squeeze3A_944 = vector.extract %slice3A_943[0] : i32 from vector<1xi32>
      %slice3A_945 = vector.extract_strided_slice %get3A_764 {offsets = [3], sizes = [1], strides = [1]} : vector<16xi32> to vector<1xi32>
      %squeeze3A_946 = vector.extract %slice3A_945[0] : i32 from vector<1xi32>
      %ge3A_947 = arith.constant 999936 : i32
      %ge3A_948 = arith.cmpi sge, %squeeze3A_944, %ge3A_947 : i32
      %sub3A_949 = arith.constant 999936 : i32
      %sub3A_950 = arith.subi %squeeze3A_944, %sub3A_949 : i32
      %jit3A_951 = arith.constant 0 : i32
      %jit3A_952 = arith.constant 63 : i32
      %max3A_953 = arith.maxsi %jit3A_951, %sub3A_950 : i32
      %min3A_954 = arith.minsi %jit3A_952, %max3A_953 : i32
      %broadcast_in_dim3A_955 = vector.broadcast %min3A_954 : i32 to vector<16xi32>
      %gather3A_956 = tpu.vector_load_idx %arg18[%iota3A, %broadcast_in_dim3A_955] : memref<16x64xf32, #tpu.memory_space<vmem>>[vector<16xi32>, vector<16xi32>], vector<16xf32>,
      %and3A_957 = arith.constant 127 : i32
      %and3A_958 = arith.andi %squeeze3A_944, %and3A_957 : i32
      %broadcast_in_dim3A_959 = vector.broadcast %and3A_958 : i32 to vector<16xi32>
      %gather3A_960 = arith.constant 3 : i32
      %gather3A_961 = arith.constant 0 : i32
      %gather3A_962 = arith.constant 0 : i32
      %gather3A_963 = tpu.memref_slice %arg13[%gather3A_960, %gather3A_961, %gather3A_962] : memref<8x16x128xf32, #tpu.memory_space<vmem>> -> memref<1x16x128xf32, #tpu.memory_space<vmem>>
      %gather3A_964 = tpu.memref_squeeze %gather3A_963 : memref<1x16x128xf32, #tpu.memory_space<vmem>> -> memref<16x128xf32, #tpu.memory_space<vmem>>
      %gather3A_965 = tpu.vector_load_idx %gather3A_964[%iota3A, %broadcast_in_dim3A_959] : memref<16x128xf32, #tpu.memory_space<vmem>>[vector<16xi32>, vector<16xi32>], vector<16xf32>,
      %select_n3A_966 = arith.select %ge3A_948, %gather3A_956, %gather3A_965 : vector<16xf32>
      %ge3A_967 = arith.constant 999936 : i32
      %ge3A_968 = arith.cmpi sge, %squeeze3A_946, %ge3A_967 : i32
      %sub3A_969 = arith.constant 999936 : i32
      %sub3A_970 = arith.subi %squeeze3A_946, %sub3A_969 : i32
      %jit3A_971 = arith.constant 0 : i32
      %jit3A_972 = arith.constant 63 : i32
      %max3A_973 = arith.maxsi %jit3A_971, %sub3A_970 : i32
      %min3A_974 = arith.minsi %jit3A_972, %max3A_973 : i32
      %broadcast_in_dim3A_975 = vector.broadcast %min3A_974 : i32 to vector<16xi32>
      %gather3A_976 = tpu.vector_load_idx %arg19[%iota3A, %broadcast_in_dim3A_975] : memref<16x64xf32, #tpu.memory_space<vmem>>[vector<16xi32>, vector<16xi32>], vector<16xf32>,
      %and3A_977 = arith.constant 127 : i32
      %and3A_978 = arith.andi %squeeze3A_946, %and3A_977 : i32
      %broadcast_in_dim3A_979 = vector.broadcast %and3A_978 : i32 to vector<16xi32>
      %gather3A_980 = arith.constant 3 : i32
      %gather3A_981 = arith.constant 0 : i32
      %gather3A_982 = arith.constant 0 : i32
      %gather3A_983 = tpu.memref_slice %arg15[%gather3A_980, %gather3A_981, %gather3A_982] : memref<8x16x128xf32, #tpu.memory_space<vmem>> -> memref<1x16x128xf32, #tpu.memory_space<vmem>>
      %gather3A_984 = tpu.memref_squeeze %gather3A_983 : memref<1x16x128xf32, #tpu.memory_space<vmem>> -> memref<16x128xf32, #tpu.memory_space<vmem>>
      %gather3A_985 = tpu.vector_load_idx %gather3A_984[%iota3A, %broadcast_in_dim3A_979] : memref<16x128xf32, #tpu.memory_space<vmem>>[vector<16xi32>, vector<16xi32>], vector<16xf32>,
      %select_n3A_986 = arith.select %ge3A_968, %gather3A_976, %gather3A_985 : vector<16xf32>
      %and3A_987 = arith.constant 15 : i32
      %and3A_988 = arith.andi %mul3A_357, %and3A_987 : i32
      %mul3A_989 = arith.constant 8 : i32
      %mul3A_990 = arith.muli %and3A_988, %mul3A_989 : i32
      %add3A_991 = arith.constant 3 : i32
      %add3A_992 = arith.addi %mul3A_990, %add3A_991 : i32
      %broadcast_in_dim3A_993 = vector.broadcast %add3A_992 : i32 to vector<16xi32>
      tpu.vector_store_idx %arg17[%iota3A, %broadcast_in_dim3A_993], %select_n3A_986 : memref<16x128xf32, #tpu.memory_space<vmem>>[vector<16xi32>, vector<16xi32>], vector<16xf32>,
      %mul3A_994 = arith.mulf %select_n3A_966, %select_n3A_986 : vector<16xf32>
      %reduce_sum3A_995 = arith.constant true
      %reduce_sum3A_996 = vector.broadcast %reduce_sum3A_995 : i1 to vector<16xi1>
      %reduce_sum3A_997 = tpu.scan <sum>, %mul3A_994 masked %reduce_sum3A_996 : vector<16xf32>, vector<16xi1> -> vector<16xf32>
      %reduce_sum3A_998 = vector.extract %reduce_sum3A_997[15] : f32 from vector<16xf32>
      %eq3A_999 = arith.constant 3 : i32
      %eq3A_1000 = vector.broadcast %eq3A_999 : i32 to vector<16xi32>
      %eq3A_1001 = arith.cmpi eq, %iota3A, %eq3A_1000 : vector<16xi32>
      %broadcast_in_dim3A_1002 = vector.broadcast %reduce_sum3A_998 : f32 to vector<16xf32>
      %select_n3A_1003 = arith.select %eq3A_1001, %broadcast_in_dim3A_1002, %select_n3A_942 : vector<16xi1>, vector<16xf32>
      %slice3A_1004 = vector.extract_strided_slice %get3A_762 {offsets = [4], sizes = [1], strides = [1]} : vector<16xi32> to vector<1xi32>
      %squeeze3A_1005 = vector.extract %slice3A_1004[0] : i32 from vector<1xi32>
      %slice3A_1006 = vector.extract_strided_slice %get3A_764 {offsets = [4], sizes = [1], strides = [1]} : vector<16xi32> to vector<1xi32>
      %squeeze3A_1007 = vector.extract %slice3A_1006[0] : i32 from vector<1xi32>
      %ge3A_1008 = arith.constant 999936 : i32
      %ge3A_1009 = arith.cmpi sge, %squeeze3A_1005, %ge3A_1008 : i32
      %sub3A_1010 = arith.constant 999936 : i32
      %sub3A_1011 = arith.subi %squeeze3A_1005, %sub3A_1010 : i32
      %jit3A_1012 = arith.constant 0 : i32
      %jit3A_1013 = arith.constant 63 : i32
      %max3A_1014 = arith.maxsi %jit3A_1012, %sub3A_1011 : i32
      %min3A_1015 = arith.minsi %jit3A_1013, %max3A_1014 : i32
      %broadcast_in_dim3A_1016 = vector.broadcast %min3A_1015 : i32 to vector<16xi32>
      %gather3A_1017 = tpu.vector_load_idx %arg18[%iota3A, %broadcast_in_dim3A_1016] : memref<16x64xf32, #tpu.memory_space<vmem>>[vector<16xi32>, vector<16xi32>], vector<16xf32>,
      %and3A_1018 = arith.constant 127 : i32
      %and3A_1019 = arith.andi %squeeze3A_1005, %and3A_1018 : i32
      %broadcast_in_dim3A_1020 = vector.broadcast %and3A_1019 : i32 to vector<16xi32>
      %gather3A_1021 = arith.constant 4 : i32
      %gather3A_1022 = arith.constant 0 : i32
      %gather3A_1023 = arith.constant 0 : i32
      %gather3A_1024 = tpu.memref_slice %arg13[%gather3A_1021, %gather3A_1022, %gather3A_1023] : memref<8x16x128xf32, #tpu.memory_space<vmem>> -> memref<1x16x128xf32, #tpu.memory_space<vmem>>
      %gather3A_1025 = tpu.memref_squeeze %gather3A_1024 : memref<1x16x128xf32, #tpu.memory_space<vmem>> -> memref<16x128xf32, #tpu.memory_space<vmem>>
      %gather3A_1026 = tpu.vector_load_idx %gather3A_1025[%iota3A, %broadcast_in_dim3A_1020] : memref<16x128xf32, #tpu.memory_space<vmem>>[vector<16xi32>, vector<16xi32>], vector<16xf32>,
      %select_n3A_1027 = arith.select %ge3A_1009, %gather3A_1017, %gather3A_1026 : vector<16xf32>
      %ge3A_1028 = arith.constant 999936 : i32
      %ge3A_1029 = arith.cmpi sge, %squeeze3A_1007, %ge3A_1028 : i32
      %sub3A_1030 = arith.constant 999936 : i32
      %sub3A_1031 = arith.subi %squeeze3A_1007, %sub3A_1030 : i32
      %jit3A_1032 = arith.constant 0 : i32
      %jit3A_1033 = arith.constant 63 : i32
      %max3A_1034 = arith.maxsi %jit3A_1032, %sub3A_1031 : i32
      %min3A_1035 = arith.minsi %jit3A_1033, %max3A_1034 : i32
      %broadcast_in_dim3A_1036 = vector.broadcast %min3A_1035 : i32 to vector<16xi32>
      %gather3A_1037 = tpu.vector_load_idx %arg19[%iota3A, %broadcast_in_dim3A_1036] : memref<16x64xf32, #tpu.memory_space<vmem>>[vector<16xi32>, vector<16xi32>], vector<16xf32>,
      %and3A_1038 = arith.constant 127 : i32
      %and3A_1039 = arith.andi %squeeze3A_1007, %and3A_1038 : i32
      %broadcast_in_dim3A_1040 = vector.broadcast %and3A_1039 : i32 to vector<16xi32>
      %gather3A_1041 = arith.constant 4 : i32
      %gather3A_1042 = arith.constant 0 : i32
      %gather3A_1043 = arith.constant 0 : i32
      %gather3A_1044 = tpu.memref_slice %arg15[%gather3A_1041, %gather3A_1042, %gather3A_1043] : memref<8x16x128xf32, #tpu.memory_space<vmem>> -> memref<1x16x128xf32, #tpu.memory_space<vmem>>
      %gather3A_1045 = tpu.memref_squeeze %gather3A_1044 : memref<1x16x128xf32, #tpu.memory_space<vmem>> -> memref<16x128xf32, #tpu.memory_space<vmem>>
      %gather3A_1046 = tpu.vector_load_idx %gather3A_1045[%iota3A, %broadcast_in_dim3A_1040] : memref<16x128xf32, #tpu.memory_space<vmem>>[vector<16xi32>, vector<16xi32>], vector<16xf32>,
      %select_n3A_1047 = arith.select %ge3A_1029, %gather3A_1037, %gather3A_1046 : vector<16xf32>
      %and3A_1048 = arith.constant 15 : i32
      %and3A_1049 = arith.andi %mul3A_357, %and3A_1048 : i32
      %mul3A_1050 = arith.constant 8 : i32
      %mul3A_1051 = arith.muli %and3A_1049, %mul3A_1050 : i32
      %add3A_1052 = arith.constant 4 : i32
      %add3A_1053 = arith.addi %mul3A_1051, %add3A_1052 : i32
      %broadcast_in_dim3A_1054 = vector.broadcast %add3A_1053 : i32 to vector<16xi32>
      tpu.vector_store_idx %arg17[%iota3A, %broadcast_in_dim3A_1054], %select_n3A_1047 : memref<16x128xf32, #tpu.memory_space<vmem>>[vector<16xi32>, vector<16xi32>], vector<16xf32>,
      %mul3A_1055 = arith.mulf %select_n3A_1027, %select_n3A_1047 : vector<16xf32>
      %reduce_sum3A_1056 = arith.constant true
      %reduce_sum3A_1057 = vector.broadcast %reduce_sum3A_1056 : i1 to vector<16xi1>
      %reduce_sum3A_1058 = tpu.scan <sum>, %mul3A_1055 masked %reduce_sum3A_1057 : vector<16xf32>, vector<16xi1> -> vector<16xf32>
      %reduce_sum3A_1059 = vector.extract %reduce_sum3A_1058[15] : f32 from vector<16xf32>
      %eq3A_1060 = arith.constant 4 : i32
      %eq3A_1061 = vector.broadcast %eq3A_1060 : i32 to vector<16xi32>
      %eq3A_1062 = arith.cmpi eq, %iota3A, %eq3A_1061 : vector<16xi32>
      %broadcast_in_dim3A_1063 = vector.broadcast %reduce_sum3A_1059 : f32 to vector<16xf32>
      %select_n3A_1064 = arith.select %eq3A_1062, %broadcast_in_dim3A_1063, %select_n3A_1003 : vector<16xi1>, vector<16xf32>
      %slice3A_1065 = vector.extract_strided_slice %get3A_762 {offsets = [5], sizes = [1], strides = [1]} : vector<16xi32> to vector<1xi32>
      %squeeze3A_1066 = vector.extract %slice3A_1065[0] : i32 from vector<1xi32>
      %slice3A_1067 = vector.extract_strided_slice %get3A_764 {offsets = [5], sizes = [1], strides = [1]} : vector<16xi32> to vector<1xi32>
      %squeeze3A_1068 = vector.extract %slice3A_1067[0] : i32 from vector<1xi32>
      %ge3A_1069 = arith.constant 999936 : i32
      %ge3A_1070 = arith.cmpi sge, %squeeze3A_1066, %ge3A_1069 : i32
      %sub3A_1071 = arith.constant 999936 : i32
      %sub3A_1072 = arith.subi %squeeze3A_1066, %sub3A_1071 : i32
      %jit3A_1073 = arith.constant 0 : i32
      %jit3A_1074 = arith.constant 63 : i32
      %max3A_1075 = arith.maxsi %jit3A_1073, %sub3A_1072 : i32
      %min3A_1076 = arith.minsi %jit3A_1074, %max3A_1075 : i32
      %broadcast_in_dim3A_1077 = vector.broadcast %min3A_1076 : i32 to vector<16xi32>
      %gather3A_1078 = tpu.vector_load_idx %arg18[%iota3A, %broadcast_in_dim3A_1077] : memref<16x64xf32, #tpu.memory_space<vmem>>[vector<16xi32>, vector<16xi32>], vector<16xf32>,
      %and3A_1079 = arith.constant 127 : i32
      %and3A_1080 = arith.andi %squeeze3A_1066, %and3A_1079 : i32
      %broadcast_in_dim3A_1081 = vector.broadcast %and3A_1080 : i32 to vector<16xi32>
      %gather3A_1082 = arith.constant 5 : i32
      %gather3A_1083 = arith.constant 0 : i32
      %gather3A_1084 = arith.constant 0 : i32
      %gather3A_1085 = tpu.memref_slice %arg13[%gather3A_1082, %gather3A_1083, %gather3A_1084] : memref<8x16x128xf32, #tpu.memory_space<vmem>> -> memref<1x16x128xf32, #tpu.memory_space<vmem>>
      %gather3A_1086 = tpu.memref_squeeze %gather3A_1085 : memref<1x16x128xf32, #tpu.memory_space<vmem>> -> memref<16x128xf32, #tpu.memory_space<vmem>>
      %gather3A_1087 = tpu.vector_load_idx %gather3A_1086[%iota3A, %broadcast_in_dim3A_1081] : memref<16x128xf32, #tpu.memory_space<vmem>>[vector<16xi32>, vector<16xi32>], vector<16xf32>,
      %select_n3A_1088 = arith.select %ge3A_1070, %gather3A_1078, %gather3A_1087 : vector<16xf32>
      %ge3A_1089 = arith.constant 999936 : i32
      %ge3A_1090 = arith.cmpi sge, %squeeze3A_1068, %ge3A_1089 : i32
      %sub3A_1091 = arith.constant 999936 : i32
      %sub3A_1092 = arith.subi %squeeze3A_1068, %sub3A_1091 : i32
      %jit3A_1093 = arith.constant 0 : i32
      %jit3A_1094 = arith.constant 63 : i32
      %max3A_1095 = arith.maxsi %jit3A_1093, %sub3A_1092 : i32
      %min3A_1096 = arith.minsi %jit3A_1094, %max3A_1095 : i32
      %broadcast_in_dim3A_1097 = vector.broadcast %min3A_1096 : i32 to vector<16xi32>
      %gather3A_1098 = tpu.vector_load_idx %arg19[%iota3A, %broadcast_in_dim3A_1097] : memref<16x64xf32, #tpu.memory_space<vmem>>[vector<16xi32>, vector<16xi32>], vector<16xf32>,
      %and3A_1099 = arith.constant 127 : i32
      %and3A_1100 = arith.andi %squeeze3A_1068, %and3A_1099 : i32
      %broadcast_in_dim3A_1101 = vector.broadcast %and3A_1100 : i32 to vector<16xi32>
      %gather3A_1102 = arith.constant 5 : i32
      %gather3A_1103 = arith.constant 0 : i32
      %gather3A_1104 = arith.constant 0 : i32
      %gather3A_1105 = tpu.memref_slice %arg15[%gather3A_1102, %gather3A_1103, %gather3A_1104] : memref<8x16x128xf32, #tpu.memory_space<vmem>> -> memref<1x16x128xf32, #tpu.memory_space<vmem>>
      %gather3A_1106 = tpu.memref_squeeze %gather3A_1105 : memref<1x16x128xf32, #tpu.memory_space<vmem>> -> memref<16x128xf32, #tpu.memory_space<vmem>>
      %gather3A_1107 = tpu.vector_load_idx %gather3A_1106[%iota3A, %broadcast_in_dim3A_1101] : memref<16x128xf32, #tpu.memory_space<vmem>>[vector<16xi32>, vector<16xi32>], vector<16xf32>,
      %select_n3A_1108 = arith.select %ge3A_1090, %gather3A_1098, %gather3A_1107 : vector<16xf32>
      %and3A_1109 = arith.constant 15 : i32
      %and3A_1110 = arith.andi %mul3A_357, %and3A_1109 : i32
      %mul3A_1111 = arith.constant 8 : i32
      %mul3A_1112 = arith.muli %and3A_1110, %mul3A_1111 : i32
      %add3A_1113 = arith.constant 5 : i32
      %add3A_1114 = arith.addi %mul3A_1112, %add3A_1113 : i32
      %broadcast_in_dim3A_1115 = vector.broadcast %add3A_1114 : i32 to vector<16xi32>
      tpu.vector_store_idx %arg17[%iota3A, %broadcast_in_dim3A_1115], %select_n3A_1108 : memref<16x128xf32, #tpu.memory_space<vmem>>[vector<16xi32>, vector<16xi32>], vector<16xf32>,
      %mul3A_1116 = arith.mulf %select_n3A_1088, %select_n3A_1108 : vector<16xf32>
      %reduce_sum3A_1117 = arith.constant true
      %reduce_sum3A_1118 = vector.broadcast %reduce_sum3A_1117 : i1 to vector<16xi1>
      %reduce_sum3A_1119 = tpu.scan <sum>, %mul3A_1116 masked %reduce_sum3A_1118 : vector<16xf32>, vector<16xi1> -> vector<16xf32>
      %reduce_sum3A_1120 = vector.extract %reduce_sum3A_1119[15] : f32 from vector<16xf32>
      %eq3A_1121 = arith.constant 5 : i32
      %eq3A_1122 = vector.broadcast %eq3A_1121 : i32 to vector<16xi32>
      %eq3A_1123 = arith.cmpi eq, %iota3A, %eq3A_1122 : vector<16xi32>
      %broadcast_in_dim3A_1124 = vector.broadcast %reduce_sum3A_1120 : f32 to vector<16xf32>
      %select_n3A_1125 = arith.select %eq3A_1123, %broadcast_in_dim3A_1124, %select_n3A_1064 : vector<16xi1>, vector<16xf32>
      %slice3A_1126 = vector.extract_strided_slice %get3A_762 {offsets = [6], sizes = [1], strides = [1]} : vector<16xi32> to vector<1xi32>
      %squeeze3A_1127 = vector.extract %slice3A_1126[0] : i32 from vector<1xi32>
      %slice3A_1128 = vector.extract_strided_slice %get3A_764 {offsets = [6], sizes = [1], strides = [1]} : vector<16xi32> to vector<1xi32>
      %squeeze3A_1129 = vector.extract %slice3A_1128[0] : i32 from vector<1xi32>
      %ge3A_1130 = arith.constant 999936 : i32
      %ge3A_1131 = arith.cmpi sge, %squeeze3A_1127, %ge3A_1130 : i32
      %sub3A_1132 = arith.constant 999936 : i32
      %sub3A_1133 = arith.subi %squeeze3A_1127, %sub3A_1132 : i32
      %jit3A_1134 = arith.constant 0 : i32
      %jit3A_1135 = arith.constant 63 : i32
      %max3A_1136 = arith.maxsi %jit3A_1134, %sub3A_1133 : i32
      %min3A_1137 = arith.minsi %jit3A_1135, %max3A_1136 : i32
      %broadcast_in_dim3A_1138 = vector.broadcast %min3A_1137 : i32 to vector<16xi32>
      %gather3A_1139 = tpu.vector_load_idx %arg18[%iota3A, %broadcast_in_dim3A_1138] : memref<16x64xf32, #tpu.memory_space<vmem>>[vector<16xi32>, vector<16xi32>], vector<16xf32>,
      %and3A_1140 = arith.constant 127 : i32
      %and3A_1141 = arith.andi %squeeze3A_1127, %and3A_1140 : i32
      %broadcast_in_dim3A_1142 = vector.broadcast %and3A_1141 : i32 to vector<16xi32>
      %gather3A_1143 = arith.constant 6 : i32
      %gather3A_1144 = arith.constant 0 : i32
      %gather3A_1145 = arith.constant 0 : i32
      %gather3A_1146 = tpu.memref_slice %arg13[%gather3A_1143, %gather3A_1144, %gather3A_1145] : memref<8x16x128xf32, #tpu.memory_space<vmem>> -> memref<1x16x128xf32, #tpu.memory_space<vmem>>
      %gather3A_1147 = tpu.memref_squeeze %gather3A_1146 : memref<1x16x128xf32, #tpu.memory_space<vmem>> -> memref<16x128xf32, #tpu.memory_space<vmem>>
      %gather3A_1148 = tpu.vector_load_idx %gather3A_1147[%iota3A, %broadcast_in_dim3A_1142] : memref<16x128xf32, #tpu.memory_space<vmem>>[vector<16xi32>, vector<16xi32>], vector<16xf32>,
      %select_n3A_1149 = arith.select %ge3A_1131, %gather3A_1139, %gather3A_1148 : vector<16xf32>
      %ge3A_1150 = arith.constant 999936 : i32
      %ge3A_1151 = arith.cmpi sge, %squeeze3A_1129, %ge3A_1150 : i32
      %sub3A_1152 = arith.constant 999936 : i32
      %sub3A_1153 = arith.subi %squeeze3A_1129, %sub3A_1152 : i32
      %jit3A_1154 = arith.constant 0 : i32
      %jit3A_1155 = arith.constant 63 : i32
      %max3A_1156 = arith.maxsi %jit3A_1154, %sub3A_1153 : i32
      %min3A_1157 = arith.minsi %jit3A_1155, %max3A_1156 : i32
      %broadcast_in_dim3A_1158 = vector.broadcast %min3A_1157 : i32 to vector<16xi32>
      %gather3A_1159 = tpu.vector_load_idx %arg19[%iota3A, %broadcast_in_dim3A_1158] : memref<16x64xf32, #tpu.memory_space<vmem>>[vector<16xi32>, vector<16xi32>], vector<16xf32>,
      %and3A_1160 = arith.constant 127 : i32
      %and3A_1161 = arith.andi %squeeze3A_1129, %and3A_1160 : i32
      %broadcast_in_dim3A_1162 = vector.broadcast %and3A_1161 : i32 to vector<16xi32>
      %gather3A_1163 = arith.constant 6 : i32
      %gather3A_1164 = arith.constant 0 : i32
      %gather3A_1165 = arith.constant 0 : i32
      %gather3A_1166 = tpu.memref_slice %arg15[%gather3A_1163, %gather3A_1164, %gather3A_1165] : memref<8x16x128xf32, #tpu.memory_space<vmem>> -> memref<1x16x128xf32, #tpu.memory_space<vmem>>
      %gather3A_1167 = tpu.memref_squeeze %gather3A_1166 : memref<1x16x128xf32, #tpu.memory_space<vmem>> -> memref<16x128xf32, #tpu.memory_space<vmem>>
      %gather3A_1168 = tpu.vector_load_idx %gather3A_1167[%iota3A, %broadcast_in_dim3A_1162] : memref<16x128xf32, #tpu.memory_space<vmem>>[vector<16xi32>, vector<16xi32>], vector<16xf32>,
      %select_n3A_1169 = arith.select %ge3A_1151, %gather3A_1159, %gather3A_1168 : vector<16xf32>
      %and3A_1170 = arith.constant 15 : i32
      %and3A_1171 = arith.andi %mul3A_357, %and3A_1170 : i32
      %mul3A_1172 = arith.constant 8 : i32
      %mul3A_1173 = arith.muli %and3A_1171, %mul3A_1172 : i32
      %add3A_1174 = arith.constant 6 : i32
      %add3A_1175 = arith.addi %mul3A_1173, %add3A_1174 : i32
      %broadcast_in_dim3A_1176 = vector.broadcast %add3A_1175 : i32 to vector<16xi32>
      tpu.vector_store_idx %arg17[%iota3A, %broadcast_in_dim3A_1176], %select_n3A_1169 : memref<16x128xf32, #tpu.memory_space<vmem>>[vector<16xi32>, vector<16xi32>], vector<16xf32>,
      %mul3A_1177 = arith.mulf %select_n3A_1149, %select_n3A_1169 : vector<16xf32>
      %reduce_sum3A_1178 = arith.constant true
      %reduce_sum3A_1179 = vector.broadcast %reduce_sum3A_1178 : i1 to vector<16xi1>
      %reduce_sum3A_1180 = tpu.scan <sum>, %mul3A_1177 masked %reduce_sum3A_1179 : vector<16xf32>, vector<16xi1> -> vector<16xf32>
      %reduce_sum3A_1181 = vector.extract %reduce_sum3A_1180[15] : f32 from vector<16xf32>
      %eq3A_1182 = arith.constant 6 : i32
      %eq3A_1183 = vector.broadcast %eq3A_1182 : i32 to vector<16xi32>
      %eq3A_1184 = arith.cmpi eq, %iota3A, %eq3A_1183 : vector<16xi32>
      %broadcast_in_dim3A_1185 = vector.broadcast %reduce_sum3A_1181 : f32 to vector<16xf32>
      %select_n3A_1186 = arith.select %eq3A_1184, %broadcast_in_dim3A_1185, %select_n3A_1125 : vector<16xi1>, vector<16xf32>
      %slice3A_1187 = vector.extract_strided_slice %get3A_762 {offsets = [7], sizes = [1], strides = [1]} : vector<16xi32> to vector<1xi32>
      %squeeze3A_1188 = vector.extract %slice3A_1187[0] : i32 from vector<1xi32>
      %slice3A_1189 = vector.extract_strided_slice %get3A_764 {offsets = [7], sizes = [1], strides = [1]} : vector<16xi32> to vector<1xi32>
      %squeeze3A_1190 = vector.extract %slice3A_1189[0] : i32 from vector<1xi32>
      %ge3A_1191 = arith.constant 999936 : i32
      %ge3A_1192 = arith.cmpi sge, %squeeze3A_1188, %ge3A_1191 : i32
      %sub3A_1193 = arith.constant 999936 : i32
      %sub3A_1194 = arith.subi %squeeze3A_1188, %sub3A_1193 : i32
      %jit3A_1195 = arith.constant 0 : i32
      %jit3A_1196 = arith.constant 63 : i32
      %max3A_1197 = arith.maxsi %jit3A_1195, %sub3A_1194 : i32
      %min3A_1198 = arith.minsi %jit3A_1196, %max3A_1197 : i32
      %broadcast_in_dim3A_1199 = vector.broadcast %min3A_1198 : i32 to vector<16xi32>
      %gather3A_1200 = tpu.vector_load_idx %arg18[%iota3A, %broadcast_in_dim3A_1199] : memref<16x64xf32, #tpu.memory_space<vmem>>[vector<16xi32>, vector<16xi32>], vector<16xf32>,
      %and3A_1201 = arith.constant 127 : i32
      %and3A_1202 = arith.andi %squeeze3A_1188, %and3A_1201 : i32
      %broadcast_in_dim3A_1203 = vector.broadcast %and3A_1202 : i32 to vector<16xi32>
      %gather3A_1204 = arith.constant 7 : i32
      %gather3A_1205 = arith.constant 0 : i32
      %gather3A_1206 = arith.constant 0 : i32
      %gather3A_1207 = tpu.memref_slice %arg13[%gather3A_1204, %gather3A_1205, %gather3A_1206] : memref<8x16x128xf32, #tpu.memory_space<vmem>> -> memref<1x16x128xf32, #tpu.memory_space<vmem>>
      %gather3A_1208 = tpu.memref_squeeze %gather3A_1207 : memref<1x16x128xf32, #tpu.memory_space<vmem>> -> memref<16x128xf32, #tpu.memory_space<vmem>>
      %gather3A_1209 = tpu.vector_load_idx %gather3A_1208[%iota3A, %broadcast_in_dim3A_1203] : memref<16x128xf32, #tpu.memory_space<vmem>>[vector<16xi32>, vector<16xi32>], vector<16xf32>,
      %select_n3A_1210 = arith.select %ge3A_1192, %gather3A_1200, %gather3A_1209 : vector<16xf32>
      %ge3A_1211 = arith.constant 999936 : i32
      %ge3A_1212 = arith.cmpi sge, %squeeze3A_1190, %ge3A_1211 : i32
      %sub3A_1213 = arith.constant 999936 : i32
      %sub3A_1214 = arith.subi %squeeze3A_1190, %sub3A_1213 : i32
      %jit3A_1215 = arith.constant 0 : i32
      %jit3A_1216 = arith.constant 63 : i32
      %max3A_1217 = arith.maxsi %jit3A_1215, %sub3A_1214 : i32
      %min3A_1218 = arith.minsi %jit3A_1216, %max3A_1217 : i32
      %broadcast_in_dim3A_1219 = vector.broadcast %min3A_1218 : i32 to vector<16xi32>
      %gather3A_1220 = tpu.vector_load_idx %arg19[%iota3A, %broadcast_in_dim3A_1219] : memref<16x64xf32, #tpu.memory_space<vmem>>[vector<16xi32>, vector<16xi32>], vector<16xf32>,
      %and3A_1221 = arith.constant 127 : i32
      %and3A_1222 = arith.andi %squeeze3A_1190, %and3A_1221 : i32
      %broadcast_in_dim3A_1223 = vector.broadcast %and3A_1222 : i32 to vector<16xi32>
      %gather3A_1224 = arith.constant 7 : i32
      %gather3A_1225 = arith.constant 0 : i32
      %gather3A_1226 = arith.constant 0 : i32
      %gather3A_1227 = tpu.memref_slice %arg15[%gather3A_1224, %gather3A_1225, %gather3A_1226] : memref<8x16x128xf32, #tpu.memory_space<vmem>> -> memref<1x16x128xf32, #tpu.memory_space<vmem>>
      %gather3A_1228 = tpu.memref_squeeze %gather3A_1227 : memref<1x16x128xf32, #tpu.memory_space<vmem>> -> memref<16x128xf32, #tpu.memory_space<vmem>>
      %gather3A_1229 = tpu.vector_load_idx %gather3A_1228[%iota3A, %broadcast_in_dim3A_1223] : memref<16x128xf32, #tpu.memory_space<vmem>>[vector<16xi32>, vector<16xi32>], vector<16xf32>,
      %select_n3A_1230 = arith.select %ge3A_1212, %gather3A_1220, %gather3A_1229 : vector<16xf32>
      %and3A_1231 = arith.constant 15 : i32
      %and3A_1232 = arith.andi %mul3A_357, %and3A_1231 : i32
      %mul3A_1233 = arith.constant 8 : i32
      %mul3A_1234 = arith.muli %and3A_1232, %mul3A_1233 : i32
      %add3A_1235 = arith.constant 7 : i32
      %add3A_1236 = arith.addi %mul3A_1234, %add3A_1235 : i32
      %broadcast_in_dim3A_1237 = vector.broadcast %add3A_1236 : i32 to vector<16xi32>
      tpu.vector_store_idx %arg17[%iota3A, %broadcast_in_dim3A_1237], %select_n3A_1230 : memref<16x128xf32, #tpu.memory_space<vmem>>[vector<16xi32>, vector<16xi32>], vector<16xf32>,
      %mul3A_1238 = arith.mulf %select_n3A_1210, %select_n3A_1230 : vector<16xf32>
      %reduce_sum3A_1239 = arith.constant true
      %reduce_sum3A_1240 = vector.broadcast %reduce_sum3A_1239 : i1 to vector<16xi1>
      %reduce_sum3A_1241 = tpu.scan <sum>, %mul3A_1238 masked %reduce_sum3A_1240 : vector<16xf32>, vector<16xi1> -> vector<16xf32>
      %reduce_sum3A_1242 = vector.extract %reduce_sum3A_1241[15] : f32 from vector<16xf32>
      %eq3A_1243 = arith.constant 7 : i32
      %eq3A_1244 = vector.broadcast %eq3A_1243 : i32 to vector<16xi32>
      %eq3A_1245 = arith.cmpi eq, %iota3A, %eq3A_1244 : vector<16xi32>
      %broadcast_in_dim3A_1246 = vector.broadcast %reduce_sum3A_1242 : f32 to vector<16xf32>
      %select_n3A_1247 = arith.select %eq3A_1245, %broadcast_in_dim3A_1246, %select_n3A_1186 : vector<16xi1>, vector<16xf32>
      %add3A_1248 = arith.constant 1 : i32
      %add3A_1249 = arith.addi %scan3A_355, %add3A_1248 : i32
      %lt3A = arith.constant 32 : i32
      %lt3A_1250 = arith.cmpi slt, %add3A_1249, %lt3A : i32
      %convert_element_type3A = arith.extui %lt3A_1250 : i1 to i32
      %cond3A = arith.constant 0 : i32
      %cond3A_1251 = arith.cmpi ne, %convert_element_type3A, %cond3A : i32
      scf.if %cond3A_1251 {
        %add3A_1782 = arith.constant 2 : i32
        %add3A_1783 = arith.addi %mul3A_357, %add3A_1782 : i32
        %jit3A_1784 = arith.constant 2 : i32
        %div3A_1785 = arith.divsi %add3A_1783, %jit3A_1784 : i32
        %sign3A_1786 = arith.constant 0 : i32
        %sign3A_1787 = arith.cmpi sgt, %add3A_1783, %sign3A_1786 : i32
        %sign3A_1788 = arith.extui %sign3A_1787 : i1 to i32
        %sign3A_1789 = arith.constant 0 : i32
        %sign3A_1790 = arith.cmpi slt, %add3A_1783, %sign3A_1789 : i32
        %sign3A_1791 = arith.extui %sign3A_1790 : i1 to i32
        %sign3A_1792 = arith.subi %sign3A_1788, %sign3A_1791 : i32
        %sign3A_1793 = arith.constant 0 : i32
        %sign3A_1794 = arith.cmpi sgt, %jit3A_1784, %sign3A_1793 : i32
        %sign3A_1795 = arith.extui %sign3A_1794 : i1 to i32
        %sign3A_1796 = arith.constant 0 : i32
        %sign3A_1797 = arith.cmpi slt, %jit3A_1784, %sign3A_1796 : i32
        %sign3A_1798 = arith.extui %sign3A_1797 : i1 to i32
        %sign3A_1799 = arith.subi %sign3A_1795, %sign3A_1798 : i32
        %ne3A_1800 = arith.cmpi ne, %sign3A_1792, %sign3A_1799 : i32
        %rem3A_1801 = arith.remsi %add3A_1783, %jit3A_1784 : i32
        %ne3A_1802 = arith.constant 0 : i32
        %ne3A_1803 = arith.cmpi ne, %rem3A_1801, %ne3A_1802 : i32
        %and3A_1804 = arith.andi %ne3A_1800, %ne3A_1803 : i1
        %sub3A_1805 = arith.constant 1 : i32
        %sub3A_1806 = arith.subi %div3A_1785, %sub3A_1805 : i32
        %select_n3A_1807 = arith.select %and3A_1804, %sub3A_1806, %div3A_1785 : i32
        %mul3A_1808 = arith.constant 16 : i32
        %mul3A_1809 = arith.muli %select_n3A_1807, %mul3A_1808 : i32
        %get3A_1810 = arith.index_cast %mul3A_1809 : i32 to index
        %get3A_1811 = tpu.vector_load %arg11[%get3A_1810] {strides = array<i32>} : memref<512xi32, #tpu.memory_space<vmem>>, vector<16xi32>,
        %get3A_1812 = arith.index_cast %mul3A_1809 : i32 to index
        %get3A_1813 = tpu.vector_load %arg12[%get3A_1812] {strides = array<i32>} : memref<512xi32, #tpu.memory_space<vmem>>, vector<16xi32>,
        %slice3A_1814 = vector.extract_strided_slice %get3A_1811 {offsets = [0], sizes = [1], strides = [1]} : vector<16xi32> to vector<1xi32>
        %squeeze3A_1815 = vector.extract %slice3A_1814[0] : i32 from vector<1xi32>
        %slice3A_1816 = vector.extract_strided_slice %get3A_1813 {offsets = [0], sizes = [1], strides = [1]} : vector<16xi32> to vector<1xi32>
        %squeeze3A_1817 = vector.extract %slice3A_1816[0] : i32 from vector<1xi32>
        %shift_right_arithmetic3A_1818 = arith.constant 7 : i32
        %shift_right_arithmetic3A_1819 = arith.shrsi %squeeze3A_1815, %shift_right_arithmetic3A_1818 : i32
        %shift_left3A_1820 = arith.constant 7 : i32
        %shift_left3A_1821 = arith.shli %shift_right_arithmetic3A_1819, %shift_left3A_1820 : i32
        %min3A_1822 = arith.constant 999808 : i32
        %min3A_1823 = arith.minsi %shift_left3A_1821, %min3A_1822 : i32
        %multiple_of3A_1824 = tpu.assume_multiple %min3A_1823, 128 : i32
        %shift_right_arithmetic3A_1825 = arith.constant 7 : i32
        %shift_right_arithmetic3A_1826 = arith.shrsi %squeeze3A_1817, %shift_right_arithmetic3A_1825 : i32
        %shift_left3A_1827 = arith.constant 7 : i32
        %shift_left3A_1828 = arith.shli %shift_right_arithmetic3A_1826, %shift_left3A_1827 : i32
        %min3A_1829 = arith.constant 999808 : i32
        %min3A_1830 = arith.minsi %shift_left3A_1828, %min3A_1829 : i32
        %multiple_of3A_1831 = tpu.assume_multiple %min3A_1830, 128 : i32
        %dma_start3A_1832 = arith.constant 0 : i32
        %dma_start3A_1833 = arith.constant 0 : i32
        %dma_start3A_1834 = arith.constant 0 : i32
        %dma_start3A_1835 = tpu.memref_slice %arg13[%dma_start3A_1832, %dma_start3A_1833, %dma_start3A_1834] : memref<8x16x128xf32, #tpu.memory_space<vmem>> -> memref<1x16x128xf32, #tpu.memory_space<vmem>>
        %dma_start3A_1836 = tpu.memref_squeeze %dma_start3A_1835 : memref<1x16x128xf32, #tpu.memory_space<vmem>> -> memref<16x128xf32, #tpu.memory_space<vmem>>
        %dma_start3A_1837 = arith.constant 0 : i32
        %dma_start3A_1838 = tpu.memref_slice %arg4[%dma_start3A_1837, %multiple_of3A_1824] : memref<16x1000000xf32, #tpu.memory_space<hbm>> -> memref<16x128xf32, #tpu.memory_space<hbm>>
        %dma_start3A_1839 = arith.constant 0 : i32
        %dma_start3A_1840 = arith.constant 0 : i32
        %dma_start3A_1841 = tpu.memref_slice %arg13[%dma_start3A_1832, %dma_start3A_1839, %dma_start3A_1840] : memref<8x16x128xf32, #tpu.memory_space<vmem>> -> memref<1x16x128xf32, #tpu.memory_space<vmem>>
        %dma_start3A_1842 = tpu.memref_squeeze %dma_start3A_1841 : memref<1x16x128xf32, #tpu.memory_space<vmem>> -> memref<16x128xf32, #tpu.memory_space<vmem>>
        %dma_start3A_1843 = arith.constant 0 : i32
        %dma_start3A_1844 = tpu.memref_slice %arg4[%dma_start3A_1843, %multiple_of3A_1824] : memref<16x1000000xf32, #tpu.memory_space<hbm>> -> memref<16x128xf32, #tpu.memory_space<hbm>>
        tpu.enqueue_dma source(%dma_start3A_1844 : memref<16x128xf32, #tpu.memory_space<hbm>>) target(%dma_start3A_1842 : memref<16x128xf32, #tpu.memory_space<vmem>>) target_semaphore(%arg21 : memref<!tpu.dma_semaphore, #tpu.memory_space<semaphore_mem>>)
        %dma_start3A_1845 = arith.constant 0 : i32
        %dma_start3A_1846 = arith.constant 0 : i32
        %dma_start3A_1847 = arith.constant 0 : i32
        %dma_start3A_1848 = tpu.memref_slice %arg15[%dma_start3A_1845, %dma_start3A_1846, %dma_start3A_1847] : memref<8x16x128xf32, #tpu.memory_space<vmem>> -> memref<1x16x128xf32, #tpu.memory_space<vmem>>
        %dma_start3A_1849 = tpu.memref_squeeze %dma_start3A_1848 : memref<1x16x128xf32, #tpu.memory_space<vmem>> -> memref<16x128xf32, #tpu.memory_space<vmem>>
        %dma_start3A_1850 = arith.constant 0 : i32
        %dma_start3A_1851 = tpu.memref_slice %arg5[%dma_start3A_1850, %multiple_of3A_1831] : memref<16x1000000xf32, #tpu.memory_space<hbm>> -> memref<16x128xf32, #tpu.memory_space<hbm>>
        %dma_start3A_1852 = arith.constant 0 : i32
        %dma_start3A_1853 = arith.constant 0 : i32
        %dma_start3A_1854 = tpu.memref_slice %arg15[%dma_start3A_1845, %dma_start3A_1852, %dma_start3A_1853] : memref<8x16x128xf32, #tpu.memory_space<vmem>> -> memref<1x16x128xf32, #tpu.memory_space<vmem>>
        %dma_start3A_1855 = tpu.memref_squeeze %dma_start3A_1854 : memref<1x16x128xf32, #tpu.memory_space<vmem>> -> memref<16x128xf32, #tpu.memory_space<vmem>>
        %dma_start3A_1856 = arith.constant 0 : i32
        %dma_start3A_1857 = tpu.memref_slice %arg5[%dma_start3A_1856, %multiple_of3A_1831] : memref<16x1000000xf32, #tpu.memory_space<hbm>> -> memref<16x128xf32, #tpu.memory_space<hbm>>
        tpu.enqueue_dma source(%dma_start3A_1857 : memref<16x128xf32, #tpu.memory_space<hbm>>) target(%dma_start3A_1855 : memref<16x128xf32, #tpu.memory_space<vmem>>) target_semaphore(%arg21 : memref<!tpu.dma_semaphore, #tpu.memory_space<semaphore_mem>>)
        %slice3A_1858 = vector.extract_strided_slice %get3A_1811 {offsets = [1], sizes = [1], strides = [1]} : vector<16xi32> to vector<1xi32>
        %squeeze3A_1859 = vector.extract %slice3A_1858[0] : i32 from vector<1xi32>
        %slice3A_1860 = vector.extract_strided_slice %get3A_1813 {offsets = [1], sizes = [1], strides = [1]} : vector<16xi32> to vector<1xi32>
        %squeeze3A_1861 = vector.extract %slice3A_1860[0] : i32 from vector<1xi32>
        %shift_right_arithmetic3A_1862 = arith.constant 7 : i32
        %shift_right_arithmetic3A_1863 = arith.shrsi %squeeze3A_1859, %shift_right_arithmetic3A_1862 : i32
        %shift_left3A_1864 = arith.constant 7 : i32
        %shift_left3A_1865 = arith.shli %shift_right_arithmetic3A_1863, %shift_left3A_1864 : i32
        %min3A_1866 = arith.constant 999808 : i32
        %min3A_1867 = arith.minsi %shift_left3A_1865, %min3A_1866 : i32
        %multiple_of3A_1868 = tpu.assume_multiple %min3A_1867, 128 : i32
        %shift_right_arithmetic3A_1869 = arith.constant 7 : i32
        %shift_right_arithmetic3A_1870 = arith.shrsi %squeeze3A_1861, %shift_right_arithmetic3A_1869 : i32
        %shift_left3A_1871 = arith.constant 7 : i32
        %shift_left3A_1872 = arith.shli %shift_right_arithmetic3A_1870, %shift_left3A_1871 : i32
        %min3A_1873 = arith.constant 999808 : i32
        %min3A_1874 = arith.minsi %shift_left3A_1872, %min3A_1873 : i32
        %multiple_of3A_1875 = tpu.assume_multiple %min3A_1874, 128 : i32
        %dma_start3A_1876 = arith.constant 1 : i32
        %dma_start3A_1877 = arith.constant 0 : i32
        %dma_start3A_1878 = arith.constant 0 : i32
        %dma_start3A_1879 = tpu.memref_slice %arg13[%dma_start3A_1876, %dma_start3A_1877, %dma_start3A_1878] : memref<8x16x128xf32, #tpu.memory_space<vmem>> -> memref<1x16x128xf32, #tpu.memory_space<vmem>>
        %dma_start3A_1880 = tpu.memref_squeeze %dma_start3A_1879 : memref<1x16x128xf32, #tpu.memory_space<vmem>> -> memref<16x128xf32, #tpu.memory_space<vmem>>
        %dma_start3A_1881 = arith.constant 0 : i32
        %dma_start3A_1882 = tpu.memref_slice %arg4[%dma_start3A_1881, %multiple_of3A_1868] : memref<16x1000000xf32, #tpu.memory_space<hbm>> -> memref<16x128xf32, #tpu.memory_space<hbm>>
        %dma_start3A_1883 = arith.constant 0 : i32
        %dma_start3A_1884 = arith.constant 0 : i32
        %dma_start3A_1885 = tpu.memref_slice %arg13[%dma_start3A_1876, %dma_start3A_1883, %dma_start3A_1884] : memref<8x16x128xf32, #tpu.memory_space<vmem>> -> memref<1x16x128xf32, #tpu.memory_space<vmem>>
        %dma_start3A_1886 = tpu.memref_squeeze %dma_start3A_1885 : memref<1x16x128xf32, #tpu.memory_space<vmem>> -> memref<16x128xf32, #tpu.memory_space<vmem>>
        %dma_start3A_1887 = arith.constant 0 : i32
        %dma_start3A_1888 = tpu.memref_slice %arg4[%dma_start3A_1887, %multiple_of3A_1868] : memref<16x1000000xf32, #tpu.memory_space<hbm>> -> memref<16x128xf32, #tpu.memory_space<hbm>>
        tpu.enqueue_dma source(%dma_start3A_1888 : memref<16x128xf32, #tpu.memory_space<hbm>>) target(%dma_start3A_1886 : memref<16x128xf32, #tpu.memory_space<vmem>>) target_semaphore(%arg21 : memref<!tpu.dma_semaphore, #tpu.memory_space<semaphore_mem>>)
        %dma_start3A_1889 = arith.constant 1 : i32
        %dma_start3A_1890 = arith.constant 0 : i32
        %dma_start3A_1891 = arith.constant 0 : i32
        %dma_start3A_1892 = tpu.memref_slice %arg15[%dma_start3A_1889, %dma_start3A_1890, %dma_start3A_1891] : memref<8x16x128xf32, #tpu.memory_space<vmem>> -> memref<1x16x128xf32, #tpu.memory_space<vmem>>
        %dma_start3A_1893 = tpu.memref_squeeze %dma_start3A_1892 : memref<1x16x128xf32, #tpu.memory_space<vmem>> -> memref<16x128xf32, #tpu.memory_space<vmem>>
        %dma_start3A_1894 = arith.constant 0 : i32
        %dma_start3A_1895 = tpu.memref_slice %arg5[%dma_start3A_1894, %multiple_of3A_1875] : memref<16x1000000xf32, #tpu.memory_space<hbm>> -> memref<16x128xf32, #tpu.memory_space<hbm>>
        %dma_start3A_1896 = arith.constant 0 : i32
        %dma_start3A_1897 = arith.constant 0 : i32
        %dma_start3A_1898 = tpu.memref_slice %arg15[%dma_start3A_1889, %dma_start3A_1896, %dma_start3A_1897] : memref<8x16x128xf32, #tpu.memory_space<vmem>> -> memref<1x16x128xf32, #tpu.memory_space<vmem>>
        %dma_start3A_1899 = tpu.memref_squeeze %dma_start3A_1898 : memref<1x16x128xf32, #tpu.memory_space<vmem>> -> memref<16x128xf32, #tpu.memory_space<vmem>>
        %dma_start3A_1900 = arith.constant 0 : i32
        %dma_start3A_1901 = tpu.memref_slice %arg5[%dma_start3A_1900, %multiple_of3A_1875] : memref<16x1000000xf32, #tpu.memory_space<hbm>> -> memref<16x128xf32, #tpu.memory_space<hbm>>
        tpu.enqueue_dma source(%dma_start3A_1901 : memref<16x128xf32, #tpu.memory_space<hbm>>) target(%dma_start3A_1899 : memref<16x128xf32, #tpu.memory_space<vmem>>) target_semaphore(%arg21 : memref<!tpu.dma_semaphore, #tpu.memory_space<semaphore_mem>>)
        %slice3A_1902 = vector.extract_strided_slice %get3A_1811 {offsets = [2], sizes = [1], strides = [1]} : vector<16xi32> to vector<1xi32>
        %squeeze3A_1903 = vector.extract %slice3A_1902[0] : i32 from vector<1xi32>
        %slice3A_1904 = vector.extract_strided_slice %get3A_1813 {offsets = [2], sizes = [1], strides = [1]} : vector<16xi32> to vector<1xi32>
        %squeeze3A_1905 = vector.extract %slice3A_1904[0] : i32 from vector<1xi32>
        %shift_right_arithmetic3A_1906 = arith.constant 7 : i32
        %shift_right_arithmetic3A_1907 = arith.shrsi %squeeze3A_1903, %shift_right_arithmetic3A_1906 : i32
        %shift_left3A_1908 = arith.constant 7 : i32
        %shift_left3A_1909 = arith.shli %shift_right_arithmetic3A_1907, %shift_left3A_1908 : i32
        %min3A_1910 = arith.constant 999808 : i32
        %min3A_1911 = arith.minsi %shift_left3A_1909, %min3A_1910 : i32
        %multiple_of3A_1912 = tpu.assume_multiple %min3A_1911, 128 : i32
        %shift_right_arithmetic3A_1913 = arith.constant 7 : i32
        %shift_right_arithmetic3A_1914 = arith.shrsi %squeeze3A_1905, %shift_right_arithmetic3A_1913 : i32
        %shift_left3A_1915 = arith.constant 7 : i32
        %shift_left3A_1916 = arith.shli %shift_right_arithmetic3A_1914, %shift_left3A_1915 : i32
        %min3A_1917 = arith.constant 999808 : i32
        %min3A_1918 = arith.minsi %shift_left3A_1916, %min3A_1917 : i32
        %multiple_of3A_1919 = tpu.assume_multiple %min3A_1918, 128 : i32
        %dma_start3A_1920 = arith.constant 2 : i32
        %dma_start3A_1921 = arith.constant 0 : i32
        %dma_start3A_1922 = arith.constant 0 : i32
        %dma_start3A_1923 = tpu.memref_slice %arg13[%dma_start3A_1920, %dma_start3A_1921, %dma_start3A_1922] : memref<8x16x128xf32, #tpu.memory_space<vmem>> -> memref<1x16x128xf32, #tpu.memory_space<vmem>>
        %dma_start3A_1924 = tpu.memref_squeeze %dma_start3A_1923 : memref<1x16x128xf32, #tpu.memory_space<vmem>> -> memref<16x128xf32, #tpu.memory_space<vmem>>
        %dma_start3A_1925 = arith.constant 0 : i32
        %dma_start3A_1926 = tpu.memref_slice %arg4[%dma_start3A_1925, %multiple_of3A_1912] : memref<16x1000000xf32, #tpu.memory_space<hbm>> -> memref<16x128xf32, #tpu.memory_space<hbm>>
        %dma_start3A_1927 = arith.constant 0 : i32
        %dma_start3A_1928 = arith.constant 0 : i32
        %dma_start3A_1929 = tpu.memref_slice %arg13[%dma_start3A_1920, %dma_start3A_1927, %dma_start3A_1928] : memref<8x16x128xf32, #tpu.memory_space<vmem>> -> memref<1x16x128xf32, #tpu.memory_space<vmem>>
        %dma_start3A_1930 = tpu.memref_squeeze %dma_start3A_1929 : memref<1x16x128xf32, #tpu.memory_space<vmem>> -> memref<16x128xf32, #tpu.memory_space<vmem>>
        %dma_start3A_1931 = arith.constant 0 : i32
        %dma_start3A_1932 = tpu.memref_slice %arg4[%dma_start3A_1931, %multiple_of3A_1912] : memref<16x1000000xf32, #tpu.memory_space<hbm>> -> memref<16x128xf32, #tpu.memory_space<hbm>>
        tpu.enqueue_dma source(%dma_start3A_1932 : memref<16x128xf32, #tpu.memory_space<hbm>>) target(%dma_start3A_1930 : memref<16x128xf32, #tpu.memory_space<vmem>>) target_semaphore(%arg21 : memref<!tpu.dma_semaphore, #tpu.memory_space<semaphore_mem>>)
        %dma_start3A_1933 = arith.constant 2 : i32
        %dma_start3A_1934 = arith.constant 0 : i32
        %dma_start3A_1935 = arith.constant 0 : i32
        %dma_start3A_1936 = tpu.memref_slice %arg15[%dma_start3A_1933, %dma_start3A_1934, %dma_start3A_1935] : memref<8x16x128xf32, #tpu.memory_space<vmem>> -> memref<1x16x128xf32, #tpu.memory_space<vmem>>
        %dma_start3A_1937 = tpu.memref_squeeze %dma_start3A_1936 : memref<1x16x128xf32, #tpu.memory_space<vmem>> -> memref<16x128xf32, #tpu.memory_space<vmem>>
        %dma_start3A_1938 = arith.constant 0 : i32
        %dma_start3A_1939 = tpu.memref_slice %arg5[%dma_start3A_1938, %multiple_of3A_1919] : memref<16x1000000xf32, #tpu.memory_space<hbm>> -> memref<16x128xf32, #tpu.memory_space<hbm>>
        %dma_start3A_1940 = arith.constant 0 : i32
        %dma_start3A_1941 = arith.constant 0 : i32
        %dma_start3A_1942 = tpu.memref_slice %arg15[%dma_start3A_1933, %dma_start3A_1940, %dma_start3A_1941] : memref<8x16x128xf32, #tpu.memory_space<vmem>> -> memref<1x16x128xf32, #tpu.memory_space<vmem>>
        %dma_start3A_1943 = tpu.memref_squeeze %dma_start3A_1942 : memref<1x16x128xf32, #tpu.memory_space<vmem>> -> memref<16x128xf32, #tpu.memory_space<vmem>>
        %dma_start3A_1944 = arith.constant 0 : i32
        %dma_start3A_1945 = tpu.memref_slice %arg5[%dma_start3A_1944, %multiple_of3A_1919] : memref<16x1000000xf32, #tpu.memory_space<hbm>> -> memref<16x128xf32, #tpu.memory_space<hbm>>
        tpu.enqueue_dma source(%dma_start3A_1945 : memref<16x128xf32, #tpu.memory_space<hbm>>) target(%dma_start3A_1943 : memref<16x128xf32, #tpu.memory_space<vmem>>) target_semaphore(%arg21 : memref<!tpu.dma_semaphore, #tpu.memory_space<semaphore_mem>>)
        %slice3A_1946 = vector.extract_strided_slice %get3A_1811 {offsets = [3], sizes = [1], strides = [1]} : vector<16xi32> to vector<1xi32>
        %squeeze3A_1947 = vector.extract %slice3A_1946[0] : i32 from vector<1xi32>
        %slice3A_1948 = vector.extract_strided_slice %get3A_1813 {offsets = [3], sizes = [1], strides = [1]} : vector<16xi32> to vector<1xi32>
        %squeeze3A_1949 = vector.extract %slice3A_1948[0] : i32 from vector<1xi32>
        %shift_right_arithmetic3A_1950 = arith.constant 7 : i32
        %shift_right_arithmetic3A_1951 = arith.shrsi %squeeze3A_1947, %shift_right_arithmetic3A_1950 : i32
        %shift_left3A_1952 = arith.constant 7 : i32
        %shift_left3A_1953 = arith.shli %shift_right_arithmetic3A_1951, %shift_left3A_1952 : i32
        %min3A_1954 = arith.constant 999808 : i32
        %min3A_1955 = arith.minsi %shift_left3A_1953, %min3A_1954 : i32
        %multiple_of3A_1956 = tpu.assume_multiple %min3A_1955, 128 : i32
        %shift_right_arithmetic3A_1957 = arith.constant 7 : i32
        %shift_right_arithmetic3A_1958 = arith.shrsi %squeeze3A_1949, %shift_right_arithmetic3A_1957 : i32
        %shift_left3A_1959 = arith.constant 7 : i32
        %shift_left3A_1960 = arith.shli %shift_right_arithmetic3A_1958, %shift_left3A_1959 : i32
        %min3A_1961 = arith.constant 999808 : i32
        %min3A_1962 = arith.minsi %shift_left3A_1960, %min3A_1961 : i32
        %multiple_of3A_1963 = tpu.assume_multiple %min3A_1962, 128 : i32
        %dma_start3A_1964 = arith.constant 3 : i32
        %dma_start3A_1965 = arith.constant 0 : i32
        %dma_start3A_1966 = arith.constant 0 : i32
        %dma_start3A_1967 = tpu.memref_slice %arg13[%dma_start3A_1964, %dma_start3A_1965, %dma_start3A_1966] : memref<8x16x128xf32, #tpu.memory_space<vmem>> -> memref<1x16x128xf32, #tpu.memory_space<vmem>>
        %dma_start3A_1968 = tpu.memref_squeeze %dma_start3A_1967 : memref<1x16x128xf32, #tpu.memory_space<vmem>> -> memref<16x128xf32, #tpu.memory_space<vmem>>
        %dma_start3A_1969 = arith.constant 0 : i32
        %dma_start3A_1970 = tpu.memref_slice %arg4[%dma_start3A_1969, %multiple_of3A_1956] : memref<16x1000000xf32, #tpu.memory_space<hbm>> -> memref<16x128xf32, #tpu.memory_space<hbm>>
        %dma_start3A_1971 = arith.constant 0 : i32
        %dma_start3A_1972 = arith.constant 0 : i32
        %dma_start3A_1973 = tpu.memref_slice %arg13[%dma_start3A_1964, %dma_start3A_1971, %dma_start3A_1972] : memref<8x16x128xf32, #tpu.memory_space<vmem>> -> memref<1x16x128xf32, #tpu.memory_space<vmem>>
        %dma_start3A_1974 = tpu.memref_squeeze %dma_start3A_1973 : memref<1x16x128xf32, #tpu.memory_space<vmem>> -> memref<16x128xf32, #tpu.memory_space<vmem>>
        %dma_start3A_1975 = arith.constant 0 : i32
        %dma_start3A_1976 = tpu.memref_slice %arg4[%dma_start3A_1975, %multiple_of3A_1956] : memref<16x1000000xf32, #tpu.memory_space<hbm>> -> memref<16x128xf32, #tpu.memory_space<hbm>>
        tpu.enqueue_dma source(%dma_start3A_1976 : memref<16x128xf32, #tpu.memory_space<hbm>>) target(%dma_start3A_1974 : memref<16x128xf32, #tpu.memory_space<vmem>>) target_semaphore(%arg21 : memref<!tpu.dma_semaphore, #tpu.memory_space<semaphore_mem>>)
        %dma_start3A_1977 = arith.constant 3 : i32
        %dma_start3A_1978 = arith.constant 0 : i32
        %dma_start3A_1979 = arith.constant 0 : i32
        %dma_start3A_1980 = tpu.memref_slice %arg15[%dma_start3A_1977, %dma_start3A_1978, %dma_start3A_1979] : memref<8x16x128xf32, #tpu.memory_space<vmem>> -> memref<1x16x128xf32, #tpu.memory_space<vmem>>
        %dma_start3A_1981 = tpu.memref_squeeze %dma_start3A_1980 : memref<1x16x128xf32, #tpu.memory_space<vmem>> -> memref<16x128xf32, #tpu.memory_space<vmem>>
        %dma_start3A_1982 = arith.constant 0 : i32
        %dma_start3A_1983 = tpu.memref_slice %arg5[%dma_start3A_1982, %multiple_of3A_1963] : memref<16x1000000xf32, #tpu.memory_space<hbm>> -> memref<16x128xf32, #tpu.memory_space<hbm>>
        %dma_start3A_1984 = arith.constant 0 : i32
        %dma_start3A_1985 = arith.constant 0 : i32
        %dma_start3A_1986 = tpu.memref_slice %arg15[%dma_start3A_1977, %dma_start3A_1984, %dma_start3A_1985] : memref<8x16x128xf32, #tpu.memory_space<vmem>> -> memref<1x16x128xf32, #tpu.memory_space<vmem>>
        %dma_start3A_1987 = tpu.memref_squeeze %dma_start3A_1986 : memref<1x16x128xf32, #tpu.memory_space<vmem>> -> memref<16x128xf32, #tpu.memory_space<vmem>>
        %dma_start3A_1988 = arith.constant 0 : i32
        %dma_start3A_1989 = tpu.memref_slice %arg5[%dma_start3A_1988, %multiple_of3A_1963] : memref<16x1000000xf32, #tpu.memory_space<hbm>> -> memref<16x128xf32, #tpu.memory_space<hbm>>
        tpu.enqueue_dma source(%dma_start3A_1989 : memref<16x128xf32, #tpu.memory_space<hbm>>) target(%dma_start3A_1987 : memref<16x128xf32, #tpu.memory_space<vmem>>) target_semaphore(%arg21 : memref<!tpu.dma_semaphore, #tpu.memory_space<semaphore_mem>>)
        %slice3A_1990 = vector.extract_strided_slice %get3A_1811 {offsets = [4], sizes = [1], strides = [1]} : vector<16xi32> to vector<1xi32>
        %squeeze3A_1991 = vector.extract %slice3A_1990[0] : i32 from vector<1xi32>
        %slice3A_1992 = vector.extract_strided_slice %get3A_1813 {offsets = [4], sizes = [1], strides = [1]} : vector<16xi32> to vector<1xi32>
        %squeeze3A_1993 = vector.extract %slice3A_1992[0] : i32 from vector<1xi32>
        %shift_right_arithmetic3A_1994 = arith.constant 7 : i32
        %shift_right_arithmetic3A_1995 = arith.shrsi %squeeze3A_1991, %shift_right_arithmetic3A_1994 : i32
        %shift_left3A_1996 = arith.constant 7 : i32
        %shift_left3A_1997 = arith.shli %shift_right_arithmetic3A_1995, %shift_left3A_1996 : i32
        %min3A_1998 = arith.constant 999808 : i32
        %min3A_1999 = arith.minsi %shift_left3A_1997, %min3A_1998 : i32
        %multiple_of3A_2000 = tpu.assume_multiple %min3A_1999, 128 : i32
        %shift_right_arithmetic3A_2001 = arith.constant 7 : i32
        %shift_right_arithmetic3A_2002 = arith.shrsi %squeeze3A_1993, %shift_right_arithmetic3A_2001 : i32
        %shift_left3A_2003 = arith.constant 7 : i32
        %shift_left3A_2004 = arith.shli %shift_right_arithmetic3A_2002, %shift_left3A_2003 : i32
        %min3A_2005 = arith.constant 999808 : i32
        %min3A_2006 = arith.minsi %shift_left3A_2004, %min3A_2005 : i32
        %multiple_of3A_2007 = tpu.assume_multiple %min3A_2006, 128 : i32
        %dma_start3A_2008 = arith.constant 4 : i32
        %dma_start3A_2009 = arith.constant 0 : i32
        %dma_start3A_2010 = arith.constant 0 : i32
        %dma_start3A_2011 = tpu.memref_slice %arg13[%dma_start3A_2008, %dma_start3A_2009, %dma_start3A_2010] : memref<8x16x128xf32, #tpu.memory_space<vmem>> -> memref<1x16x128xf32, #tpu.memory_space<vmem>>
        %dma_start3A_2012 = tpu.memref_squeeze %dma_start3A_2011 : memref<1x16x128xf32, #tpu.memory_space<vmem>> -> memref<16x128xf32, #tpu.memory_space<vmem>>
        %dma_start3A_2013 = arith.constant 0 : i32
        %dma_start3A_2014 = tpu.memref_slice %arg4[%dma_start3A_2013, %multiple_of3A_2000] : memref<16x1000000xf32, #tpu.memory_space<hbm>> -> memref<16x128xf32, #tpu.memory_space<hbm>>
        %dma_start3A_2015 = arith.constant 0 : i32
        %dma_start3A_2016 = arith.constant 0 : i32
        %dma_start3A_2017 = tpu.memref_slice %arg13[%dma_start3A_2008, %dma_start3A_2015, %dma_start3A_2016] : memref<8x16x128xf32, #tpu.memory_space<vmem>> -> memref<1x16x128xf32, #tpu.memory_space<vmem>>
        %dma_start3A_2018 = tpu.memref_squeeze %dma_start3A_2017 : memref<1x16x128xf32, #tpu.memory_space<vmem>> -> memref<16x128xf32, #tpu.memory_space<vmem>>
        %dma_start3A_2019 = arith.constant 0 : i32
        %dma_start3A_2020 = tpu.memref_slice %arg4[%dma_start3A_2019, %multiple_of3A_2000] : memref<16x1000000xf32, #tpu.memory_space<hbm>> -> memref<16x128xf32, #tpu.memory_space<hbm>>
        tpu.enqueue_dma source(%dma_start3A_2020 : memref<16x128xf32, #tpu.memory_space<hbm>>) target(%dma_start3A_2018 : memref<16x128xf32, #tpu.memory_space<vmem>>) target_semaphore(%arg21 : memref<!tpu.dma_semaphore, #tpu.memory_space<semaphore_mem>>)
        %dma_start3A_2021 = arith.constant 4 : i32
        %dma_start3A_2022 = arith.constant 0 : i32
        %dma_start3A_2023 = arith.constant 0 : i32
        %dma_start3A_2024 = tpu.memref_slice %arg15[%dma_start3A_2021, %dma_start3A_2022, %dma_start3A_2023] : memref<8x16x128xf32, #tpu.memory_space<vmem>> -> memref<1x16x128xf32, #tpu.memory_space<vmem>>
        %dma_start3A_2025 = tpu.memref_squeeze %dma_start3A_2024 : memref<1x16x128xf32, #tpu.memory_space<vmem>> -> memref<16x128xf32, #tpu.memory_space<vmem>>
        %dma_start3A_2026 = arith.constant 0 : i32
        %dma_start3A_2027 = tpu.memref_slice %arg5[%dma_start3A_2026, %multiple_of3A_2007] : memref<16x1000000xf32, #tpu.memory_space<hbm>> -> memref<16x128xf32, #tpu.memory_space<hbm>>
        %dma_start3A_2028 = arith.constant 0 : i32
        %dma_start3A_2029 = arith.constant 0 : i32
        %dma_start3A_2030 = tpu.memref_slice %arg15[%dma_start3A_2021, %dma_start3A_2028, %dma_start3A_2029] : memref<8x16x128xf32, #tpu.memory_space<vmem>> -> memref<1x16x128xf32, #tpu.memory_space<vmem>>
        %dma_start3A_2031 = tpu.memref_squeeze %dma_start3A_2030 : memref<1x16x128xf32, #tpu.memory_space<vmem>> -> memref<16x128xf32, #tpu.memory_space<vmem>>
        %dma_start3A_2032 = arith.constant 0 : i32
        %dma_start3A_2033 = tpu.memref_slice %arg5[%dma_start3A_2032, %multiple_of3A_2007] : memref<16x1000000xf32, #tpu.memory_space<hbm>> -> memref<16x128xf32, #tpu.memory_space<hbm>>
        tpu.enqueue_dma source(%dma_start3A_2033 : memref<16x128xf32, #tpu.memory_space<hbm>>) target(%dma_start3A_2031 : memref<16x128xf32, #tpu.memory_space<vmem>>) target_semaphore(%arg21 : memref<!tpu.dma_semaphore, #tpu.memory_space<semaphore_mem>>)
        %slice3A_2034 = vector.extract_strided_slice %get3A_1811 {offsets = [5], sizes = [1], strides = [1]} : vector<16xi32> to vector<1xi32>
        %squeeze3A_2035 = vector.extract %slice3A_2034[0] : i32 from vector<1xi32>
        %slice3A_2036 = vector.extract_strided_slice %get3A_1813 {offsets = [5], sizes = [1], strides = [1]} : vector<16xi32> to vector<1xi32>
        %squeeze3A_2037 = vector.extract %slice3A_2036[0] : i32 from vector<1xi32>
        %shift_right_arithmetic3A_2038 = arith.constant 7 : i32
        %shift_right_arithmetic3A_2039 = arith.shrsi %squeeze3A_2035, %shift_right_arithmetic3A_2038 : i32
        %shift_left3A_2040 = arith.constant 7 : i32
        %shift_left3A_2041 = arith.shli %shift_right_arithmetic3A_2039, %shift_left3A_2040 : i32
        %min3A_2042 = arith.constant 999808 : i32
        %min3A_2043 = arith.minsi %shift_left3A_2041, %min3A_2042 : i32
        %multiple_of3A_2044 = tpu.assume_multiple %min3A_2043, 128 : i32
        %shift_right_arithmetic3A_2045 = arith.constant 7 : i32
        %shift_right_arithmetic3A_2046 = arith.shrsi %squeeze3A_2037, %shift_right_arithmetic3A_2045 : i32
        %shift_left3A_2047 = arith.constant 7 : i32
        %shift_left3A_2048 = arith.shli %shift_right_arithmetic3A_2046, %shift_left3A_2047 : i32
        %min3A_2049 = arith.constant 999808 : i32
        %min3A_2050 = arith.minsi %shift_left3A_2048, %min3A_2049 : i32
        %multiple_of3A_2051 = tpu.assume_multiple %min3A_2050, 128 : i32
        %dma_start3A_2052 = arith.constant 5 : i32
        %dma_start3A_2053 = arith.constant 0 : i32
        %dma_start3A_2054 = arith.constant 0 : i32
        %dma_start3A_2055 = tpu.memref_slice %arg13[%dma_start3A_2052, %dma_start3A_2053, %dma_start3A_2054] : memref<8x16x128xf32, #tpu.memory_space<vmem>> -> memref<1x16x128xf32, #tpu.memory_space<vmem>>
        %dma_start3A_2056 = tpu.memref_squeeze %dma_start3A_2055 : memref<1x16x128xf32, #tpu.memory_space<vmem>> -> memref<16x128xf32, #tpu.memory_space<vmem>>
        %dma_start3A_2057 = arith.constant 0 : i32
        %dma_start3A_2058 = tpu.memref_slice %arg4[%dma_start3A_2057, %multiple_of3A_2044] : memref<16x1000000xf32, #tpu.memory_space<hbm>> -> memref<16x128xf32, #tpu.memory_space<hbm>>
        %dma_start3A_2059 = arith.constant 0 : i32
        %dma_start3A_2060 = arith.constant 0 : i32
        %dma_start3A_2061 = tpu.memref_slice %arg13[%dma_start3A_2052, %dma_start3A_2059, %dma_start3A_2060] : memref<8x16x128xf32, #tpu.memory_space<vmem>> -> memref<1x16x128xf32, #tpu.memory_space<vmem>>
        %dma_start3A_2062 = tpu.memref_squeeze %dma_start3A_2061 : memref<1x16x128xf32, #tpu.memory_space<vmem>> -> memref<16x128xf32, #tpu.memory_space<vmem>>
        %dma_start3A_2063 = arith.constant 0 : i32
        %dma_start3A_2064 = tpu.memref_slice %arg4[%dma_start3A_2063, %multiple_of3A_2044] : memref<16x1000000xf32, #tpu.memory_space<hbm>> -> memref<16x128xf32, #tpu.memory_space<hbm>>
        tpu.enqueue_dma source(%dma_start3A_2064 : memref<16x128xf32, #tpu.memory_space<hbm>>) target(%dma_start3A_2062 : memref<16x128xf32, #tpu.memory_space<vmem>>) target_semaphore(%arg21 : memref<!tpu.dma_semaphore, #tpu.memory_space<semaphore_mem>>)
        %dma_start3A_2065 = arith.constant 5 : i32
        %dma_start3A_2066 = arith.constant 0 : i32
        %dma_start3A_2067 = arith.constant 0 : i32
        %dma_start3A_2068 = tpu.memref_slice %arg15[%dma_start3A_2065, %dma_start3A_2066, %dma_start3A_2067] : memref<8x16x128xf32, #tpu.memory_space<vmem>> -> memref<1x16x128xf32, #tpu.memory_space<vmem>>
        %dma_start3A_2069 = tpu.memref_squeeze %dma_start3A_2068 : memref<1x16x128xf32, #tpu.memory_space<vmem>> -> memref<16x128xf32, #tpu.memory_space<vmem>>
        %dma_start3A_2070 = arith.constant 0 : i32
        %dma_start3A_2071 = tpu.memref_slice %arg5[%dma_start3A_2070, %multiple_of3A_2051] : memref<16x1000000xf32, #tpu.memory_space<hbm>> -> memref<16x128xf32, #tpu.memory_space<hbm>>
        %dma_start3A_2072 = arith.constant 0 : i32
        %dma_start3A_2073 = arith.constant 0 : i32
        %dma_start3A_2074 = tpu.memref_slice %arg15[%dma_start3A_2065, %dma_start3A_2072, %dma_start3A_2073] : memref<8x16x128xf32, #tpu.memory_space<vmem>> -> memref<1x16x128xf32, #tpu.memory_space<vmem>>
        %dma_start3A_2075 = tpu.memref_squeeze %dma_start3A_2074 : memref<1x16x128xf32, #tpu.memory_space<vmem>> -> memref<16x128xf32, #tpu.memory_space<vmem>>
        %dma_start3A_2076 = arith.constant 0 : i32
        %dma_start3A_2077 = tpu.memref_slice %arg5[%dma_start3A_2076, %multiple_of3A_2051] : memref<16x1000000xf32, #tpu.memory_space<hbm>> -> memref<16x128xf32, #tpu.memory_space<hbm>>
        tpu.enqueue_dma source(%dma_start3A_2077 : memref<16x128xf32, #tpu.memory_space<hbm>>) target(%dma_start3A_2075 : memref<16x128xf32, #tpu.memory_space<vmem>>) target_semaphore(%arg21 : memref<!tpu.dma_semaphore, #tpu.memory_space<semaphore_mem>>)
        %slice3A_2078 = vector.extract_strided_slice %get3A_1811 {offsets = [6], sizes = [1], strides = [1]} : vector<16xi32> to vector<1xi32>
        %squeeze3A_2079 = vector.extract %slice3A_2078[0] : i32 from vector<1xi32>
        %slice3A_2080 = vector.extract_strided_slice %get3A_1813 {offsets = [6], sizes = [1], strides = [1]} : vector<16xi32> to vector<1xi32>
        %squeeze3A_2081 = vector.extract %slice3A_2080[0] : i32 from vector<1xi32>
        %shift_right_arithmetic3A_2082 = arith.constant 7 : i32
        %shift_right_arithmetic3A_2083 = arith.shrsi %squeeze3A_2079, %shift_right_arithmetic3A_2082 : i32
        %shift_left3A_2084 = arith.constant 7 : i32
        %shift_left3A_2085 = arith.shli %shift_right_arithmetic3A_2083, %shift_left3A_2084 : i32
        %min3A_2086 = arith.constant 999808 : i32
        %min3A_2087 = arith.minsi %shift_left3A_2085, %min3A_2086 : i32
        %multiple_of3A_2088 = tpu.assume_multiple %min3A_2087, 128 : i32
        %shift_right_arithmetic3A_2089 = arith.constant 7 : i32
        %shift_right_arithmetic3A_2090 = arith.shrsi %squeeze3A_2081, %shift_right_arithmetic3A_2089 : i32
        %shift_left3A_2091 = arith.constant 7 : i32
        %shift_left3A_2092 = arith.shli %shift_right_arithmetic3A_2090, %shift_left3A_2091 : i32
        %min3A_2093 = arith.constant 999808 : i32
        %min3A_2094 = arith.minsi %shift_left3A_2092, %min3A_2093 : i32
        %multiple_of3A_2095 = tpu.assume_multiple %min3A_2094, 128 : i32
        %dma_start3A_2096 = arith.constant 6 : i32
        %dma_start3A_2097 = arith.constant 0 : i32
        %dma_start3A_2098 = arith.constant 0 : i32
        %dma_start3A_2099 = tpu.memref_slice %arg13[%dma_start3A_2096, %dma_start3A_2097, %dma_start3A_2098] : memref<8x16x128xf32, #tpu.memory_space<vmem>> -> memref<1x16x128xf32, #tpu.memory_space<vmem>>
        %dma_start3A_2100 = tpu.memref_squeeze %dma_start3A_2099 : memref<1x16x128xf32, #tpu.memory_space<vmem>> -> memref<16x128xf32, #tpu.memory_space<vmem>>
        %dma_start3A_2101 = arith.constant 0 : i32
        %dma_start3A_2102 = tpu.memref_slice %arg4[%dma_start3A_2101, %multiple_of3A_2088] : memref<16x1000000xf32, #tpu.memory_space<hbm>> -> memref<16x128xf32, #tpu.memory_space<hbm>>
        %dma_start3A_2103 = arith.constant 0 : i32
        %dma_start3A_2104 = arith.constant 0 : i32
        %dma_start3A_2105 = tpu.memref_slice %arg13[%dma_start3A_2096, %dma_start3A_2103, %dma_start3A_2104] : memref<8x16x128xf32, #tpu.memory_space<vmem>> -> memref<1x16x128xf32, #tpu.memory_space<vmem>>
        %dma_start3A_2106 = tpu.memref_squeeze %dma_start3A_2105 : memref<1x16x128xf32, #tpu.memory_space<vmem>> -> memref<16x128xf32, #tpu.memory_space<vmem>>
        %dma_start3A_2107 = arith.constant 0 : i32
        %dma_start3A_2108 = tpu.memref_slice %arg4[%dma_start3A_2107, %multiple_of3A_2088] : memref<16x1000000xf32, #tpu.memory_space<hbm>> -> memref<16x128xf32, #tpu.memory_space<hbm>>
        tpu.enqueue_dma source(%dma_start3A_2108 : memref<16x128xf32, #tpu.memory_space<hbm>>) target(%dma_start3A_2106 : memref<16x128xf32, #tpu.memory_space<vmem>>) target_semaphore(%arg21 : memref<!tpu.dma_semaphore, #tpu.memory_space<semaphore_mem>>)
        %dma_start3A_2109 = arith.constant 6 : i32
        %dma_start3A_2110 = arith.constant 0 : i32
        %dma_start3A_2111 = arith.constant 0 : i32
        %dma_start3A_2112 = tpu.memref_slice %arg15[%dma_start3A_2109, %dma_start3A_2110, %dma_start3A_2111] : memref<8x16x128xf32, #tpu.memory_space<vmem>> -> memref<1x16x128xf32, #tpu.memory_space<vmem>>
        %dma_start3A_2113 = tpu.memref_squeeze %dma_start3A_2112 : memref<1x16x128xf32, #tpu.memory_space<vmem>> -> memref<16x128xf32, #tpu.memory_space<vmem>>
        %dma_start3A_2114 = arith.constant 0 : i32
        %dma_start3A_2115 = tpu.memref_slice %arg5[%dma_start3A_2114, %multiple_of3A_2095] : memref<16x1000000xf32, #tpu.memory_space<hbm>> -> memref<16x128xf32, #tpu.memory_space<hbm>>
        %dma_start3A_2116 = arith.constant 0 : i32
        %dma_start3A_2117 = arith.constant 0 : i32
        %dma_start3A_2118 = tpu.memref_slice %arg15[%dma_start3A_2109, %dma_start3A_2116, %dma_start3A_2117] : memref<8x16x128xf32, #tpu.memory_space<vmem>> -> memref<1x16x128xf32, #tpu.memory_space<vmem>>
        %dma_start3A_2119 = tpu.memref_squeeze %dma_start3A_2118 : memref<1x16x128xf32, #tpu.memory_space<vmem>> -> memref<16x128xf32, #tpu.memory_space<vmem>>
        %dma_start3A_2120 = arith.constant 0 : i32
        %dma_start3A_2121 = tpu.memref_slice %arg5[%dma_start3A_2120, %multiple_of3A_2095] : memref<16x1000000xf32, #tpu.memory_space<hbm>> -> memref<16x128xf32, #tpu.memory_space<hbm>>
        tpu.enqueue_dma source(%dma_start3A_2121 : memref<16x128xf32, #tpu.memory_space<hbm>>) target(%dma_start3A_2119 : memref<16x128xf32, #tpu.memory_space<vmem>>) target_semaphore(%arg21 : memref<!tpu.dma_semaphore, #tpu.memory_space<semaphore_mem>>)
        %slice3A_2122 = vector.extract_strided_slice %get3A_1811 {offsets = [7], sizes = [1], strides = [1]} : vector<16xi32> to vector<1xi32>
        %squeeze3A_2123 = vector.extract %slice3A_2122[0] : i32 from vector<1xi32>
        %slice3A_2124 = vector.extract_strided_slice %get3A_1813 {offsets = [7], sizes = [1], strides = [1]} : vector<16xi32> to vector<1xi32>
        %squeeze3A_2125 = vector.extract %slice3A_2124[0] : i32 from vector<1xi32>
        %shift_right_arithmetic3A_2126 = arith.constant 7 : i32
        %shift_right_arithmetic3A_2127 = arith.shrsi %squeeze3A_2123, %shift_right_arithmetic3A_2126 : i32
        %shift_left3A_2128 = arith.constant 7 : i32
        %shift_left3A_2129 = arith.shli %shift_right_arithmetic3A_2127, %shift_left3A_2128 : i32
        %min3A_2130 = arith.constant 999808 : i32
        %min3A_2131 = arith.minsi %shift_left3A_2129, %min3A_2130 : i32
        %multiple_of3A_2132 = tpu.assume_multiple %min3A_2131, 128 : i32
        %shift_right_arithmetic3A_2133 = arith.constant 7 : i32
        %shift_right_arithmetic3A_2134 = arith.shrsi %squeeze3A_2125, %shift_right_arithmetic3A_2133 : i32
        %shift_left3A_2135 = arith.constant 7 : i32
        %shift_left3A_2136 = arith.shli %shift_right_arithmetic3A_2134, %shift_left3A_2135 : i32
        %min3A_2137 = arith.constant 999808 : i32
        %min3A_2138 = arith.minsi %shift_left3A_2136, %min3A_2137 : i32
        %multiple_of3A_2139 = tpu.assume_multiple %min3A_2138, 128 : i32
        %dma_start3A_2140 = arith.constant 7 : i32
        %dma_start3A_2141 = arith.constant 0 : i32
        %dma_start3A_2142 = arith.constant 0 : i32
        %dma_start3A_2143 = tpu.memref_slice %arg13[%dma_start3A_2140, %dma_start3A_2141, %dma_start3A_2142] : memref<8x16x128xf32, #tpu.memory_space<vmem>> -> memref<1x16x128xf32, #tpu.memory_space<vmem>>
        %dma_start3A_2144 = tpu.memref_squeeze %dma_start3A_2143 : memref<1x16x128xf32, #tpu.memory_space<vmem>> -> memref<16x128xf32, #tpu.memory_space<vmem>>
        %dma_start3A_2145 = arith.constant 0 : i32
        %dma_start3A_2146 = tpu.memref_slice %arg4[%dma_start3A_2145, %multiple_of3A_2132] : memref<16x1000000xf32, #tpu.memory_space<hbm>> -> memref<16x128xf32, #tpu.memory_space<hbm>>
        %dma_start3A_2147 = arith.constant 0 : i32
        %dma_start3A_2148 = arith.constant 0 : i32
        %dma_start3A_2149 = tpu.memref_slice %arg13[%dma_start3A_2140, %dma_start3A_2147, %dma_start3A_2148] : memref<8x16x128xf32, #tpu.memory_space<vmem>> -> memref<1x16x128xf32, #tpu.memory_space<vmem>>
        %dma_start3A_2150 = tpu.memref_squeeze %dma_start3A_2149 : memref<1x16x128xf32, #tpu.memory_space<vmem>> -> memref<16x128xf32, #tpu.memory_space<vmem>>
        %dma_start3A_2151 = arith.constant 0 : i32
        %dma_start3A_2152 = tpu.memref_slice %arg4[%dma_start3A_2151, %multiple_of3A_2132] : memref<16x1000000xf32, #tpu.memory_space<hbm>> -> memref<16x128xf32, #tpu.memory_space<hbm>>
        tpu.enqueue_dma source(%dma_start3A_2152 : memref<16x128xf32, #tpu.memory_space<hbm>>) target(%dma_start3A_2150 : memref<16x128xf32, #tpu.memory_space<vmem>>) target_semaphore(%arg21 : memref<!tpu.dma_semaphore, #tpu.memory_space<semaphore_mem>>)
        %dma_start3A_2153 = arith.constant 7 : i32
        %dma_start3A_2154 = arith.constant 0 : i32
        %dma_start3A_2155 = arith.constant 0 : i32
        %dma_start3A_2156 = tpu.memref_slice %arg15[%dma_start3A_2153, %dma_start3A_2154, %dma_start3A_2155] : memref<8x16x128xf32, #tpu.memory_space<vmem>> -> memref<1x16x128xf32, #tpu.memory_space<vmem>>
        %dma_start3A_2157 = tpu.memref_squeeze %dma_start3A_2156 : memref<1x16x128xf32, #tpu.memory_space<vmem>> -> memref<16x128xf32, #tpu.memory_space<vmem>>
        %dma_start3A_2158 = arith.constant 0 : i32
        %dma_start3A_2159 = tpu.memref_slice %arg5[%dma_start3A_2158, %multiple_of3A_2139] : memref<16x1000000xf32, #tpu.memory_space<hbm>> -> memref<16x128xf32, #tpu.memory_space<hbm>>
        %dma_start3A_2160 = arith.constant 0 : i32
        %dma_start3A_2161 = arith.constant 0 : i32
        %dma_start3A_2162 = tpu.memref_slice %arg15[%dma_start3A_2153, %dma_start3A_2160, %dma_start3A_2161] : memref<8x16x128xf32, #tpu.memory_space<vmem>> -> memref<1x16x128xf32, #tpu.memory_space<vmem>>
        %dma_start3A_2163 = tpu.memref_squeeze %dma_start3A_2162 : memref<1x16x128xf32, #tpu.memory_space<vmem>> -> memref<16x128xf32, #tpu.memory_space<vmem>>
        %dma_start3A_2164 = arith.constant 0 : i32
        %dma_start3A_2165 = tpu.memref_slice %arg5[%dma_start3A_2164, %multiple_of3A_2139] : memref<16x1000000xf32, #tpu.memory_space<hbm>> -> memref<16x128xf32, #tpu.memory_space<hbm>>
        tpu.enqueue_dma source(%dma_start3A_2165 : memref<16x128xf32, #tpu.memory_space<hbm>>) target(%dma_start3A_2163 : memref<16x128xf32, #tpu.memory_space<vmem>>) target_semaphore(%arg21 : memref<!tpu.dma_semaphore, #tpu.memory_space<semaphore_mem>>)
      } else {
      }
      tpu.wait_dma2 semaphore(%arg22 : memref<!tpu.dma_semaphore, #tpu.memory_space<semaphore_mem>>) src(%arg8 : memref<8x16x128xf32, #tpu.memory_space<hbm>>) dst(%arg14 : memref<8x16x128xf32, #tpu.memory_space<vmem>>)
      tpu.wait_dma2 semaphore(%arg22 : memref<!tpu.dma_semaphore, #tpu.memory_space<semaphore_mem>>) src(%arg8 : memref<8x16x128xf32, #tpu.memory_space<hbm>>) dst(%arg16 : memref<8x16x128xf32, #tpu.memory_space<vmem>>)
      %add3A_1252 = arith.constant 1 : i32
      %add3A_1253 = arith.addi %mul3A_357, %add3A_1252 : i32
      %jit3A_1254 = arith.constant 2 : i32
      %div3A_1255 = arith.divsi %add3A_1253, %jit3A_1254 : i32
      %sign3A_1256 = arith.constant 0 : i32
      %sign3A_1257 = arith.cmpi sgt, %add3A_1253, %sign3A_1256 : i32
      %sign3A_1258 = arith.extui %sign3A_1257 : i1 to i32
      %sign3A_1259 = arith.constant 0 : i32
      %sign3A_1260 = arith.cmpi slt, %add3A_1253, %sign3A_1259 : i32
      %sign3A_1261 = arith.extui %sign3A_1260 : i1 to i32
      %sign3A_1262 = arith.subi %sign3A_1258, %sign3A_1261 : i32
      %sign3A_1263 = arith.constant 0 : i32
      %sign3A_1264 = arith.cmpi sgt, %jit3A_1254, %sign3A_1263 : i32
      %sign3A_1265 = arith.extui %sign3A_1264 : i1 to i32
      %sign3A_1266 = arith.constant 0 : i32
      %sign3A_1267 = arith.cmpi slt, %jit3A_1254, %sign3A_1266 : i32
      %sign3A_1268 = arith.extui %sign3A_1267 : i1 to i32
      %sign3A_1269 = arith.subi %sign3A_1265, %sign3A_1268 : i32
      %ne3A_1270 = arith.cmpi ne, %sign3A_1262, %sign3A_1269 : i32
      %rem3A_1271 = arith.remsi %add3A_1253, %jit3A_1254 : i32
      %ne3A_1272 = arith.constant 0 : i32
      %ne3A_1273 = arith.cmpi ne, %rem3A_1271, %ne3A_1272 : i32
      %and3A_1274 = arith.andi %ne3A_1270, %ne3A_1273 : i1
      %sub3A_1275 = arith.constant 1 : i32
      %sub3A_1276 = arith.subi %div3A_1255, %sub3A_1275 : i32
      %select_n3A_1277 = arith.select %and3A_1274, %sub3A_1276, %div3A_1255 : i32
      %mul3A_1278 = arith.constant 16 : i32
      %mul3A_1279 = arith.muli %select_n3A_1277, %mul3A_1278 : i32
      %get3A_1280 = arith.index_cast %mul3A_1279 : i32 to index
      %get3A_1281 = tpu.vector_load %arg11[%get3A_1280] {strides = array<i32>} : memref<512xi32, #tpu.memory_space<vmem>>, vector<16xi32>,
      %get3A_1282 = arith.index_cast %mul3A_1279 : i32 to index
      %get3A_1283 = tpu.vector_load %arg12[%get3A_1282] {strides = array<i32>} : memref<512xi32, #tpu.memory_space<vmem>>, vector<16xi32>,
      %slice3A_1284 = vector.extract_strided_slice %get3A_1281 {offsets = [8], sizes = [1], strides = [1]} : vector<16xi32> to vector<1xi32>
      %squeeze3A_1285 = vector.extract %slice3A_1284[0] : i32 from vector<1xi32>
      %slice3A_1286 = vector.extract_strided_slice %get3A_1283 {offsets = [8], sizes = [1], strides = [1]} : vector<16xi32> to vector<1xi32>
      %squeeze3A_1287 = vector.extract %slice3A_1286[0] : i32 from vector<1xi32>
      %ge3A_1288 = arith.constant 999936 : i32
      %ge3A_1289 = arith.cmpi sge, %squeeze3A_1285, %ge3A_1288 : i32
      %sub3A_1290 = arith.constant 999936 : i32
      %sub3A_1291 = arith.subi %squeeze3A_1285, %sub3A_1290 : i32
      %jit3A_1292 = arith.constant 0 : i32
      %jit3A_1293 = arith.constant 63 : i32
      %max3A_1294 = arith.maxsi %jit3A_1292, %sub3A_1291 : i32
      %min3A_1295 = arith.minsi %jit3A_1293, %max3A_1294 : i32
      %broadcast_in_dim3A_1296 = vector.broadcast %min3A_1295 : i32 to vector<16xi32>
      %gather3A_1297 = tpu.vector_load_idx %arg18[%iota3A, %broadcast_in_dim3A_1296] : memref<16x64xf32, #tpu.memory_space<vmem>>[vector<16xi32>, vector<16xi32>], vector<16xf32>,
      %and3A_1298 = arith.constant 127 : i32
      %and3A_1299 = arith.andi %squeeze3A_1285, %and3A_1298 : i32
      %broadcast_in_dim3A_1300 = vector.broadcast %and3A_1299 : i32 to vector<16xi32>
      %gather3A_1301 = arith.constant 0 : i32
      %gather3A_1302 = arith.constant 0 : i32
      %gather3A_1303 = arith.constant 0 : i32
      %gather3A_1304 = tpu.memref_slice %arg14[%gather3A_1301, %gather3A_1302, %gather3A_1303] : memref<8x16x128xf32, #tpu.memory_space<vmem>> -> memref<1x16x128xf32, #tpu.memory_space<vmem>>
      %gather3A_1305 = tpu.memref_squeeze %gather3A_1304 : memref<1x16x128xf32, #tpu.memory_space<vmem>> -> memref<16x128xf32, #tpu.memory_space<vmem>>
      %gather3A_1306 = tpu.vector_load_idx %gather3A_1305[%iota3A, %broadcast_in_dim3A_1300] : memref<16x128xf32, #tpu.memory_space<vmem>>[vector<16xi32>, vector<16xi32>], vector<16xf32>,
      %select_n3A_1307 = arith.select %ge3A_1289, %gather3A_1297, %gather3A_1306 : vector<16xf32>
      %ge3A_1308 = arith.constant 999936 : i32
      %ge3A_1309 = arith.cmpi sge, %squeeze3A_1287, %ge3A_1308 : i32
      %sub3A_1310 = arith.constant 999936 : i32
      %sub3A_1311 = arith.subi %squeeze3A_1287, %sub3A_1310 : i32
      %jit3A_1312 = arith.constant 0 : i32
      %jit3A_1313 = arith.constant 63 : i32
      %max3A_1314 = arith.maxsi %jit3A_1312, %sub3A_1311 : i32
      %min3A_1315 = arith.minsi %jit3A_1313, %max3A_1314 : i32
      %broadcast_in_dim3A_1316 = vector.broadcast %min3A_1315 : i32 to vector<16xi32>
      %gather3A_1317 = tpu.vector_load_idx %arg19[%iota3A, %broadcast_in_dim3A_1316] : memref<16x64xf32, #tpu.memory_space<vmem>>[vector<16xi32>, vector<16xi32>], vector<16xf32>,
      %and3A_1318 = arith.constant 127 : i32
      %and3A_1319 = arith.andi %squeeze3A_1287, %and3A_1318 : i32
      %broadcast_in_dim3A_1320 = vector.broadcast %and3A_1319 : i32 to vector<16xi32>
      %gather3A_1321 = arith.constant 0 : i32
      %gather3A_1322 = arith.constant 0 : i32
      %gather3A_1323 = arith.constant 0 : i32
      %gather3A_1324 = tpu.memref_slice %arg16[%gather3A_1321, %gather3A_1322, %gather3A_1323] : memref<8x16x128xf32, #tpu.memory_space<vmem>> -> memref<1x16x128xf32, #tpu.memory_space<vmem>>
      %gather3A_1325 = tpu.memref_squeeze %gather3A_1324 : memref<1x16x128xf32, #tpu.memory_space<vmem>> -> memref<16x128xf32, #tpu.memory_space<vmem>>
      %gather3A_1326 = tpu.vector_load_idx %gather3A_1325[%iota3A, %broadcast_in_dim3A_1320] : memref<16x128xf32, #tpu.memory_space<vmem>>[vector<16xi32>, vector<16xi32>], vector<16xf32>,
      %select_n3A_1327 = arith.select %ge3A_1309, %gather3A_1317, %gather3A_1326 : vector<16xf32>
      %and3A_1328 = arith.constant 15 : i32
      %and3A_1329 = arith.andi %add3A_1253, %and3A_1328 : i32
      %mul3A_1330 = arith.constant 8 : i32
      %mul3A_1331 = arith.muli %and3A_1329, %mul3A_1330 : i32
      %add3A_1332 = arith.constant 0 : i32
      %add3A_1333 = arith.addi %mul3A_1331, %add3A_1332 : i32
      %broadcast_in_dim3A_1334 = vector.broadcast %add3A_1333 : i32 to vector<16xi32>
      tpu.vector_store_idx %arg17[%iota3A, %broadcast_in_dim3A_1334], %select_n3A_1327 : memref<16x128xf32, #tpu.memory_space<vmem>>[vector<16xi32>, vector<16xi32>], vector<16xf32>,
      %mul3A_1335 = arith.mulf %select_n3A_1307, %select_n3A_1327 : vector<16xf32>
      %reduce_sum3A_1336 = arith.constant true
      %reduce_sum3A_1337 = vector.broadcast %reduce_sum3A_1336 : i1 to vector<16xi1>
      %reduce_sum3A_1338 = tpu.scan <sum>, %mul3A_1335 masked %reduce_sum3A_1337 : vector<16xf32>, vector<16xi1> -> vector<16xf32>
      %reduce_sum3A_1339 = vector.extract %reduce_sum3A_1338[15] : f32 from vector<16xf32>
      %eq3A_1340 = arith.constant 8 : i32
      %eq3A_1341 = vector.broadcast %eq3A_1340 : i32 to vector<16xi32>
      %eq3A_1342 = arith.cmpi eq, %iota3A, %eq3A_1341 : vector<16xi32>
      %broadcast_in_dim3A_1343 = vector.broadcast %reduce_sum3A_1339 : f32 to vector<16xf32>
      %select_n3A_1344 = arith.select %eq3A_1342, %broadcast_in_dim3A_1343, %select_n3A_1247 : vector<16xi1>, vector<16xf32>
      %slice3A_1345 = vector.extract_strided_slice %get3A_1281 {offsets = [9], sizes = [1], strides = [1]} : vector<16xi32> to vector<1xi32>
      %squeeze3A_1346 = vector.extract %slice3A_1345[0] : i32 from vector<1xi32>
      %slice3A_1347 = vector.extract_strided_slice %get3A_1283 {offsets = [9], sizes = [1], strides = [1]} : vector<16xi32> to vector<1xi32>
      %squeeze3A_1348 = vector.extract %slice3A_1347[0] : i32 from vector<1xi32>
      %ge3A_1349 = arith.constant 999936 : i32
      %ge3A_1350 = arith.cmpi sge, %squeeze3A_1346, %ge3A_1349 : i32
      %sub3A_1351 = arith.constant 999936 : i32
      %sub3A_1352 = arith.subi %squeeze3A_1346, %sub3A_1351 : i32
      %jit3A_1353 = arith.constant 0 : i32
      %jit3A_1354 = arith.constant 63 : i32
      %max3A_1355 = arith.maxsi %jit3A_1353, %sub3A_1352 : i32
      %min3A_1356 = arith.minsi %jit3A_1354, %max3A_1355 : i32
      %broadcast_in_dim3A_1357 = vector.broadcast %min3A_1356 : i32 to vector<16xi32>
      %gather3A_1358 = tpu.vector_load_idx %arg18[%iota3A, %broadcast_in_dim3A_1357] : memref<16x64xf32, #tpu.memory_space<vmem>>[vector<16xi32>, vector<16xi32>], vector<16xf32>,
      %and3A_1359 = arith.constant 127 : i32
      %and3A_1360 = arith.andi %squeeze3A_1346, %and3A_1359 : i32
      %broadcast_in_dim3A_1361 = vector.broadcast %and3A_1360 : i32 to vector<16xi32>
      %gather3A_1362 = arith.constant 1 : i32
      %gather3A_1363 = arith.constant 0 : i32
      %gather3A_1364 = arith.constant 0 : i32
      %gather3A_1365 = tpu.memref_slice %arg14[%gather3A_1362, %gather3A_1363, %gather3A_1364] : memref<8x16x128xf32, #tpu.memory_space<vmem>> -> memref<1x16x128xf32, #tpu.memory_space<vmem>>
      %gather3A_1366 = tpu.memref_squeeze %gather3A_1365 : memref<1x16x128xf32, #tpu.memory_space<vmem>> -> memref<16x128xf32, #tpu.memory_space<vmem>>
      %gather3A_1367 = tpu.vector_load_idx %gather3A_1366[%iota3A, %broadcast_in_dim3A_1361] : memref<16x128xf32, #tpu.memory_space<vmem>>[vector<16xi32>, vector<16xi32>], vector<16xf32>,
      %select_n3A_1368 = arith.select %ge3A_1350, %gather3A_1358, %gather3A_1367 : vector<16xf32>
      %ge3A_1369 = arith.constant 999936 : i32
      %ge3A_1370 = arith.cmpi sge, %squeeze3A_1348, %ge3A_1369 : i32
      %sub3A_1371 = arith.constant 999936 : i32
      %sub3A_1372 = arith.subi %squeeze3A_1348, %sub3A_1371 : i32
      %jit3A_1373 = arith.constant 0 : i32
      %jit3A_1374 = arith.constant 63 : i32
      %max3A_1375 = arith.maxsi %jit3A_1373, %sub3A_1372 : i32
      %min3A_1376 = arith.minsi %jit3A_1374, %max3A_1375 : i32
      %broadcast_in_dim3A_1377 = vector.broadcast %min3A_1376 : i32 to vector<16xi32>
      %gather3A_1378 = tpu.vector_load_idx %arg19[%iota3A, %broadcast_in_dim3A_1377] : memref<16x64xf32, #tpu.memory_space<vmem>>[vector<16xi32>, vector<16xi32>], vector<16xf32>,
      %and3A_1379 = arith.constant 127 : i32
      %and3A_1380 = arith.andi %squeeze3A_1348, %and3A_1379 : i32
      %broadcast_in_dim3A_1381 = vector.broadcast %and3A_1380 : i32 to vector<16xi32>
      %gather3A_1382 = arith.constant 1 : i32
      %gather3A_1383 = arith.constant 0 : i32
      %gather3A_1384 = arith.constant 0 : i32
      %gather3A_1385 = tpu.memref_slice %arg16[%gather3A_1382, %gather3A_1383, %gather3A_1384] : memref<8x16x128xf32, #tpu.memory_space<vmem>> -> memref<1x16x128xf32, #tpu.memory_space<vmem>>
      %gather3A_1386 = tpu.memref_squeeze %gather3A_1385 : memref<1x16x128xf32, #tpu.memory_space<vmem>> -> memref<16x128xf32, #tpu.memory_space<vmem>>
      %gather3A_1387 = tpu.vector_load_idx %gather3A_1386[%iota3A, %broadcast_in_dim3A_1381] : memref<16x128xf32, #tpu.memory_space<vmem>>[vector<16xi32>, vector<16xi32>], vector<16xf32>,
      %select_n3A_1388 = arith.select %ge3A_1370, %gather3A_1378, %gather3A_1387 : vector<16xf32>
      %and3A_1389 = arith.constant 15 : i32
      %and3A_1390 = arith.andi %add3A_1253, %and3A_1389 : i32
      %mul3A_1391 = arith.constant 8 : i32
      %mul3A_1392 = arith.muli %and3A_1390, %mul3A_1391 : i32
      %add3A_1393 = arith.constant 1 : i32
      %add3A_1394 = arith.addi %mul3A_1392, %add3A_1393 : i32
      %broadcast_in_dim3A_1395 = vector.broadcast %add3A_1394 : i32 to vector<16xi32>
      tpu.vector_store_idx %arg17[%iota3A, %broadcast_in_dim3A_1395], %select_n3A_1388 : memref<16x128xf32, #tpu.memory_space<vmem>>[vector<16xi32>, vector<16xi32>], vector<16xf32>,
      %mul3A_1396 = arith.mulf %select_n3A_1368, %select_n3A_1388 : vector<16xf32>
      %reduce_sum3A_1397 = arith.constant true
      %reduce_sum3A_1398 = vector.broadcast %reduce_sum3A_1397 : i1 to vector<16xi1>
      %reduce_sum3A_1399 = tpu.scan <sum>, %mul3A_1396 masked %reduce_sum3A_1398 : vector<16xf32>, vector<16xi1> -> vector<16xf32>
      %reduce_sum3A_1400 = vector.extract %reduce_sum3A_1399[15] : f32 from vector<16xf32>
      %eq3A_1401 = arith.constant 9 : i32
      %eq3A_1402 = vector.broadcast %eq3A_1401 : i32 to vector<16xi32>
      %eq3A_1403 = arith.cmpi eq, %iota3A, %eq3A_1402 : vector<16xi32>
      %broadcast_in_dim3A_1404 = vector.broadcast %reduce_sum3A_1400 : f32 to vector<16xf32>
      %select_n3A_1405 = arith.select %eq3A_1403, %broadcast_in_dim3A_1404, %select_n3A_1344 : vector<16xi1>, vector<16xf32>
      %slice3A_1406 = vector.extract_strided_slice %get3A_1281 {offsets = [10], sizes = [1], strides = [1]} : vector<16xi32> to vector<1xi32>
      %squeeze3A_1407 = vector.extract %slice3A_1406[0] : i32 from vector<1xi32>
      %slice3A_1408 = vector.extract_strided_slice %get3A_1283 {offsets = [10], sizes = [1], strides = [1]} : vector<16xi32> to vector<1xi32>
      %squeeze3A_1409 = vector.extract %slice3A_1408[0] : i32 from vector<1xi32>
      %ge3A_1410 = arith.constant 999936 : i32
      %ge3A_1411 = arith.cmpi sge, %squeeze3A_1407, %ge3A_1410 : i32
      %sub3A_1412 = arith.constant 999936 : i32
      %sub3A_1413 = arith.subi %squeeze3A_1407, %sub3A_1412 : i32
      %jit3A_1414 = arith.constant 0 : i32
      %jit3A_1415 = arith.constant 63 : i32
      %max3A_1416 = arith.maxsi %jit3A_1414, %sub3A_1413 : i32
      %min3A_1417 = arith.minsi %jit3A_1415, %max3A_1416 : i32
      %broadcast_in_dim3A_1418 = vector.broadcast %min3A_1417 : i32 to vector<16xi32>
      %gather3A_1419 = tpu.vector_load_idx %arg18[%iota3A, %broadcast_in_dim3A_1418] : memref<16x64xf32, #tpu.memory_space<vmem>>[vector<16xi32>, vector<16xi32>], vector<16xf32>,
      %and3A_1420 = arith.constant 127 : i32
      %and3A_1421 = arith.andi %squeeze3A_1407, %and3A_1420 : i32
      %broadcast_in_dim3A_1422 = vector.broadcast %and3A_1421 : i32 to vector<16xi32>
      %gather3A_1423 = arith.constant 2 : i32
      %gather3A_1424 = arith.constant 0 : i32
      %gather3A_1425 = arith.constant 0 : i32
      %gather3A_1426 = tpu.memref_slice %arg14[%gather3A_1423, %gather3A_1424, %gather3A_1425] : memref<8x16x128xf32, #tpu.memory_space<vmem>> -> memref<1x16x128xf32, #tpu.memory_space<vmem>>
      %gather3A_1427 = tpu.memref_squeeze %gather3A_1426 : memref<1x16x128xf32, #tpu.memory_space<vmem>> -> memref<16x128xf32, #tpu.memory_space<vmem>>
      %gather3A_1428 = tpu.vector_load_idx %gather3A_1427[%iota3A, %broadcast_in_dim3A_1422] : memref<16x128xf32, #tpu.memory_space<vmem>>[vector<16xi32>, vector<16xi32>], vector<16xf32>,
      %select_n3A_1429 = arith.select %ge3A_1411, %gather3A_1419, %gather3A_1428 : vector<16xf32>
      %ge3A_1430 = arith.constant 999936 : i32
      %ge3A_1431 = arith.cmpi sge, %squeeze3A_1409, %ge3A_1430 : i32
      %sub3A_1432 = arith.constant 999936 : i32
      %sub3A_1433 = arith.subi %squeeze3A_1409, %sub3A_1432 : i32
      %jit3A_1434 = arith.constant 0 : i32
      %jit3A_1435 = arith.constant 63 : i32
      %max3A_1436 = arith.maxsi %jit3A_1434, %sub3A_1433 : i32
      %min3A_1437 = arith.minsi %jit3A_1435, %max3A_1436 : i32
      %broadcast_in_dim3A_1438 = vector.broadcast %min3A_1437 : i32 to vector<16xi32>
      %gather3A_1439 = tpu.vector_load_idx %arg19[%iota3A, %broadcast_in_dim3A_1438] : memref<16x64xf32, #tpu.memory_space<vmem>>[vector<16xi32>, vector<16xi32>], vector<16xf32>,
      %and3A_1440 = arith.constant 127 : i32
      %and3A_1441 = arith.andi %squeeze3A_1409, %and3A_1440 : i32
      %broadcast_in_dim3A_1442 = vector.broadcast %and3A_1441 : i32 to vector<16xi32>
      %gather3A_1443 = arith.constant 2 : i32
      %gather3A_1444 = arith.constant 0 : i32
      %gather3A_1445 = arith.constant 0 : i32
      %gather3A_1446 = tpu.memref_slice %arg16[%gather3A_1443, %gather3A_1444, %gather3A_1445] : memref<8x16x128xf32, #tpu.memory_space<vmem>> -> memref<1x16x128xf32, #tpu.memory_space<vmem>>
      %gather3A_1447 = tpu.memref_squeeze %gather3A_1446 : memref<1x16x128xf32, #tpu.memory_space<vmem>> -> memref<16x128xf32, #tpu.memory_space<vmem>>
      %gather3A_1448 = tpu.vector_load_idx %gather3A_1447[%iota3A, %broadcast_in_dim3A_1442] : memref<16x128xf32, #tpu.memory_space<vmem>>[vector<16xi32>, vector<16xi32>], vector<16xf32>,
      %select_n3A_1449 = arith.select %ge3A_1431, %gather3A_1439, %gather3A_1448 : vector<16xf32>
      %and3A_1450 = arith.constant 15 : i32
      %and3A_1451 = arith.andi %add3A_1253, %and3A_1450 : i32
      %mul3A_1452 = arith.constant 8 : i32
      %mul3A_1453 = arith.muli %and3A_1451, %mul3A_1452 : i32
      %add3A_1454 = arith.constant 2 : i32
      %add3A_1455 = arith.addi %mul3A_1453, %add3A_1454 : i32
      %broadcast_in_dim3A_1456 = vector.broadcast %add3A_1455 : i32 to vector<16xi32>
      tpu.vector_store_idx %arg17[%iota3A, %broadcast_in_dim3A_1456], %select_n3A_1449 : memref<16x128xf32, #tpu.memory_space<vmem>>[vector<16xi32>, vector<16xi32>], vector<16xf32>,
      %mul3A_1457 = arith.mulf %select_n3A_1429, %select_n3A_1449 : vector<16xf32>
      %reduce_sum3A_1458 = arith.constant true
      %reduce_sum3A_1459 = vector.broadcast %reduce_sum3A_1458 : i1 to vector<16xi1>
      %reduce_sum3A_1460 = tpu.scan <sum>, %mul3A_1457 masked %reduce_sum3A_1459 : vector<16xf32>, vector<16xi1> -> vector<16xf32>
      %reduce_sum3A_1461 = vector.extract %reduce_sum3A_1460[15] : f32 from vector<16xf32>
      %eq3A_1462 = arith.constant 10 : i32
      %eq3A_1463 = vector.broadcast %eq3A_1462 : i32 to vector<16xi32>
      %eq3A_1464 = arith.cmpi eq, %iota3A, %eq3A_1463 : vector<16xi32>
      %broadcast_in_dim3A_1465 = vector.broadcast %reduce_sum3A_1461 : f32 to vector<16xf32>
      %select_n3A_1466 = arith.select %eq3A_1464, %broadcast_in_dim3A_1465, %select_n3A_1405 : vector<16xi1>, vector<16xf32>
      %slice3A_1467 = vector.extract_strided_slice %get3A_1281 {offsets = [11], sizes = [1], strides = [1]} : vector<16xi32> to vector<1xi32>
      %squeeze3A_1468 = vector.extract %slice3A_1467[0] : i32 from vector<1xi32>
      %slice3A_1469 = vector.extract_strided_slice %get3A_1283 {offsets = [11], sizes = [1], strides = [1]} : vector<16xi32> to vector<1xi32>
      %squeeze3A_1470 = vector.extract %slice3A_1469[0] : i32 from vector<1xi32>
      %ge3A_1471 = arith.constant 999936 : i32
      %ge3A_1472 = arith.cmpi sge, %squeeze3A_1468, %ge3A_1471 : i32
      %sub3A_1473 = arith.constant 999936 : i32
      %sub3A_1474 = arith.subi %squeeze3A_1468, %sub3A_1473 : i32
      %jit3A_1475 = arith.constant 0 : i32
      %jit3A_1476 = arith.constant 63 : i32
      %max3A_1477 = arith.maxsi %jit3A_1475, %sub3A_1474 : i32
      %min3A_1478 = arith.minsi %jit3A_1476, %max3A_1477 : i32
      %broadcast_in_dim3A_1479 = vector.broadcast %min3A_1478 : i32 to vector<16xi32>
      %gather3A_1480 = tpu.vector_load_idx %arg18[%iota3A, %broadcast_in_dim3A_1479] : memref<16x64xf32, #tpu.memory_space<vmem>>[vector<16xi32>, vector<16xi32>], vector<16xf32>,
      %and3A_1481 = arith.constant 127 : i32
      %and3A_1482 = arith.andi %squeeze3A_1468, %and3A_1481 : i32
      %broadcast_in_dim3A_1483 = vector.broadcast %and3A_1482 : i32 to vector<16xi32>
      %gather3A_1484 = arith.constant 3 : i32
      %gather3A_1485 = arith.constant 0 : i32
      %gather3A_1486 = arith.constant 0 : i32
      %gather3A_1487 = tpu.memref_slice %arg14[%gather3A_1484, %gather3A_1485, %gather3A_1486] : memref<8x16x128xf32, #tpu.memory_space<vmem>> -> memref<1x16x128xf32, #tpu.memory_space<vmem>>
      %gather3A_1488 = tpu.memref_squeeze %gather3A_1487 : memref<1x16x128xf32, #tpu.memory_space<vmem>> -> memref<16x128xf32, #tpu.memory_space<vmem>>
      %gather3A_1489 = tpu.vector_load_idx %gather3A_1488[%iota3A, %broadcast_in_dim3A_1483] : memref<16x128xf32, #tpu.memory_space<vmem>>[vector<16xi32>, vector<16xi32>], vector<16xf32>,
      %select_n3A_1490 = arith.select %ge3A_1472, %gather3A_1480, %gather3A_1489 : vector<16xf32>
      %ge3A_1491 = arith.constant 999936 : i32
      %ge3A_1492 = arith.cmpi sge, %squeeze3A_1470, %ge3A_1491 : i32
      %sub3A_1493 = arith.constant 999936 : i32
      %sub3A_1494 = arith.subi %squeeze3A_1470, %sub3A_1493 : i32
      %jit3A_1495 = arith.constant 0 : i32
      %jit3A_1496 = arith.constant 63 : i32
      %max3A_1497 = arith.maxsi %jit3A_1495, %sub3A_1494 : i32
      %min3A_1498 = arith.minsi %jit3A_1496, %max3A_1497 : i32
      %broadcast_in_dim3A_1499 = vector.broadcast %min3A_1498 : i32 to vector<16xi32>
      %gather3A_1500 = tpu.vector_load_idx %arg19[%iota3A, %broadcast_in_dim3A_1499] : memref<16x64xf32, #tpu.memory_space<vmem>>[vector<16xi32>, vector<16xi32>], vector<16xf32>,
      %and3A_1501 = arith.constant 127 : i32
      %and3A_1502 = arith.andi %squeeze3A_1470, %and3A_1501 : i32
      %broadcast_in_dim3A_1503 = vector.broadcast %and3A_1502 : i32 to vector<16xi32>
      %gather3A_1504 = arith.constant 3 : i32
      %gather3A_1505 = arith.constant 0 : i32
      %gather3A_1506 = arith.constant 0 : i32
      %gather3A_1507 = tpu.memref_slice %arg16[%gather3A_1504, %gather3A_1505, %gather3A_1506] : memref<8x16x128xf32, #tpu.memory_space<vmem>> -> memref<1x16x128xf32, #tpu.memory_space<vmem>>
      %gather3A_1508 = tpu.memref_squeeze %gather3A_1507 : memref<1x16x128xf32, #tpu.memory_space<vmem>> -> memref<16x128xf32, #tpu.memory_space<vmem>>
      %gather3A_1509 = tpu.vector_load_idx %gather3A_1508[%iota3A, %broadcast_in_dim3A_1503] : memref<16x128xf32, #tpu.memory_space<vmem>>[vector<16xi32>, vector<16xi32>], vector<16xf32>,
      %select_n3A_1510 = arith.select %ge3A_1492, %gather3A_1500, %gather3A_1509 : vector<16xf32>
      %and3A_1511 = arith.constant 15 : i32
      %and3A_1512 = arith.andi %add3A_1253, %and3A_1511 : i32
      %mul3A_1513 = arith.constant 8 : i32
      %mul3A_1514 = arith.muli %and3A_1512, %mul3A_1513 : i32
      %add3A_1515 = arith.constant 3 : i32
      %add3A_1516 = arith.addi %mul3A_1514, %add3A_1515 : i32
      %broadcast_in_dim3A_1517 = vector.broadcast %add3A_1516 : i32 to vector<16xi32>
      tpu.vector_store_idx %arg17[%iota3A, %broadcast_in_dim3A_1517], %select_n3A_1510 : memref<16x128xf32, #tpu.memory_space<vmem>>[vector<16xi32>, vector<16xi32>], vector<16xf32>,
      %mul3A_1518 = arith.mulf %select_n3A_1490, %select_n3A_1510 : vector<16xf32>
      %reduce_sum3A_1519 = arith.constant true
      %reduce_sum3A_1520 = vector.broadcast %reduce_sum3A_1519 : i1 to vector<16xi1>
      %reduce_sum3A_1521 = tpu.scan <sum>, %mul3A_1518 masked %reduce_sum3A_1520 : vector<16xf32>, vector<16xi1> -> vector<16xf32>
      %reduce_sum3A_1522 = vector.extract %reduce_sum3A_1521[15] : f32 from vector<16xf32>
      %eq3A_1523 = arith.constant 11 : i32
      %eq3A_1524 = vector.broadcast %eq3A_1523 : i32 to vector<16xi32>
      %eq3A_1525 = arith.cmpi eq, %iota3A, %eq3A_1524 : vector<16xi32>
      %broadcast_in_dim3A_1526 = vector.broadcast %reduce_sum3A_1522 : f32 to vector<16xf32>
      %select_n3A_1527 = arith.select %eq3A_1525, %broadcast_in_dim3A_1526, %select_n3A_1466 : vector<16xi1>, vector<16xf32>
      %slice3A_1528 = vector.extract_strided_slice %get3A_1281 {offsets = [12], sizes = [1], strides = [1]} : vector<16xi32> to vector<1xi32>
      %squeeze3A_1529 = vector.extract %slice3A_1528[0] : i32 from vector<1xi32>
      %slice3A_1530 = vector.extract_strided_slice %get3A_1283 {offsets = [12], sizes = [1], strides = [1]} : vector<16xi32> to vector<1xi32>
      %squeeze3A_1531 = vector.extract %slice3A_1530[0] : i32 from vector<1xi32>
      %ge3A_1532 = arith.constant 999936 : i32
      %ge3A_1533 = arith.cmpi sge, %squeeze3A_1529, %ge3A_1532 : i32
      %sub3A_1534 = arith.constant 999936 : i32
      %sub3A_1535 = arith.subi %squeeze3A_1529, %sub3A_1534 : i32
      %jit3A_1536 = arith.constant 0 : i32
      %jit3A_1537 = arith.constant 63 : i32
      %max3A_1538 = arith.maxsi %jit3A_1536, %sub3A_1535 : i32
      %min3A_1539 = arith.minsi %jit3A_1537, %max3A_1538 : i32
      %broadcast_in_dim3A_1540 = vector.broadcast %min3A_1539 : i32 to vector<16xi32>
      %gather3A_1541 = tpu.vector_load_idx %arg18[%iota3A, %broadcast_in_dim3A_1540] : memref<16x64xf32, #tpu.memory_space<vmem>>[vector<16xi32>, vector<16xi32>], vector<16xf32>,
      %and3A_1542 = arith.constant 127 : i32
      %and3A_1543 = arith.andi %squeeze3A_1529, %and3A_1542 : i32
      %broadcast_in_dim3A_1544 = vector.broadcast %and3A_1543 : i32 to vector<16xi32>
      %gather3A_1545 = arith.constant 4 : i32
      %gather3A_1546 = arith.constant 0 : i32
      %gather3A_1547 = arith.constant 0 : i32
      %gather3A_1548 = tpu.memref_slice %arg14[%gather3A_1545, %gather3A_1546, %gather3A_1547] : memref<8x16x128xf32, #tpu.memory_space<vmem>> -> memref<1x16x128xf32, #tpu.memory_space<vmem>>
      %gather3A_1549 = tpu.memref_squeeze %gather3A_1548 : memref<1x16x128xf32, #tpu.memory_space<vmem>> -> memref<16x128xf32, #tpu.memory_space<vmem>>
      %gather3A_1550 = tpu.vector_load_idx %gather3A_1549[%iota3A, %broadcast_in_dim3A_1544] : memref<16x128xf32, #tpu.memory_space<vmem>>[vector<16xi32>, vector<16xi32>], vector<16xf32>,
      %select_n3A_1551 = arith.select %ge3A_1533, %gather3A_1541, %gather3A_1550 : vector<16xf32>
      %ge3A_1552 = arith.constant 999936 : i32
      %ge3A_1553 = arith.cmpi sge, %squeeze3A_1531, %ge3A_1552 : i32
      %sub3A_1554 = arith.constant 999936 : i32
      %sub3A_1555 = arith.subi %squeeze3A_1531, %sub3A_1554 : i32
      %jit3A_1556 = arith.constant 0 : i32
      %jit3A_1557 = arith.constant 63 : i32
      %max3A_1558 = arith.maxsi %jit3A_1556, %sub3A_1555 : i32
      %min3A_1559 = arith.minsi %jit3A_1557, %max3A_1558 : i32
      %broadcast_in_dim3A_1560 = vector.broadcast %min3A_1559 : i32 to vector<16xi32>
      %gather3A_1561 = tpu.vector_load_idx %arg19[%iota3A, %broadcast_in_dim3A_1560] : memref<16x64xf32, #tpu.memory_space<vmem>>[vector<16xi32>, vector<16xi32>], vector<16xf32>,
      %and3A_1562 = arith.constant 127 : i32
      %and3A_1563 = arith.andi %squeeze3A_1531, %and3A_1562 : i32
      %broadcast_in_dim3A_1564 = vector.broadcast %and3A_1563 : i32 to vector<16xi32>
      %gather3A_1565 = arith.constant 4 : i32
      %gather3A_1566 = arith.constant 0 : i32
      %gather3A_1567 = arith.constant 0 : i32
      %gather3A_1568 = tpu.memref_slice %arg16[%gather3A_1565, %gather3A_1566, %gather3A_1567] : memref<8x16x128xf32, #tpu.memory_space<vmem>> -> memref<1x16x128xf32, #tpu.memory_space<vmem>>
      %gather3A_1569 = tpu.memref_squeeze %gather3A_1568 : memref<1x16x128xf32, #tpu.memory_space<vmem>> -> memref<16x128xf32, #tpu.memory_space<vmem>>
      %gather3A_1570 = tpu.vector_load_idx %gather3A_1569[%iota3A, %broadcast_in_dim3A_1564] : memref<16x128xf32, #tpu.memory_space<vmem>>[vector<16xi32>, vector<16xi32>], vector<16xf32>,
      %select_n3A_1571 = arith.select %ge3A_1553, %gather3A_1561, %gather3A_1570 : vector<16xf32>
      %and3A_1572 = arith.constant 15 : i32
      %and3A_1573 = arith.andi %add3A_1253, %and3A_1572 : i32
      %mul3A_1574 = arith.constant 8 : i32
      %mul3A_1575 = arith.muli %and3A_1573, %mul3A_1574 : i32
      %add3A_1576 = arith.constant 4 : i32
      %add3A_1577 = arith.addi %mul3A_1575, %add3A_1576 : i32
      %broadcast_in_dim3A_1578 = vector.broadcast %add3A_1577 : i32 to vector<16xi32>
      tpu.vector_store_idx %arg17[%iota3A, %broadcast_in_dim3A_1578], %select_n3A_1571 : memref<16x128xf32, #tpu.memory_space<vmem>>[vector<16xi32>, vector<16xi32>], vector<16xf32>,
      %mul3A_1579 = arith.mulf %select_n3A_1551, %select_n3A_1571 : vector<16xf32>
      %reduce_sum3A_1580 = arith.constant true
      %reduce_sum3A_1581 = vector.broadcast %reduce_sum3A_1580 : i1 to vector<16xi1>
      %reduce_sum3A_1582 = tpu.scan <sum>, %mul3A_1579 masked %reduce_sum3A_1581 : vector<16xf32>, vector<16xi1> -> vector<16xf32>
      %reduce_sum3A_1583 = vector.extract %reduce_sum3A_1582[15] : f32 from vector<16xf32>
      %eq3A_1584 = arith.constant 12 : i32
      %eq3A_1585 = vector.broadcast %eq3A_1584 : i32 to vector<16xi32>
      %eq3A_1586 = arith.cmpi eq, %iota3A, %eq3A_1585 : vector<16xi32>
      %broadcast_in_dim3A_1587 = vector.broadcast %reduce_sum3A_1583 : f32 to vector<16xf32>
      %select_n3A_1588 = arith.select %eq3A_1586, %broadcast_in_dim3A_1587, %select_n3A_1527 : vector<16xi1>, vector<16xf32>
      %slice3A_1589 = vector.extract_strided_slice %get3A_1281 {offsets = [13], sizes = [1], strides = [1]} : vector<16xi32> to vector<1xi32>
      %squeeze3A_1590 = vector.extract %slice3A_1589[0] : i32 from vector<1xi32>
      %slice3A_1591 = vector.extract_strided_slice %get3A_1283 {offsets = [13], sizes = [1], strides = [1]} : vector<16xi32> to vector<1xi32>
      %squeeze3A_1592 = vector.extract %slice3A_1591[0] : i32 from vector<1xi32>
      %ge3A_1593 = arith.constant 999936 : i32
      %ge3A_1594 = arith.cmpi sge, %squeeze3A_1590, %ge3A_1593 : i32
      %sub3A_1595 = arith.constant 999936 : i32
      %sub3A_1596 = arith.subi %squeeze3A_1590, %sub3A_1595 : i32
      %jit3A_1597 = arith.constant 0 : i32
      %jit3A_1598 = arith.constant 63 : i32
      %max3A_1599 = arith.maxsi %jit3A_1597, %sub3A_1596 : i32
      %min3A_1600 = arith.minsi %jit3A_1598, %max3A_1599 : i32
      %broadcast_in_dim3A_1601 = vector.broadcast %min3A_1600 : i32 to vector<16xi32>
      %gather3A_1602 = tpu.vector_load_idx %arg18[%iota3A, %broadcast_in_dim3A_1601] : memref<16x64xf32, #tpu.memory_space<vmem>>[vector<16xi32>, vector<16xi32>], vector<16xf32>,
      %and3A_1603 = arith.constant 127 : i32
      %and3A_1604 = arith.andi %squeeze3A_1590, %and3A_1603 : i32
      %broadcast_in_dim3A_1605 = vector.broadcast %and3A_1604 : i32 to vector<16xi32>
      %gather3A_1606 = arith.constant 5 : i32
      %gather3A_1607 = arith.constant 0 : i32
      %gather3A_1608 = arith.constant 0 : i32
      %gather3A_1609 = tpu.memref_slice %arg14[%gather3A_1606, %gather3A_1607, %gather3A_1608] : memref<8x16x128xf32, #tpu.memory_space<vmem>> -> memref<1x16x128xf32, #tpu.memory_space<vmem>>
      %gather3A_1610 = tpu.memref_squeeze %gather3A_1609 : memref<1x16x128xf32, #tpu.memory_space<vmem>> -> memref<16x128xf32, #tpu.memory_space<vmem>>
      %gather3A_1611 = tpu.vector_load_idx %gather3A_1610[%iota3A, %broadcast_in_dim3A_1605] : memref<16x128xf32, #tpu.memory_space<vmem>>[vector<16xi32>, vector<16xi32>], vector<16xf32>,
      %select_n3A_1612 = arith.select %ge3A_1594, %gather3A_1602, %gather3A_1611 : vector<16xf32>
      %ge3A_1613 = arith.constant 999936 : i32
      %ge3A_1614 = arith.cmpi sge, %squeeze3A_1592, %ge3A_1613 : i32
      %sub3A_1615 = arith.constant 999936 : i32
      %sub3A_1616 = arith.subi %squeeze3A_1592, %sub3A_1615 : i32
      %jit3A_1617 = arith.constant 0 : i32
      %jit3A_1618 = arith.constant 63 : i32
      %max3A_1619 = arith.maxsi %jit3A_1617, %sub3A_1616 : i32
      %min3A_1620 = arith.minsi %jit3A_1618, %max3A_1619 : i32
      %broadcast_in_dim3A_1621 = vector.broadcast %min3A_1620 : i32 to vector<16xi32>
      %gather3A_1622 = tpu.vector_load_idx %arg19[%iota3A, %broadcast_in_dim3A_1621] : memref<16x64xf32, #tpu.memory_space<vmem>>[vector<16xi32>, vector<16xi32>], vector<16xf32>,
      %and3A_1623 = arith.constant 127 : i32
      %and3A_1624 = arith.andi %squeeze3A_1592, %and3A_1623 : i32
      %broadcast_in_dim3A_1625 = vector.broadcast %and3A_1624 : i32 to vector<16xi32>
      %gather3A_1626 = arith.constant 5 : i32
      %gather3A_1627 = arith.constant 0 : i32
      %gather3A_1628 = arith.constant 0 : i32
      %gather3A_1629 = tpu.memref_slice %arg16[%gather3A_1626, %gather3A_1627, %gather3A_1628] : memref<8x16x128xf32, #tpu.memory_space<vmem>> -> memref<1x16x128xf32, #tpu.memory_space<vmem>>
      %gather3A_1630 = tpu.memref_squeeze %gather3A_1629 : memref<1x16x128xf32, #tpu.memory_space<vmem>> -> memref<16x128xf32, #tpu.memory_space<vmem>>
      %gather3A_1631 = tpu.vector_load_idx %gather3A_1630[%iota3A, %broadcast_in_dim3A_1625] : memref<16x128xf32, #tpu.memory_space<vmem>>[vector<16xi32>, vector<16xi32>], vector<16xf32>,
      %select_n3A_1632 = arith.select %ge3A_1614, %gather3A_1622, %gather3A_1631 : vector<16xf32>
      %and3A_1633 = arith.constant 15 : i32
      %and3A_1634 = arith.andi %add3A_1253, %and3A_1633 : i32
      %mul3A_1635 = arith.constant 8 : i32
      %mul3A_1636 = arith.muli %and3A_1634, %mul3A_1635 : i32
      %add3A_1637 = arith.constant 5 : i32
      %add3A_1638 = arith.addi %mul3A_1636, %add3A_1637 : i32
      %broadcast_in_dim3A_1639 = vector.broadcast %add3A_1638 : i32 to vector<16xi32>
      tpu.vector_store_idx %arg17[%iota3A, %broadcast_in_dim3A_1639], %select_n3A_1632 : memref<16x128xf32, #tpu.memory_space<vmem>>[vector<16xi32>, vector<16xi32>], vector<16xf32>,
      %mul3A_1640 = arith.mulf %select_n3A_1612, %select_n3A_1632 : vector<16xf32>
      %reduce_sum3A_1641 = arith.constant true
      %reduce_sum3A_1642 = vector.broadcast %reduce_sum3A_1641 : i1 to vector<16xi1>
      %reduce_sum3A_1643 = tpu.scan <sum>, %mul3A_1640 masked %reduce_sum3A_1642 : vector<16xf32>, vector<16xi1> -> vector<16xf32>
      %reduce_sum3A_1644 = vector.extract %reduce_sum3A_1643[15] : f32 from vector<16xf32>
      %eq3A_1645 = arith.constant 13 : i32
      %eq3A_1646 = vector.broadcast %eq3A_1645 : i32 to vector<16xi32>
      %eq3A_1647 = arith.cmpi eq, %iota3A, %eq3A_1646 : vector<16xi32>
      %broadcast_in_dim3A_1648 = vector.broadcast %reduce_sum3A_1644 : f32 to vector<16xf32>
      %select_n3A_1649 = arith.select %eq3A_1647, %broadcast_in_dim3A_1648, %select_n3A_1588 : vector<16xi1>, vector<16xf32>
      %slice3A_1650 = vector.extract_strided_slice %get3A_1281 {offsets = [14], sizes = [1], strides = [1]} : vector<16xi32> to vector<1xi32>
      %squeeze3A_1651 = vector.extract %slice3A_1650[0] : i32 from vector<1xi32>
      %slice3A_1652 = vector.extract_strided_slice %get3A_1283 {offsets = [14], sizes = [1], strides = [1]} : vector<16xi32> to vector<1xi32>
      %squeeze3A_1653 = vector.extract %slice3A_1652[0] : i32 from vector<1xi32>
      %ge3A_1654 = arith.constant 999936 : i32
      %ge3A_1655 = arith.cmpi sge, %squeeze3A_1651, %ge3A_1654 : i32
      %sub3A_1656 = arith.constant 999936 : i32
      %sub3A_1657 = arith.subi %squeeze3A_1651, %sub3A_1656 : i32
      %jit3A_1658 = arith.constant 0 : i32
      %jit3A_1659 = arith.constant 63 : i32
      %max3A_1660 = arith.maxsi %jit3A_1658, %sub3A_1657 : i32
      %min3A_1661 = arith.minsi %jit3A_1659, %max3A_1660 : i32
      %broadcast_in_dim3A_1662 = vector.broadcast %min3A_1661 : i32 to vector<16xi32>
      %gather3A_1663 = tpu.vector_load_idx %arg18[%iota3A, %broadcast_in_dim3A_1662] : memref<16x64xf32, #tpu.memory_space<vmem>>[vector<16xi32>, vector<16xi32>], vector<16xf32>,
      %and3A_1664 = arith.constant 127 : i32
      %and3A_1665 = arith.andi %squeeze3A_1651, %and3A_1664 : i32
      %broadcast_in_dim3A_1666 = vector.broadcast %and3A_1665 : i32 to vector<16xi32>
      %gather3A_1667 = arith.constant 6 : i32
      %gather3A_1668 = arith.constant 0 : i32
      %gather3A_1669 = arith.constant 0 : i32
      %gather3A_1670 = tpu.memref_slice %arg14[%gather3A_1667, %gather3A_1668, %gather3A_1669] : memref<8x16x128xf32, #tpu.memory_space<vmem>> -> memref<1x16x128xf32, #tpu.memory_space<vmem>>
      %gather3A_1671 = tpu.memref_squeeze %gather3A_1670 : memref<1x16x128xf32, #tpu.memory_space<vmem>> -> memref<16x128xf32, #tpu.memory_space<vmem>>
      %gather3A_1672 = tpu.vector_load_idx %gather3A_1671[%iota3A, %broadcast_in_dim3A_1666] : memref<16x128xf32, #tpu.memory_space<vmem>>[vector<16xi32>, vector<16xi32>], vector<16xf32>,
      %select_n3A_1673 = arith.select %ge3A_1655, %gather3A_1663, %gather3A_1672 : vector<16xf32>
      %ge3A_1674 = arith.constant 999936 : i32
      %ge3A_1675 = arith.cmpi sge, %squeeze3A_1653, %ge3A_1674 : i32
      %sub3A_1676 = arith.constant 999936 : i32
      %sub3A_1677 = arith.subi %squeeze3A_1653, %sub3A_1676 : i32
      %jit3A_1678 = arith.constant 0 : i32
      %jit3A_1679 = arith.constant 63 : i32
      %max3A_1680 = arith.maxsi %jit3A_1678, %sub3A_1677 : i32
      %min3A_1681 = arith.minsi %jit3A_1679, %max3A_1680 : i32
      %broadcast_in_dim3A_1682 = vector.broadcast %min3A_1681 : i32 to vector<16xi32>
      %gather3A_1683 = tpu.vector_load_idx %arg19[%iota3A, %broadcast_in_dim3A_1682] : memref<16x64xf32, #tpu.memory_space<vmem>>[vector<16xi32>, vector<16xi32>], vector<16xf32>,
      %and3A_1684 = arith.constant 127 : i32
      %and3A_1685 = arith.andi %squeeze3A_1653, %and3A_1684 : i32
      %broadcast_in_dim3A_1686 = vector.broadcast %and3A_1685 : i32 to vector<16xi32>
      %gather3A_1687 = arith.constant 6 : i32
      %gather3A_1688 = arith.constant 0 : i32
      %gather3A_1689 = arith.constant 0 : i32
      %gather3A_1690 = tpu.memref_slice %arg16[%gather3A_1687, %gather3A_1688, %gather3A_1689] : memref<8x16x128xf32, #tpu.memory_space<vmem>> -> memref<1x16x128xf32, #tpu.memory_space<vmem>>
      %gather3A_1691 = tpu.memref_squeeze %gather3A_1690 : memref<1x16x128xf32, #tpu.memory_space<vmem>> -> memref<16x128xf32, #tpu.memory_space<vmem>>
      %gather3A_1692 = tpu.vector_load_idx %gather3A_1691[%iota3A, %broadcast_in_dim3A_1686] : memref<16x128xf32, #tpu.memory_space<vmem>>[vector<16xi32>, vector<16xi32>], vector<16xf32>,
      %select_n3A_1693 = arith.select %ge3A_1675, %gather3A_1683, %gather3A_1692 : vector<16xf32>
      %and3A_1694 = arith.constant 15 : i32
      %and3A_1695 = arith.andi %add3A_1253, %and3A_1694 : i32
      %mul3A_1696 = arith.constant 8 : i32
      %mul3A_1697 = arith.muli %and3A_1695, %mul3A_1696 : i32
      %add3A_1698 = arith.constant 6 : i32
      %add3A_1699 = arith.addi %mul3A_1697, %add3A_1698 : i32
      %broadcast_in_dim3A_1700 = vector.broadcast %add3A_1699 : i32 to vector<16xi32>
      tpu.vector_store_idx %arg17[%iota3A, %broadcast_in_dim3A_1700], %select_n3A_1693 : memref<16x128xf32, #tpu.memory_space<vmem>>[vector<16xi32>, vector<16xi32>], vector<16xf32>,
      %mul3A_1701 = arith.mulf %select_n3A_1673, %select_n3A_1693 : vector<16xf32>
      %reduce_sum3A_1702 = arith.constant true
      %reduce_sum3A_1703 = vector.broadcast %reduce_sum3A_1702 : i1 to vector<16xi1>
      %reduce_sum3A_1704 = tpu.scan <sum>, %mul3A_1701 masked %reduce_sum3A_1703 : vector<16xf32>, vector<16xi1> -> vector<16xf32>
      %reduce_sum3A_1705 = vector.extract %reduce_sum3A_1704[15] : f32 from vector<16xf32>
      %eq3A_1706 = arith.constant 14 : i32
      %eq3A_1707 = vector.broadcast %eq3A_1706 : i32 to vector<16xi32>
      %eq3A_1708 = arith.cmpi eq, %iota3A, %eq3A_1707 : vector<16xi32>
      %broadcast_in_dim3A_1709 = vector.broadcast %reduce_sum3A_1705 : f32 to vector<16xf32>
      %select_n3A_1710 = arith.select %eq3A_1708, %broadcast_in_dim3A_1709, %select_n3A_1649 : vector<16xi1>, vector<16xf32>
      %slice3A_1711 = vector.extract_strided_slice %get3A_1281 {offsets = [15], sizes = [1], strides = [1]} : vector<16xi32> to vector<1xi32>
      %squeeze3A_1712 = vector.extract %slice3A_1711[0] : i32 from vector<1xi32>
      %slice3A_1713 = vector.extract_strided_slice %get3A_1283 {offsets = [15], sizes = [1], strides = [1]} : vector<16xi32> to vector<1xi32>
      %squeeze3A_1714 = vector.extract %slice3A_1713[0] : i32 from vector<1xi32>
      %ge3A_1715 = arith.constant 999936 : i32
      %ge3A_1716 = arith.cmpi sge, %squeeze3A_1712, %ge3A_1715 : i32
      %sub3A_1717 = arith.constant 999936 : i32
      %sub3A_1718 = arith.subi %squeeze3A_1712, %sub3A_1717 : i32
      %jit3A_1719 = arith.constant 0 : i32
      %jit3A_1720 = arith.constant 63 : i32
      %max3A_1721 = arith.maxsi %jit3A_1719, %sub3A_1718 : i32
      %min3A_1722 = arith.minsi %jit3A_1720, %max3A_1721 : i32
      %broadcast_in_dim3A_1723 = vector.broadcast %min3A_1722 : i32 to vector<16xi32>
      %gather3A_1724 = tpu.vector_load_idx %arg18[%iota3A, %broadcast_in_dim3A_1723] : memref<16x64xf32, #tpu.memory_space<vmem>>[vector<16xi32>, vector<16xi32>], vector<16xf32>,
      %and3A_1725 = arith.constant 127 : i32
      %and3A_1726 = arith.andi %squeeze3A_1712, %and3A_1725 : i32
      %broadcast_in_dim3A_1727 = vector.broadcast %and3A_1726 : i32 to vector<16xi32>
      %gather3A_1728 = arith.constant 7 : i32
      %gather3A_1729 = arith.constant 0 : i32
      %gather3A_1730 = arith.constant 0 : i32
      %gather3A_1731 = tpu.memref_slice %arg14[%gather3A_1728, %gather3A_1729, %gather3A_1730] : memref<8x16x128xf32, #tpu.memory_space<vmem>> -> memref<1x16x128xf32, #tpu.memory_space<vmem>>
      %gather3A_1732 = tpu.memref_squeeze %gather3A_1731 : memref<1x16x128xf32, #tpu.memory_space<vmem>> -> memref<16x128xf32, #tpu.memory_space<vmem>>
      %gather3A_1733 = tpu.vector_load_idx %gather3A_1732[%iota3A, %broadcast_in_dim3A_1727] : memref<16x128xf32, #tpu.memory_space<vmem>>[vector<16xi32>, vector<16xi32>], vector<16xf32>,
      %select_n3A_1734 = arith.select %ge3A_1716, %gather3A_1724, %gather3A_1733 : vector<16xf32>
      %ge3A_1735 = arith.constant 999936 : i32
      %ge3A_1736 = arith.cmpi sge, %squeeze3A_1714, %ge3A_1735 : i32
      %sub3A_1737 = arith.constant 999936 : i32
      %sub3A_1738 = arith.subi %squeeze3A_1714, %sub3A_1737 : i32
      %jit3A_1739 = arith.constant 0 : i32
      %jit3A_1740 = arith.constant 63 : i32
      %max3A_1741 = arith.maxsi %jit3A_1739, %sub3A_1738 : i32
      %min3A_1742 = arith.minsi %jit3A_1740, %max3A_1741 : i32
      %broadcast_in_dim3A_1743 = vector.broadcast %min3A_1742 : i32 to vector<16xi32>
      %gather3A_1744 = tpu.vector_load_idx %arg19[%iota3A, %broadcast_in_dim3A_1743] : memref<16x64xf32, #tpu.memory_space<vmem>>[vector<16xi32>, vector<16xi32>], vector<16xf32>,
      %and3A_1745 = arith.constant 127 : i32
      %and3A_1746 = arith.andi %squeeze3A_1714, %and3A_1745 : i32
      %broadcast_in_dim3A_1747 = vector.broadcast %and3A_1746 : i32 to vector<16xi32>
      %gather3A_1748 = arith.constant 7 : i32
      %gather3A_1749 = arith.constant 0 : i32
      %gather3A_1750 = arith.constant 0 : i32
      %gather3A_1751 = tpu.memref_slice %arg16[%gather3A_1748, %gather3A_1749, %gather3A_1750] : memref<8x16x128xf32, #tpu.memory_space<vmem>> -> memref<1x16x128xf32, #tpu.memory_space<vmem>>
      %gather3A_1752 = tpu.memref_squeeze %gather3A_1751 : memref<1x16x128xf32, #tpu.memory_space<vmem>> -> memref<16x128xf32, #tpu.memory_space<vmem>>
      %gather3A_1753 = tpu.vector_load_idx %gather3A_1752[%iota3A, %broadcast_in_dim3A_1747] : memref<16x128xf32, #tpu.memory_space<vmem>>[vector<16xi32>, vector<16xi32>], vector<16xf32>,
      %select_n3A_1754 = arith.select %ge3A_1736, %gather3A_1744, %gather3A_1753 : vector<16xf32>
      %and3A_1755 = arith.constant 15 : i32
      %and3A_1756 = arith.andi %add3A_1253, %and3A_1755 : i32
      %mul3A_1757 = arith.constant 8 : i32
      %mul3A_1758 = arith.muli %and3A_1756, %mul3A_1757 : i32
      %add3A_1759 = arith.constant 7 : i32
      %add3A_1760 = arith.addi %mul3A_1758, %add3A_1759 : i32
      %broadcast_in_dim3A_1761 = vector.broadcast %add3A_1760 : i32 to vector<16xi32>
      tpu.vector_store_idx %arg17[%iota3A, %broadcast_in_dim3A_1761], %select_n3A_1754 : memref<16x128xf32, #tpu.memory_space<vmem>>[vector<16xi32>, vector<16xi32>], vector<16xf32>,
      %mul3A_1762 = arith.mulf %select_n3A_1734, %select_n3A_1754 : vector<16xf32>
      %reduce_sum3A_1763 = arith.constant true
      %reduce_sum3A_1764 = vector.broadcast %reduce_sum3A_1763 : i1 to vector<16xi1>
      %reduce_sum3A_1765 = tpu.scan <sum>, %mul3A_1762 masked %reduce_sum3A_1764 : vector<16xf32>, vector<16xi1> -> vector<16xf32>
      %reduce_sum3A_1766 = vector.extract %reduce_sum3A_1765[15] : f32 from vector<16xf32>
      %eq3A_1767 = arith.constant 15 : i32
      %eq3A_1768 = vector.broadcast %eq3A_1767 : i32 to vector<16xi32>
      %eq3A_1769 = arith.cmpi eq, %iota3A, %eq3A_1768 : vector<16xi32>
      %broadcast_in_dim3A_1770 = vector.broadcast %reduce_sum3A_1766 : f32 to vector<16xf32>
      %select_n3A_1771 = arith.select %eq3A_1769, %broadcast_in_dim3A_1770, %select_n3A_1710 : vector<16xi1>, vector<16xf32>
      %mul3A_1772 = arith.constant 16 : i32
      %mul3A_1773 = arith.muli %scan3A_355, %mul3A_1772 : i32
      %swap3A = arith.index_cast %mul3A_1773 : i32 to index
      %swap3A_1774 = tpu.vector_load %arg20[%swap3A] {strides = array<i32>} : memref<512xf32, #tpu.memory_space<vmem>>, vector<16xf32>,
      tpu.vector_store %arg20[%swap3A], %select_n3A_1771 {strides = array<i32>} : memref<512xf32, #tpu.memory_space<vmem>>, vector<16xf32>,
      %and3A_1775 = arith.constant 7 : i32
      %and3A_1776 = arith.andi %scan3A_355, %and3A_1775 : i32
      %eq3A_1777 = arith.constant 7 : i32
      %eq3A_1778 = arith.cmpi eq, %and3A_1776, %eq3A_1777 : i32
      %convert_element_type3A_1779 = arith.extui %eq3A_1778 : i1 to i32
      %cond3A_1780 = arith.constant 0 : i32
      %cond3A_1781 = arith.cmpi ne, %convert_element_type3A_1779, %cond3A_1780 : i32
      scf.if %cond3A_1781 {
        %shift_right_arithmetic3A_1782 = arith.constant 3 : i32
        %shift_right_arithmetic3A_1783 = arith.shrsi %scan3A_355, %shift_right_arithmetic3A_1782 : i32
        %shift_left3A_1784 = arith.constant 7 : i32
        %shift_left3A_1785 = arith.shli %shift_right_arithmetic3A_1783, %shift_left3A_1784 : i32
        %multiple_of3A_1786 = tpu.assume_multiple %shift_left3A_1785, 128 : i32
        %add3A_1787 = arith.addi %mul3A_2, %multiple_of3A_1786 : i32
        "tpu.region"() ({
          %run_scoped3A = tpu.sem_alloc : memref<!tpu.dma_semaphore, #tpu.memory_space<semaphore_mem>>
          %dma_start3A_1788 = arith.constant 0 : i32
          %dma_start3A_1789 = tpu.memref_slice %arg10[%dma_start3A_1788, %add3A_1787] : memref<16x16384xf32, #tpu.memory_space<hbm>> -> memref<16x128xf32, #tpu.memory_space<hbm>>
          %dma_start3A_1790 = arith.constant 0 : i32
          %dma_start3A_1791 = tpu.memref_slice %arg10[%dma_start3A_1790, %add3A_1787] : memref<16x16384xf32, #tpu.memory_space<hbm>> -> memref<16x128xf32, #tpu.memory_space<hbm>>
          tpu.enqueue_dma source(%arg17 : memref<16x128xf32, #tpu.memory_space<vmem>>) target(%dma_start3A_1791 : memref<16x128xf32, #tpu.memory_space<hbm>>) target_semaphore(%run_scoped3A : memref<!tpu.dma_semaphore, #tpu.memory_space<semaphore_mem>>)
          %dma_wait3A = arith.constant 0 : i32
          %dma_wait3A_1792 = tpu.memref_slice %arg10[%dma_wait3A, %add3A_1787] : memref<16x16384xf32, #tpu.memory_space<hbm>> -> memref<16x128xf32, #tpu.memory_space<hbm>>
          %dma_wait3A_1793 = arith.constant 0 : i32
          %dma_wait3A_1794 = tpu.memref_slice %arg10[%dma_wait3A_1793, %add3A_1787] : memref<16x16384xf32, #tpu.memory_space<hbm>> -> memref<16x128xf32, #tpu.memory_space<hbm>>
          tpu.wait_dma2 semaphore(%run_scoped3A : memref<!tpu.dma_semaphore, #tpu.memory_space<semaphore_mem>>) src(%arg17 : memref<16x128xf32, #tpu.memory_space<vmem>>) dst(%dma_wait3A_1794 : memref<16x128xf32, #tpu.memory_space<hbm>>)
          tpu.yield
        }) : () -> ()
      } else {
      }
    }
    %scan3A_354 = arith.constant 32 : i32
    "tpu.region"() ({
      %run_scoped3A = tpu.sem_alloc : memref<!tpu.dma_semaphore, #tpu.memory_space<semaphore_mem>>
      %dma_start3A_355 = tpu.memref_slice %arg9[%mul3A_2] : memref<16384xf32, #tpu.memory_space<hbm>> -> memref<512xf32, #tpu.memory_space<hbm>>
      %dma_start3A_356 = tpu.memref_slice %arg9[%mul3A_2] : memref<16384xf32, #tpu.memory_space<hbm>> -> memref<512xf32, #tpu.memory_space<hbm>>
      tpu.enqueue_dma source(%arg20 : memref<512xf32, #tpu.memory_space<vmem>>) target(%dma_start3A_356 : memref<512xf32, #tpu.memory_space<hbm>>) target_semaphore(%run_scoped3A : memref<!tpu.dma_semaphore, #tpu.memory_space<semaphore_mem>>)
      %dma_wait3A = tpu.memref_slice %arg9[%mul3A_2] : memref<16384xf32, #tpu.memory_space<hbm>> -> memref<512xf32, #tpu.memory_space<hbm>>
      %dma_wait3A_357 = tpu.memref_slice %arg9[%mul3A_2] : memref<16384xf32, #tpu.memory_space<hbm>> -> memref<512xf32, #tpu.memory_space<hbm>>
      tpu.wait_dma2 semaphore(%run_scoped3A : memref<!tpu.dma_semaphore, #tpu.memory_space<semaphore_mem>>) src(%arg20 : memref<512xf32, #tpu.memory_space<vmem>>) dst(%dma_wait3A_357 : memref<512xf32, #tpu.memory_space<hbm>>)
      tpu.yield
    }) : () -> ()
    return
  }
}

module attributes {stable_mosaic.version = 14 : i64} {
  func.func @_tc_combine_body(%arg0: i32, %arg1: memref<64x2048xf32, #tpu.memory_space<vmem>>, %arg2: memref<32x64xf32, #tpu.memory_space<vmem>>, %arg3: memref<32x1xf32, #tpu.memory_space<vmem>>, %arg4: memref<16x32xf32, #tpu.memory_space<vmem>>, %arg5: memref<16x1xf32, #tpu.memory_space<vmem>>, %arg6: memref<16x2048xf32, #tpu.memory_space<vmem>>, %arg7: memref<2048xf32, #tpu.memory_space<vmem>>, %arg8: memref<2048xf32, #tpu.memory_space<vmem>>) attributes {dimension_semantics = [#tpu.dimension_semantics<arbitrary>], iteration_bounds = array<i64: 8>, scalar_prefetch = 0 : i64, scratch_operands = 0 : i64, tpu.core_type = #tpu.core_type<tc>, window_params = [{transform_indices = @transform_0, window_bounds = array<i64: 64, 2048>}, {pipeline_mode = #tpu.pipeline_mode<synchronous>, transform_indices = @transform_1, window_bounds = array<i64: 32, 64>}, {pipeline_mode = #tpu.pipeline_mode<synchronous>, transform_indices = @transform_2, window_bounds = array<i64: 32, 1>}, {pipeline_mode = #tpu.pipeline_mode<synchronous>, transform_indices = @transform_3, window_bounds = array<i64: 16, 32>}, {pipeline_mode = #tpu.pipeline_mode<synchronous>, transform_indices = @transform_4, window_bounds = array<i64: 16, 1>}, {transform_indices = @transform_5, window_bounds = array<i64: 16, 2048>}, {transform_indices = @transform_6, window_bounds = array<i64: 2048>}, {transform_indices = @transform_7, window_bounds = array<i64: 2048>}]} {
    %get3A = arith.constant 0 : index
    %get3A_0 = arith.constant 0 : index
    %get3A_1 = vector.load %arg2[%get3A, %get3A_0] : memref<32x64xf32, #tpu.memory_space<vmem>>, vector<32x64xf32>
    %get3A_2 = arith.constant 0 : index
    %get3A_3 = arith.constant 0 : index
    %get3A_4 = vector.load %arg1[%get3A_2, %get3A_3] : memref<64x2048xf32, #tpu.memory_space<vmem>>, vector<64x2048xf32>
    %dot_general3A = arith.constant dense<0.000000e+00> : vector<32x2048xf32>
    %dot_general3A_5 = tpu.matmul %get3A_1, %get3A_4, %dot_general3A {dimension_numbers = #tpu.dot_dimension_numbers<[1], [0], [0], [1], [0, 0, 1, 1], [], []>, transpose_lhs_hint = false} : vector<32x64xf32>, vector<64x2048xf32>, vector<32x2048xf32> -> vector<32x2048xf32>
    %get3A_6 = arith.constant 0 : index
    %get3A_7 = arith.constant 0 : index
    %get3A_8 = vector.load %arg3[%get3A_6, %get3A_7] : memref<32x1xf32, #tpu.memory_space<vmem>>, vector<32x1xf32>
    %add3A = vector.broadcast %get3A_8 : vector<32x1xf32> to vector<32x2048xf32>
    %add3A_9 = arith.addf %dot_general3A_5, %add3A : vector<32x2048xf32>
    %max3A = arith.constant 0.000000e+00 : f32
    %max3A_10 = vector.broadcast %max3A : f32 to vector<32x2048xf32>
    %max3A_11 = arith.maximumf %add3A_9, %max3A_10 : vector<32x2048xf32>
    %get3A_12 = arith.constant 0 : index
    %get3A_13 = arith.constant 0 : index
    %get3A_14 = vector.load %arg4[%get3A_12, %get3A_13] : memref<16x32xf32, #tpu.memory_space<vmem>>, vector<16x32xf32>
    %dot_general3A_15 = arith.constant dense<0.000000e+00> : vector<16x2048xf32>
    %dot_general3A_16 = tpu.matmul %get3A_14, %max3A_11, %dot_general3A_15 {dimension_numbers = #tpu.dot_dimension_numbers<[1], [0], [0], [1], [0, 0, 1, 1], [], []>, transpose_lhs_hint = false} : vector<16x32xf32>, vector<32x2048xf32>, vector<16x2048xf32> -> vector<16x2048xf32>
    %get3A_17 = arith.constant 0 : index
    %get3A_18 = arith.constant 0 : index
    %get3A_19 = vector.load %arg5[%get3A_17, %get3A_18] : memref<16x1xf32, #tpu.memory_space<vmem>>, vector<16x1xf32>
    %add3A_20 = vector.broadcast %get3A_19 : vector<16x1xf32> to vector<16x2048xf32>
    %add3A_21 = arith.addf %dot_general3A_16, %add3A_20 : vector<16x2048xf32>
    %get3A_22 = arith.constant 0 : index
    %get3A_23 = arith.constant 0 : index
    %get3A_24 = vector.load %arg6[%get3A_22, %get3A_23] : memref<16x2048xf32, #tpu.memory_space<vmem>>, vector<16x2048xf32>
    %mul3A = arith.mulf %add3A_21, %get3A_24 : vector<16x2048xf32>
    %reduce_sum3A = arith.constant dense<0.000000e+00> : vector<2048xf32>
    %reduce_sum3A_25 = vector.multi_reduction <add>, %mul3A, %reduce_sum3A [0] : vector<16x2048xf32> to vector<2048xf32>
    %get3A_26 = arith.constant 0 : index
    %get3A_27 = vector.load %arg7[%get3A_26] : memref<2048xf32, #tpu.memory_space<vmem>>, vector<2048xf32>
    %add3A_28 = arith.addf %get3A_27, %reduce_sum3A_25 : vector<2048xf32>
    %swap3A = arith.constant 0 : index
    %swap3A_29 = vector.load %arg8[%swap3A] : memref<2048xf32, #tpu.memory_space<vmem>>, vector<2048xf32>
    tpu.vector_store %arg8[%swap3A], %add3A_28 {strides = array<i32>} : memref<2048xf32, #tpu.memory_space<vmem>>, vector<2048xf32>,
    return
  }
  func.func @transform_0(%arg0: i32) -> (i32, i32) {
    %c0_i32 = arith.constant 0 : i32
    %c0_i32_0 = arith.constant 0 : i32
    return %c0_i32, %arg0 : i32, i32
  }
  func.func @transform_1(%arg0: i32) -> (i32, i32) {
    %c0_i32 = arith.constant 0 : i32
    %c0_i32_0 = arith.constant 0 : i32
    %c0_i32_1 = arith.constant 0 : i32
    return %c0_i32, %c0_i32_0 : i32, i32
  }
  func.func @transform_2(%arg0: i32) -> (i32, i32) {
    %c0_i32 = arith.constant 0 : i32
    %c0_i32_0 = arith.constant 0 : i32
    %c0_i32_1 = arith.constant 0 : i32
    return %c0_i32, %c0_i32_0 : i32, i32
  }
  func.func @transform_3(%arg0: i32) -> (i32, i32) {
    %c0_i32 = arith.constant 0 : i32
    %c0_i32_0 = arith.constant 0 : i32
    %c0_i32_1 = arith.constant 0 : i32
    return %c0_i32, %c0_i32_0 : i32, i32
  }
  func.func @transform_4(%arg0: i32) -> (i32, i32) {
    %c0_i32 = arith.constant 0 : i32
    %c0_i32_0 = arith.constant 0 : i32
    %c0_i32_1 = arith.constant 0 : i32
    return %c0_i32, %c0_i32_0 : i32, i32
  }
  func.func @transform_5(%arg0: i32) -> (i32, i32) {
    %c0_i32 = arith.constant 0 : i32
    %c0_i32_0 = arith.constant 0 : i32
    return %c0_i32, %arg0 : i32, i32
  }
  func.func @transform_6(%arg0: i32) -> i32 {
    %c0_i32 = arith.constant 0 : i32
    return %arg0 : i32
  }
  func.func @transform_7(%arg0: i32) -> i32 {
    %c0_i32 = arith.constant 0 : i32
    return %arg0 : i32
  }
}

</mosaic_0001>

<sc_bundles>
// kernel: kernel.4.cloned.1.call-start
scs
__scs_entry_jumppad:
0x0: {  	(pc) =	sbr.rel $0x88, $3  }
0x1: {  	(tag) =	ssettag $0x0;
	lr =	simm.s32 $0x1  }
0x2: {  	[smem:$0x3F98] =	sst lr;
	_ =	strace $0xD0000000  }
0x3: {  	_ = 	snop  }
0x4: {  	_ = 	snop  }
0x5: {  	_ = 	snop  }
0x6: {  	_ = 	snop  }
0x7: {  	_ = 	snop  }
__scs_overlays_trampoline_lowered:
0x8: {  	[smem:$0x3FA7] =	sst s0  }
0x9: {  	[smem:$0x3FA8] =	sst s1  }
0xa: {  	[smem:$0x3FA9] =	sst s2  }
0xb: {  	[smem:$0x3FAA] =	sst s3  }
0xc: {  	[smem:$0x3FAB] =	sst s4  }
0xd: {  	[smem:$0x3FAC] =	sst s5  }
0xe: {  	[smem:$0x3FAD] =	sst s6  }
0xf: {  	[smem:$0x3FAE] =	sst s7  }
0x10: {  	[smem:$0x3FAF] =	sst s8  }
0x11: {  	[smem:$0x3FB0] =	sst s9;
	s0 =	simm.s32 @!p0 $0x0  }
0x12: {  	s1 =	sld [smem:$0x3F96];
	s0 =	simm.s32 @p0 $0x1  }
0x13: {  	[smem:$0x3FB1] =	sst s0;
	s0 =	simm.s32 @!p1 $0x0  }
0x14: {  	s2 =	sld [smem:$0x3F95];
	s0 =	simm.s32 @p1 $0x1  }
0x15: {  	[smem:$0x3FB2] =	sst s0;
	s0 =	simm.s32 @!p2 $0x0  }
0x16: {  	s3 =	sld [smem:$0x3FDB];
	s0 =	simm.s32 @p2 $0x1  }
0x17: {  	s4 =	simm.s32 $0x1BF5;
	[smem:$0x3FB4] =	sst s0  }
0x18: {  	s0 =	sld [smem:$0x3F97];
	_ =	swait.ge [sflag:s4], $0x0  }
0x19: {  	s7 =	sld [smem:$0x3F98]  }
0x1a: {  	s8 =	sadd.s32 $0xFFFFE003, lr  }
0x1b: {  	s9 =	sadd.s32 $0xFFFFFEF7, lr;
	s5 =	simm.s32 $0xFFFFFFFF;
	p2 =	slt.u32 s8, $0xFFFFF086  }
0x1c: {  	p1 =	slt.u32 s9, $0xF7A;
	s5 =	simm.s32 @!p2 $0x0  }
0x1d: {  	s5 =	simm.s32 @p1 $0x1;
	p0 =	seq.s32 s7, s2  }
0x1e: {  	s7 =	smul.u32 @!p0 $0xF7A, s2;
	p2 =	seq.s32 @!p0 s5, $0x0  }
0x1f: {  	s9 =	smul.u32 $0xF7A, s1;
	s8 =	simm.s32 @!p0 $0x1BF5;
	p2 =	por !p2, p0  }
0x20: {  	[sflag:s8] =	ssyncset.s32 @!p0 $0xFFFFF086;
	s6 =	sadd.s32 @!p0 s3, s7;
	s7 =	simm.s32 @!p0 $0x108  }
0x21: {  	s3 =	sadd.s32 s3, s9;
	s6 =	sadd.s32 @!p0 $0x88, s6;
	s7 =	simm.s32 @p2 $0x1082  }
0x22: {  	[simem:s7], [sflag:s8] =	dma.local @!p0 [hbm:s6], $0xF7A  }
0x23: {  	s9 =	sor.u32 $0xD0000000, s2;
	s6 =	simm.s32 $0x108;
	_ =	swait.ge @!p0 [sflag:s8], $0x0  }
0x24: {  	s3 =	sadd.s32 $0x88, s3;
	s6 =	simm.s32 @!p1 $0x1082;
	[sflag:s4] =	ssyncset.s32 $0xFFFFF086  }
0x25: {  	[simem:s6], [sflag:s4] =	dma.local [hbm:s3], $0xF7A  }
0x26: {  	[smem:$0x3F98] =	sst s1;
	(tag) =	ssettag s2;
	_ =	strace s9  }
0x27: {  	s1 =	sld [smem:$0x3FA8]  }
0x28: {  	s2 =	sld [smem:$0x3FA9]  }
0x29: {  	s4 =	sld [smem:$0x3FAB]  }
0x2a: {  	p0 =	seq.s32 s5, $0x0;
	s5 =	sld [smem:$0x3FAC]  }
0x2b: {  	s6 =	sld [smem:$0x3FAD]  }
0x2c: {  	s7 =	sld [smem:$0x3FAE]  }
0x2d: {  	s3 =	simm.s32 $0x108;
	s8 =	sld [smem:$0x3FAF]  }
0x2e: {  	s3 =	simm.s32 @!p0 $0x1082;
	s9 =	sld [smem:$0x3FB0]  }
0x2f: {  	lr =	sadd.s32 s0, s3;
	s0 =	sld [smem:$0x3FA7]  }
0x30: {  	s3 =	sld [smem:$0x3FAA]  }
0x31: {  	[smem:$0x3FB3] =	sst s10  }
0x32: {  	s10 =	sld [smem:$0x3FB1];
	_ =	sdelay $0x3  }
0x33: {  	p0 =	seq.s32 s10, $0x1;
	s10 =	sld [smem:$0x3FB3];
	_ =	sdelay $0x3  }
0x34: {  	[smem:$0x3FB3] =	sst s10  }
0x35: {  	s10 =	sld [smem:$0x3FB2];
	_ =	sdelay $0x3  }
0x36: {  	p1 =	seq.s32 s10, $0x1;
	s10 =	sld [smem:$0x3FB3];
	_ =	sdelay $0x3  }
0x37: {  	[smem:$0x3FB3] =	sst s10  }
0x38: {  	s10 =	sld [smem:$0x3FB4]  }
0x39: {  	_ = 	snop;
	(pc) =	sbr.ind lr, $3  }
0x3a: {  	_ = 	snop  }
0x3b: {  	_ = 	snop  }
0x3c: {  	p2 =	seq.s32 s10, $0x1;
	s10 =	sld [smem:$0x3FB3]  }
0x3d: {  	_ =	shalt  }
0x3e: {  	_ =	shalt  }
0x3f: {  	_ =	shalt  }
0x40: {  	_ =	shalt  }
0x41: {  	_ =	shalt  }
0x42: {  	_ =	shalt  }
0x43: {  	_ =	shalt  }
0x44: {  	_ =	shalt  }
0x45: {  	_ =	shalt  }
0x46: {  	_ =	shalt  }
0x47: {  	_ =	shalt  }
0x48: {  	_ =	shalt  }
0x49: {  	_ =	shalt  }
0x4a: {  	_ =	shalt  }
0x4b: {  	_ =	shalt  }
0x4c: {  	_ =	shalt  }
0x4d: {  	_ =	shalt  }
0x4e: {  	_ =	shalt  }
0x4f: {  	_ =	shalt  }
0x50: {  	_ =	shalt  }
0x51: {  	_ =	shalt  }
0x52: {  	_ =	shalt  }
0x53: {  	_ =	shalt  }
0x54: {  	_ =	shalt  }
0x55: {  	_ =	shalt  }
0x56: {  	_ =	shalt  }
0x57: {  	_ =	shalt  }
0x58: {  	_ =	shalt  }
0x59: {  	_ =	shalt  }
0x5a: {  	_ =	shalt  }
0x5b: {  	_ =	shalt  }
0x5c: {  	_ =	shalt  }
0x5d: {  	_ =	shalt  }
0x5e: {  	_ =	shalt  }
0x5f: {  	_ =	shalt  }
0x60: {  	_ =	shalt  }
0x61: {  	_ =	shalt  }
0x62: {  	_ =	shalt  }
0x63: {  	_ =	shalt  }
0x64: {  	_ =	shalt  }
0x65: {  	_ =	shalt  }
0x66: {  	_ =	shalt  }
0x67: {  	_ =	shalt  }
0x68: {  	_ =	shalt  }
0x69: {  	_ =	shalt  }
0x6a: {  	_ =	shalt  }
0x6b: {  	_ =	shalt  }
0x6c: {  	_ =	shalt  }
0x6d: {  	_ =	shalt  }
0x6e: {  	_ =	shalt  }
0x6f: {  	_ =	shalt  }
0x70: {  	_ =	shalt  }
0x71: {  	_ =	shalt  }
0x72: {  	_ =	shalt  }
0x73: {  	_ =	shalt  }
0x74: {  	_ =	shalt  }
0x75: {  	_ =	shalt  }
0x76: {  	_ =	shalt  }
0x77: {  	_ =	shalt  }
0x78: {  	_ =	shalt  }
0x79: {  	_ =	shalt  }
0x7a: {  	_ =	shalt  }
0x7b: {  	_ =	shalt  }
0x7c: {  	_ =	shalt  }
0x7d: {  	_ =	shalt  }
0x7e: {  	_ =	shalt  }
0x7f: {  	_ =	shalt  }
0x80: {  	_ =	shalt  }
0x81: {  	_ =	shalt  }
0x82: {  	_ =	shalt  }
0x83: {  	_ =	shalt  }
0x84: {  	_ =	shalt  }
0x85: {  	_ =	shalt  }
0x86: {  	_ =	shalt  }
0x87: {  	_ =	shalt  }
.Lfunc_end0:
.L_simem_size_0:
called_computation_lowered:
.L_overlay_start_0:
0x88: {  	s2 =	sld [smem:$0x3FD9]  }
0x89: {  	s3 =	sld [smem:$0x3FFE];
	_ =	sdelay $0x1  }
0x8a: {  	s1 =	srdreg.scid  }
0x8b: {  	s0 =	sand.u32 $0x1, s1  }
0x8c: {  	s17 =	sshll.u32 s0, $0xA;
	s2 =	sadd.s32 s3, s2  }
0x8d: {  	s2 =	sadd.s32 s2, s17  }
0x8e: {  	[smem:$0x3FBF] =	sst s2  }
0x8f: {  	_ = 	snop  }
0x90: {  	s2 =	sld [smem:$0x3FC9]  }
0x91: {  	s18 =	sld [smem:$0x3FC8]  }
0x92: {  	s4 =	sld [smem:$0x3FC6]  }
0x93: {  	s5 =	sld [smem:$0x3FC5];
	(tm) =	ssettm $0x1  }
0x94: {  	s6 =	sld [smem:$0x3FFB];
	_ =	sdelay $0x3  }
0x95: {  	_ =	strace s6  }
0x96: {  	s6 =	sld [smem:$0x3FFC];
	_ =	sdelay $0x3  }
0x97: {  	_ =	strace s6  }
0x98: {  	s6 =	sld [smem:$0x3FFD];
	_ =	sdelay $0x3  }
0x99: {  	_ =	strace s6  }
0x9a: {  	_ =	strace $0x8FFFFFFF  }
0x9b: {  	s19 =	sld [smem:$0x3FDB];
	_ =	sdelay $0x1  }
0x9c: {  	s7 =	simm.s32 $_scs_section_size  }
0x9d: {  	s8 =	simm.s32 $_size__tile_overlayer_lowered;
	s9 =	simm.s32 $_tile_overlayer_lowered  }
0x9e: {  	s22 =	simm.s32 $0x1BFF;
	s21 =	sshll.u32 s9, $0x1;
	s6 =	sadd.s32 s7, s19  }
0x9f: {  	s10 =	simm.s32 $0x0;
	s20 =	sshll.u32 s8, $0x1;
	s8 =	sadd.s32 s21, s6  }
0xa0: {  	[timem:s10], [sflag:s22] =	dma.local [hbm:s8], s20  }
0xa1: {  	_ =	swait.ge [sflag:s22], s20  }
0xa2: {  	s7 =	ssub.s32 $0x0, s20;
	[sflag:s22] =	ssyncset.done $0x0  }
0xa3: {  	[sflag:s22] =	ssyncadd.s32 s7;
	_ =	sdelay $0x1  }
0xa4: {  	s23 =	simm.s32 $0x1B8B  }
0xa5: {  	_ =	swait.ge [sflag:s23], $0x1  }
0xa6: {  	[sflag:s23] =	ssyncset.done $0x0  }
0xa7: {  	s25 =	simm.s32 $0x1B8E;
	s24 =	sld [smem:$0x3FFE];
	[sflag:s23] =	ssyncadd.s32 $0xFFFFFFFF  }
0xa8: {  	s26 =	simm.s32 $execute0_lowered;
	[smem:$0x3FD2] =	sst s25  }
0xa9: {  	s8 =	sshll.u32 s26, $0x1;
	_ =	strace $0x80000046;
	[dreg:$0x1] =	wrdreg $0xFFFFFFFF  }
0xaa: {  	s28 =	simm.s32 $_size_execute0_lowered;
	s6 =	sadd.s32 s6, s8;
	[dreg:$0x0] =	wrdreg $0x0  }
0xab: {  	s8 =	sshll.u32 s28, $0x1;
	[dreg:$0x2] =	wrdreg s6  }
0xac: {  	[dreg:$0x3] =	wrdreg s8  }
0xad: {  	[dreg:$0x4] =	wrdreg $0xC0  }
0xae: {  	_ =	task [dreg:s10], $0x5FFFF  }
0xaf: {  	[dreg:$0x1] =	wrdreg $0xFFFFFFFF  }
0xb0: {  	[dreg:$0x0] =	wrdreg $0x60  }
0xb1: {  	[dreg:$0x2] =	wrdreg s2  }
0xb2: {  	[dreg:$0x3] =	wrdreg s18  }
0xb3: {  	[dreg:$0x4] =	wrdreg s4  }
0xb4: {  	[dreg:$0x5] =	wrdreg s5  }
0xb5: {  	[dreg:$0x6] =	wrdreg s24  }
0xb6: {  	[dreg:$0x7] =	wrdreg $0x9  }
0xb7: {  	_ =	task.clear_ibuf [dreg:s10], $0x8FFFF;
	_ =	strace $0x90000046  }
0xb8: {  	s29 =	simm.s32 $0x9;
	_ =	strace $0x80000048  }
0xb9: {  	_ =	swait.ge [sflag:s29], $0x1  }
0xba: {  	[sflag:s29] =	ssyncadd.s32 $0xFFFFFFFF  }
0xbb: {  	_ =	strace $0x90000048  }
0xbc: {  	_ =	sfence  }
0xbd: {  	s30 =	sld [smem:$0x0];
	_ =	sdelay $0x2  }
0xbe: {  	s31 =	sshll.u32 s1, $0xD;
	s1 =	sshrl.u32 s1, $0x2  }
0xbf: {  	s3 =	sand.u32 $0x4000, s31;
	s1 =	sadd.s32 s1, s30  }
0xc0: {  	s0 =	sor.u32 s3, s0;
	s1 =	sshll.u32 s1, $0x11  }
0xc1: {  	s0 =	sor.u32 s1, s0  }
0xc2: {  	s0 =	sadd.s32 $0x8F2B, s0  }
0xc3: {  	[sflag:s0] =	ssyncadd.remote.s32 $0x1  }
0xc4: {  	_ =	sfence.sel $0xFFFF  }
0xc5: {  	[dreg:$0x0] =	wrdreg $0xFFFFFFFF;
	(pc) =	sbr.abs _section_cstart, $3  }
0xc6: {  	[dreg:$0x1] =	wrdreg $0xFFFFFFFF  }
0xc7: {  	_ =	task.clear_ibuf [dreg:s10], $0x2FFFF;
	_ =	strace $0x9FFFFFFF  }
0xc8: {  	(tm) =	ssettm $0x7FFFFFFF  }
0xc9: {  	_ =	shalt  }
tec
execute0_lowered:
.L_overlay_start_1:
0x0: {  	(tag) =	ssettag $0x1  }
0x1: {  	s0 =	rddreg [dreg:$0x0]  }
0x2: {  	s3 =	rddreg [dreg:$0x1]  }
0x3: {  	s1 =	rddreg [dreg:$0x2]  }
0x4: {  	s2 =	rddreg [dreg:$0x3]  }
0x5: {  	s4 =	rddreg [dreg:$0x4];
	s5 =	srdreg.scid;
	s10 =	simm.s32 $0x0  }
0x6: {  	s6 =	stileid.u32;
	s13 =	simm.s32 $0x10C00;
	s14 =	simm.s32 $0x11400  }
0x7: {  	s15 =	simm.s32 $0x7A1400;
	s16 =	simm.s32 $0x400;
	s11 =	simm.s32 $0x5400  }
0x8: {  	s12 =	simm.s32 $0xD400;
	s17 =	simm.s32 $0x5C00;
	s18 =	simm.s32 $0xDC00  }
0x9: {  	s19 =	simm.s32 $0x6400;
	s20 =	simm.s32 $0xE400;
	s5 =	sand.u32 $0x1, s5  }
0xa: {  	[smem:$0x7FF] =	sst s10;
	s6 =	sshll.u32 s6, $0xA;
	s24 =	sadd.s32 $0x1600, s4  }
0xb: {  	s8 =	sadd.s32 $0x1800, s4;
	_ =	strace $0x80000047;
	[dreg:$0x6] =	wrdreg s24  }
0xc: {  	s7 =	sshll.u32 s5, $0x9;
	s5 =	ssub.s32 $0x2, s5;
	[dreg:$0x7] =	wrdreg s8  }
0xd: {  	s8 =	simm.s32 $0x4C00;
	s6 =	sor.u32 s7, s6;
	s9 =	sshrl.u32 s5, $0x1  }
0xe: {  	s7 =	simm.s32 $0xC400;
	s25 =	sshrl.u32 s6, $0x3;
	s5 =	ssub.s32 s5, s9  }
0xf: {  	v0 =	vlaneseq.u32;
	vm0 =	vmmov $0x1;
	s9 =	simm.s32 $0xCC00;
	s26 =	sadd.s32 s25, s4;
	s0 =	sadd.s32 s0, s25  }
.Ltmp0:
0x10: {  	vm1 =	vmmov $0x3;
	vm2 =	vmmov $0x7;
	vm3 =	vmmov $0xf;
	s28 =	sadd.s32 s3, s25;
	[dreg:$0x8] =	wrdreg s0;
	(pc) =	sbr.rel .LBB2_1-.Ltmp0, $4  }
0x11: {  	vm4 =	vmmov $0x1f;
	vm5 =	vmmov $0x3f;
	vm6 =	vmmov $0x7f;
	s4 =	sadd.s32 s6, s4;
	s31 =	smax.u32 s5, $0x1;
	[dreg:$0x9] =	wrdreg s28  }
0x12: {  	vm7 =	vcmask $0x2320;
	vm8 =	vmmov $0x1ff;
	vm9 =	vmmov $0x3ff;
	s3 =	simm.s32 $0x3;
	s29 =	sadd.s32 $0x1A00, s4;
	[dreg:$0xc] =	wrdreg s31  }
0x13: {  	vm10 =	vmmov $0x7ff;
	vm11 =	vmmov $0xfff;
	vm12 =	vmmov $0x1fff;
	s6 =	simm.s32 $0x4400;
	s30 =	sadd.s32 $0x9A00, s26;
	[dreg:$0xa] =	wrdreg s29  }
0x14: {  	vm13 =	vmmov $0x3fff;
	vm14 =	vmmov $0x7fff;
	v0 =	vmul.u32 $0x80, v0;
	s25 =	simm.s32 $0x10400;
	s4 =	simm.s32 $0x0;
	[dreg:$0xb] =	wrdreg s30  }
.LBB2_5:
0x15: {  	s10 =	simm.s32 $0x0;
	s0 =	rddreg [dreg:$0xb];
	s3 =	simm.s32 $0x11C00  }
0x16: {  	[hbm4b:s0+s10] =	stream.linear.scatter [tilespmem:s3], [sflag:$0x3], $0x200, $0x38;
	[tilespmem:$0x11E00] =	vst v63  }
0x17: {  	s3 =	simm.s32 $0x3  }
0x18: {  	_ =	swait.ge [sflag:s3], $0x200  }
0x19: {  	s4 =	rddreg [dreg:$0xd]  }
0x1a: {  	s31 =	rddreg [dreg:$0xc];
	s4 =	sadd.s32 $0x1, s4  }
0x1b: {  	p0 =	sne.s32 s4, s31  }
.Ltmp1:
0x1c: {  	_ = 	snop;
	(pc) =	sbr.rel @!p0 .LBB2_6-.Ltmp1, $3  }
0x1d: {  	_ =	sdelay $0x1  }
0x1e: {  	[sflag:s3] =	ssyncset.done $0x0  }
0x1f: {  	[sflag:s3] =	ssyncadd.s32 $0xFFFFFE00  }
.LBB2_1:
0x20: {  	[dreg:$0xd] =	wrdreg s4  }
0x21: {  	s0 =	rddreg [dreg:$0x8]  }
0x22: {  	[tilespmem:s10], [sflag:$0x3] =	stream.linear.gather [hbm4b:s0+s10], $0x200, $0x38;
	[tilespmem:$0x11E00] =	vst v63  }
0x23: {  	_ =	swait.ge [sflag:s3], $0x200  }
0x24: {  	[sflag:s3] =	ssyncset.done $0x0  }
0x25: {  	s28 =	simm.s32 $0x200;
	s26 =	rddreg [dreg:$0x9];
	[sflag:s3] =	ssyncadd.s32 $0xFFFFFE00  }
0x26: {  	[tilespmem:s28], [sflag:$0x3] =	stream.linear.gather [hbm4b:s26+s10], $0x200, $0x38;
	[tilespmem:$0x11E00] =	vst v63  }
0x27: {  	_ =	swait.ge [sflag:s3], $0x200  }
0x28: {  	[sflag:s3] =	ssyncset.done $0x0  }
0x29: {  	s4 =	rddreg [dreg:$0x6];
	[sflag:s3] =	ssyncadd.s32 $0xFFFFFE00  }
0x2a: {  	[tilespmem:s13], [sflag:$0x3] =	stream.linear.gather [hbm4b:s4+s10], $0x800, $0x38;
	[tilespmem:$0x11E00] =	vst v63  }
0x2b: {  	_ =	swait.ge [sflag:s3], $0x800  }
0x2c: {  	[sflag:s3] =	ssyncset.done $0x0  }
0x2d: {  	s5 =	rddreg [dreg:$0x7];
	[sflag:s3] =	ssyncadd.s32 $0xFFFFF800  }
0x2e: {  	[tilespmem:s14], [sflag:$0x3] =	stream.linear.gather [hbm4b:s5+s10], $0x800, $0x38;
	[tilespmem:$0x11E00] =	vst v63  }
0x2f: {  	_ =	swait.ge [sflag:s3], $0x800  }
0x30: {  	[sflag:s3] =	ssyncset.done $0x0  }
0x31: {  	[sflag:s3] =	ssyncadd.s32 $0xFFFFF800  }
0x32: {  	v1 =	vld [tilespmem:$0x200];
	_ =	sdelay $0x3  }
0x33: {  	v2 =	vld [tilespmem:$0x0]  }
0x34: {  	(v2sf) =	vpush v1, $0x0;
	_ =	sdelay $0x3  }
0x35: {  	(v2sf) =	vpush v2, $0x0  }
0x36: {  	(v2sf) =	vpush v1, $0x1;
	_ =	sdelay $0x4  }
0x37: {  	(v2sf) =	vpush v2, $0x1;
	_ =	sdelay $0x3  }
0x38: {  	(v2sf) =	vpush v1, $0x2  }
0x39: {  	s10 =	spop (v2sf);
	(v2sf) =	vpush v2, $0x2;
	_ =	sdelay $0x3  }
0x3a: {  	s21 =	spop (v2sf);
	(v2sf) =	vpush v1, $0x3  }
0x3b: {  	s3 =	sand.u32 $0xFFFFFF80, s21;
	s22 =	spop (v2sf);
	(v2sf) =	vpush v2, $0x3  }
0x3c: {  	s0 =	sand.u32 $0xFFFFFF80, s10;
	p0 =	slt.s32 s3, $0xF4180  }
0x3d: {  	s3 =	simm.s32 @!p0 $0xF4180;
	p0 =	slt.s32 s0, $0xF4180  }
0x3e: {  	s0 =	simm.s32 @!p0 $0xF4180;
	s3 =	sadd.s32 s1, s3  }
0x3f: {  	[tilespmem:s16], [sflag:$0x1] =	stream.strided.gather [hbm4b:s3+s16], $0x800, s15, s16, $0x38;
	[tilespmem:$0x11E00] =	vst v63  }
0x40: {  	s23 =	simm.s32 $0x8400;
	s24 =	spop (v2sf);
	s0 =	sadd.s32 s2, s0  }
0x41: {  	[tilespmem:s23], [sflag:$0x1] =	stream.strided.gather [hbm4b:s0+s16], $0x800, s15, s16, $0x38;
	[tilespmem:$0x11E00] =	vst v63  }
0x42: {  	s0 =	sand.u32 $0xFFFFFF80, s24  }
0x43: {  	s5 =	simm.s32 $0xC00;
	(v2sf) =	vpush v1, $0x4;
	s3 =	sand.u32 $0xFFFFFF80, s22;
	p0 =	slt.s32 s0, $0xF4180  }
0x44: {  	s26 =	spop (v2sf);
	s0 =	simm.s32 @!p0 $0xF4180;
	p0 =	slt.s32 s3, $0xF4180  }
0x45: {  	s3 =	simm.s32 @!p0 $0xF4180;
	s0 =	sadd.s32 s1, s0;
	s10 =	spop (v2sf);
	(v2sf) =	vpush v2, $0x4  }
0x46: {  	[tilespmem:s5], [sflag:$0x1] =	stream.strided.gather [hbm4b:s0+s16], $0x800, s15, s16, $0x38;
	[tilespmem:$0x11E00] =	vst v63  }
0x47: {  	s21 =	simm.s32 $0x8C00;
	s5 =	sadd.s32 s2, s3  }
0x48: {  	[tilespmem:s21], [sflag:$0x1] =	stream.strided.gather [hbm4b:s5+s16], $0x800, s15, s16, $0x38;
	[tilespmem:$0x11E00] =	vst v63  }
0x49: {  	s0 =	sand.u32 $0xFFFFFF80, s10;
	s24 =	spop (v2sf);
	(v2sf) =	vpush v1, $0x5  }
0x4a: {  	p0 =	slt.s32 s0, $0xF4180;
	s5 =	spop (v2sf);
	(v2sf) =	vpush v2, $0x5  }
0x4b: {  	s3 =	sand.u32 $0xFFFFFF80, s26;
	s0 =	simm.s32 @!p0 $0xF4180  }
0x4c: {  	s22 =	simm.s32 $0x1400;
	p0 =	slt.s32 s3, $0xF4180;
	s0 =	sadd.s32 s1, s0  }
0x4d: {  	[tilespmem:s22], [sflag:$0x1] =	stream.strided.gather [hbm4b:s0+s16], $0x800, s15, s16, $0x38;
	[tilespmem:$0x11E00] =	vst v63  }
0x4e: {  	s26 =	simm.s32 $0x9400;
	s3 =	simm.s32 @!p0 $0xF4180;
	s0 =	sand.u32 $0xFFFFFF80, s5  }
0x4f: {  	s23 =	sadd.s32 s2, s3;
	s3 =	sand.u32 $0xFFFFFF80, s24;
	p0 =	slt.s32 s0, $0xF4180  }
0x50: {  	[tilespmem:s26], [sflag:$0x1] =	stream.strided.gather [hbm4b:s23+s16], $0x800, s15, s16, $0x38;
	[tilespmem:$0x11E00] =	vst v63  }
0x51: {  	s21 =	simm.s32 $0x1C00;
	s0 =	simm.s32 @!p0 $0xF4180;
	p0 =	slt.s32 s3, $0xF4180  }
0x52: {  	s10 =	spop (v2sf);
	(v2sf) =	vpush v1, $0x6;
	s3 =	simm.s32 @!p0 $0xF4180;
	s0 =	sadd.s32 s1, s0  }
0x53: {  	[tilespmem:s21], [sflag:$0x1] =	stream.strided.gather [hbm4b:s0+s16], $0x800, s15, s16, $0x38;
	[tilespmem:$0x11E00] =	vst v63  }
0x54: {  	s24 =	simm.s32 $0x9C00;
	s22 =	sadd.s32 s2, s3;
	s23 =	spop (v2sf);
	(v2sf) =	vpush v2, $0x6  }
0x55: {  	[tilespmem:s24], [sflag:$0x1] =	stream.strided.gather [hbm4b:s22+s16], $0x800, s15, s16, $0x38;
	[tilespmem:$0x11E00] =	vst v63  }
0x56: {  	s0 =	sand.u32 $0xFFFFFF80, s23  }
0x57: {  	s26 =	simm.s32 $0x2400;
	p0 =	slt.s32 s0, $0xF4180  }
0x58: {  	s3 =	sand.u32 $0xFFFFFF80, s10;
	s5 =	spop (v2sf);
	(v2sf) =	vpush v1, $0x7;
	s0 =	simm.s32 @!p0 $0xF4180  }
0x59: {  	s21 =	spop (v2sf);
	p0 =	slt.s32 s3, $0xF4180;
	s0 =	sadd.s32 s1, s0  }
0x5a: {  	(v2sf) =	vpush v2, $0x7;
	[tilespmem:s26], [sflag:$0x1] =	stream.strided.gather [hbm4b:s0+s16], $0x800, s15, s16, $0x38;
	[tilespmem:$0x11E00] =	vst v63  }
0x5b: {  	s10 =	simm.s32 $0xA400;
	s3 =	simm.s32 @!p0 $0xF4180;
	s0 =	sand.u32 $0xFFFFFF80, s21  }
0x5c: {  	s4 =	sadd.s32 s2, s3;
	s3 =	sand.u32 $0xFFFFFF80, s5;
	p0 =	slt.s32 s0, $0xF4180  }
0x5d: {  	[tilespmem:s10], [sflag:$0x1] =	stream.strided.gather [hbm4b:s4+s16], $0x800, s15, s16, $0x38;
	[tilespmem:$0x11E00] =	vst v63  }
0x5e: {  	s0 =	simm.s32 @!p0 $0xF4180;
	p0 =	slt.s32 s3, $0xF4180  }
0x5f: {  	s23 =	simm.s32 $0x2C00;
	s3 =	simm.s32 @!p0 $0xF4180;
	s0 =	sadd.s32 s1, s0  }
0x60: {  	[tilespmem:s23], [sflag:$0x1] =	stream.strided.gather [hbm4b:s0+s16], $0x800, s15, s16, $0x38;
	[tilespmem:$0x11E00] =	vst v63  }
0x61: {  	s22 =	spop (v2sf);
	s26 =	simm.s32 $0xAC00;
	s3 =	sadd.s32 s2, s3  }
0x62: {  	[tilespmem:s26], [sflag:$0x1] =	stream.strided.gather [hbm4b:s3+s16], $0x800, s15, s16, $0x38;
	[tilespmem:$0x11E00] =	vst v63  }
0x63: {  	s24 =	spop (v2sf)  }
0x64: {  	s29 =	simm.s32 $0x0;
	s30 =	simm.s32 $0x0;
	s0 =	sand.u32 $0xFFFFFF80, s24  }
0x65: {  	s31 =	simm.s32 $0x11C00;
	s3 =	sand.u32 $0xFFFFFF80, s22;
	p0 =	slt.s32 s0, $0xF4180  }
0x66: {  	s10 =	simm.s32 $0x3400;
	s0 =	simm.s32 @!p0 $0xF4180;
	p0 =	slt.s32 s3, $0xF4180  }
0x67: {  	s21 =	spop (v2sf);
	s3 =	simm.s32 @!p0 $0xF4180;
	s0 =	sadd.s32 s1, s0  }
0x68: {  	[tilespmem:s10], [sflag:$0x1] =	stream.strided.gather [hbm4b:s0+s16], $0x800, s15, s16, $0x38;
	[tilespmem:$0x11E00] =	vst v63  }
0x69: {  	s22 =	simm.s32 $0xB400;
	s23 =	spop (v2sf);
	s3 =	sadd.s32 s2, s3  }
0x6a: {  	[tilespmem:s22], [sflag:$0x1] =	stream.strided.gather [hbm4b:s3+s16], $0x800, s15, s16, $0x38;
	[tilespmem:$0x11E00] =	vst v63  }
0x6b: {  	s26 =	simm.s32 $0xBC00;
	s24 =	simm.s32 $0x3C00;
	s3 =	sand.u32 $0xFFFFFF80, s23  }
0x6c: {  	s0 =	sand.u32 $0xFFFFFF80, s21;
	s21 =	simm.s32 $0x6C00;
	p0 =	slt.s32 s3, $0xF4180  }
0x6d: {  	s10 =	simm.s32 $0xFC00;
	s3 =	simm.s32 @!p0 $0xF4180;
	p0 =	slt.s32 s0, $0xF4180  }
.Ltmp2:
0x6e: {  	s0 =	simm.s32 @!p0 $0xF4180;
	s3 =	sadd.s32 s1, s3;
	(pc) =	sbr.rel .LBB2_2-.Ltmp2, $4  }
0x6f: {  	[tilespmem:s24], [sflag:$0x1] =	stream.strided.gather [hbm4b:s3+s16], $0x800, s15, s16, $0x38;
	[tilespmem:$0x11E00] =	vst v63  }
0x70: {  	s22 =	simm.s32 $0xEC00;
	s23 =	simm.s32 $0x7400;
	s0 =	sadd.s32 s2, s0  }
0x71: {  	[tilespmem:s26], [sflag:$0x1] =	stream.strided.gather [hbm4b:s0+s16], $0x800, s15, s16, $0x38;
	[tilespmem:$0x11E00] =	vst v63  }
0x72: {  	s24 =	simm.s32 $0xF400;
	s0 =	simm.s32 $0x0;
	s26 =	simm.s32 $0x7C00  }
.LBB2_4:
0x73: {  	s3 =	simm.s32 $0x2  }
0x74: {  	_ =	swait.ge [sflag:s3], $0x4000  }
0x75: {  	[sflag:s3] =	ssyncset.done $0x0  }
0x76: {  	[sflag:s3] =	ssyncadd.s32 $0xFFFFC000  }
0x77: {  	_ =	swait.ge [sflag:s3], $0x4000  }
0x78: {  	[sflag:s3] =	ssyncset.done $0x0  }
0x79: {  	[sflag:s3] =	ssyncadd.s32 $0xFFFFC000  }
0x7a: {  	v16 =	vld [tilespmem:s30+$0x0]  }
0x7b: {  	v15 =	vld [tilespmem:s28+$0x0];
	_ =	sdelay $0x3  }
0x7c: {  	(v2sf) =	vpush v16, $0x8  }
0x7d: {  	(v2sf) =	vpush v15, $0x8;
	_ =	sdelay $0x5  }
0x7e: {  	(v2sf) =	vpush v16, $0x9  }
0x7f: {  	(v2sf) =	vpush v15, $0x9;
	_ =	sdelay $0x6  }
0x80: {  	s3 =	spop (v2sf)  }
0x81: {  	(v2sf) =	vpush v16, $0xA;
	s4 =	spop (v2sf)  }
0x82: {  	(v2sf) =	vpush v15, $0xA;
	s5 =	sadd.s32 $0xFFF0BE00, s4  }
0x83: {  	p0 =	sgt.s32 s5, $0x0  }
0x84: {  	s22 =	sand.u32 $0x7F, s4;
	s5 =	simm.s32 @!p0 $0x0  }
0x85: {  	v10 =	vor.u32 s22, v0;
	s5 =	smin.u32 s5, $0x3F  }
0x86: {  	v9 =	vor.u32 s5, v0  }
0x87: {  	s5 =	spop (v2sf)  }
0x88: {  	s6 =	sadd.s32 $0xFFF0BE00, s3;
	(v2sf) =	vpush v16, $0xB;
	s7 =	spop (v2sf)  }
0x89: {  	s24 =	simm.s32 $0xC400;
	p0 =	sgt.s32 s6, $0x0;
	(v2sf) =	vpush v15, $0xB;
	s8 =	sadd.s32 $0xFFF0BE00, s7  }
0x8a: {  	s23 =	sand.u32 $0x7F, s3;
	s6 =	simm.s32 @!p0 $0x0;
	v10 =	vld.idx.msk [tilespmem:v10+s24+$0x0], $0xffff;
	p0 =	sgt.s32 s8, $0x0  }
0x8b: {  	s26 =	sor.u32 $0x8, s9;
	v13 =	vor.u32 s23, v0;
	s6 =	smin.u32 s6, $0x3F;
	s8 =	simm.s32 @!p0 $0x0;
	v12 =	vld.idx.msk [tilespmem:v9+s14+$0x0], $0xffff  }
0x8c: {  	v14 =	vor.u32 s26, v0;
	v11 =	vor.u32 s6, v0;
	s10 =	smin.u32 s8, $0x3F  }
0x8d: {  	s11 =	sand.u32 $0x7F, s7;
	v17 =	vor.u32 s10, v0  }
0x8e: {  	v18 =	vor.u32 s11, v0  }
0x8f: {  	s12 =	simm.s32 $0x4400;
	p2 =	sgt.s32 s4, $0xF41FF  }
0x90: {  	v60 =	vld.idx.msk [tilespmem:v13+s12+$0x0], $0xffff;
	s8 =	sadd.s32 $0xFFF0BE00, s5;
	s6 =	spop (v2sf);
	v10 =	vpsel p2, v12, v10  }
0x91: {  	s18 =	simm.s32 $0xCC00;
	v59 =	vld.idx.msk [tilespmem:v11+s13+$0x0], $0xffff;
	p1 =	sgt.s32 s8, $0x0;
	(v2sf) =	vpush v16, $0xC;
	s4 =	spop (v2sf);
	[tilespmem:v14+s25+$0x0] =	vst.idx.msk $0xffff, v10  }
0x92: {  	s17 =	sand.u32 $0x7F, s5;
	s8 =	simm.s32 @!p1 $0x0;
	(v2sf) =	vpush v15, $0xC;
	s10 =	sadd.s32 $0xFFF0BE00, s4;
	v62 =	vld.idx.msk [tilespmem:v17+s14+$0x0], $0xffff  }
0x93: {  	s21 =	sor.u32 $0x9, s9;
	v63 =	vor.u32 s17, v0;
	s8 =	smin.u32 s8, $0x3F;
	p0 =	sgt.s32 s10, $0x0;
	v24 =	vld.idx.msk [tilespmem:v18+s18+$0x0], $0xffff  }
0x94: {  	v25 =	vor.u32 s21, v0;
	v61 =	vor.u32 s8, v0;
	s23 =	sand.u32 $0x7F, s4;
	s10 =	simm.s32 @!p0 $0x0  }
0x95: {  	v20 =	vor.u32 s23, v0;
	s22 =	smin.u32 s10, $0x3F  }
0x96: {  	p3 =	sgt.s32 s7, $0xF41FF;
	s10 =	sadd.s32 $0xFFF0BE00, s6;
	v19 =	vor.u32 s22, v0  }
0x97: {  	s24 =	simm.s32 $0x4C00;
	p1 =	sgt.s32 s10, $0x0;
	s7 =	spop (v2sf)  }
0x98: {  	v14 =	vld.idx.msk [tilespmem:v63+s24+$0x0], $0xffff;
	(v2sf) =	vpush v16, $0xD;
	s10 =	simm.s32 @!p1 $0x0;
	s11 =	spop (v2sf);
	v13 =	vpsel p3, v62, v24  }
0x99: {  	s17 =	simm.s32 $0xD400;
	v12 =	vld.idx.msk [tilespmem:v61+s13+$0x0], $0xffff;
	(v2sf) =	vpush v15, $0xD;
	s26 =	smin.u32 s10, $0x3F;
	s10 =	sadd.s32 $0xFFF0BE00, s11;
	[tilespmem:v25+s25+$0x0] =	vst.idx.msk $0xffff, v13  }
0x9a: {  	s12 =	sand.u32 $0x7F, s6;
	p0 =	sgt.s32 s10, $0x0;
	v20 =	vld.idx.msk [tilespmem:v20+s17+$0x0], $0xffff  }
0x9b: {  	v27 =	vor.u32 s12, v0;
	s18 =	sor.u32 $0xA, s9;
	s10 =	simm.s32 @!p0 $0x0;
	v18 =	vld.idx.msk [tilespmem:v19+s14+$0x0], $0xffff  }
0x9c: {  	v21 =	vor.u32 s18, v0;
	v26 =	vor.u32 s26, v0;
	s21 =	smin.u32 s10, $0x3F  }
0x9d: {  	s22 =	sand.u32 $0x7F, s11;
	v22 =	vor.u32 s21, v0  }
0x9e: {  	v23 =	vor.u32 s22, v0  }
0x9f: {  	p4 =	sgt.s32 s4, $0xF41FF;
	s23 =	simm.s32 $0x5400  }
0xa0: {  	s10 =	sadd.s32 $0xFFF0BE00, s7;
	v19 =	vld.idx.msk [tilespmem:v27+s23+$0x0], $0xffff;
	s8 =	spop (v2sf);
	v18 =	vpsel p4, v18, v20  }
0xa1: {  	s24 =	sand.u32 $0x7F, s7;
	p1 =	sgt.s32 s10, $0x0;
	v17 =	vld.idx.msk [tilespmem:v26+s13+$0x0], $0xffff;
	(v2sf) =	vpush v16, $0xE;
	s4 =	spop (v2sf);
	[tilespmem:v21+s25+$0x0] =	vst.idx.msk $0xffff, v18  }
0xa2: {  	s26 =	simm.s32 $0xDC00;
	s10 =	simm.s32 @!p1 $0x0;
	(v2sf) =	vpush v15, $0xE;
	s12 =	sadd.s32 $0xFFF0BE00, s4;
	v21 =	vld.idx.msk [tilespmem:v22+s14+$0x0], $0xffff  }
0xa3: {  	v29 =	vor.u32 s24, v0;
	s17 =	sor.u32 $0xB, s9;
	s10 =	smin.u32 s10, $0x3F;
	p0 =	sgt.s32 s12, $0x0;
	v23 =	vld.idx.msk [tilespmem:v23+s26+$0x0], $0xffff  }
0xa4: {  	v24 =	vor.u32 s17, v0;
	v28 =	vor.u32 s10, v0;
	s21 =	sand.u32 $0x7F, s4;
	s12 =	simm.s32 @!p0 $0x0  }
0xa5: {  	v26 =	vor.u32 s21, v0;
	s18 =	smin.u32 s12, $0x3F  }
0xa6: {  	p5 =	sgt.s32 s11, $0xF41FF;
	s12 =	sadd.s32 $0xFFF0BE00, s8;
	v25 =	vor.u32 s18, v0  }
0xa7: {  	s22 =	simm.s32 $0x5C00;
	p1 =	sgt.s32 s12, $0x0;
	s10 =	spop (v2sf)  }
0xa8: {  	v22 =	vld.idx.msk [tilespmem:v29+s22+$0x0], $0xffff;
	s12 =	simm.s32 @!p1 $0x0;
	s17 =	spop (v2sf);
	v21 =	vpsel p5, v21, v23  }
0xa9: {  	s26 =	simm.s32 $0xE400;
	v20 =	vld.idx.msk [tilespmem:v28+s13+$0x0], $0xffff;
	(v2sf) =	vpush v16, $0xF;
	s23 =	smin.u32 s12, $0x3F;
	s12 =	sadd.s32 $0xFFF0BE00, s17;
	[tilespmem:v24+s25+$0x0] =	vst.idx.msk $0xffff, v21  }
0xaa: {  	s24 =	sand.u32 $0x7F, s8;
	p0 =	sgt.s32 s12, $0x0;
	v33 =	vld.idx.msk [tilespmem:v26+s26+$0x0], $0xffff  }
0xab: {  	v32 =	vor.u32 s24, v0;
	s18 =	sor.u32 $0xC, s9;
	s12 =	simm.s32 @!p0 $0x0;
	v31 =	vld.idx.msk [tilespmem:v25+s14+$0x0], $0xffff  }
0xac: {  	(v2sf) =	vpush v15, $0xF;
	v34 =	vor.u32 s18, v0;
	v30 =	vor.u32 s23, v0;
	s21 =	smin.u32 s12, $0x3F  }
0xad: {  	s22 =	sand.u32 $0x7F, s17;
	v35 =	vor.u32 s21, v0  }
0xae: {  	v27 =	vor.u32 s22, v0  }
0xaf: {  	p6 =	sgt.s32 s4, $0xF41FF;
	s23 =	simm.s32 $0x6400;
	s12 =	sadd.s32 $0xFFF0BE00, s10  }
0xb0: {  	v24 =	vld.idx.msk [tilespmem:v32+s23+$0x0], $0xffff;
	p1 =	sgt.s32 s12, $0x0;
	s11 =	spop (v2sf);
	v23 =	vpsel p6, v31, v33  }
0xb1: {  	s12 =	simm.s32 @!p1 $0x0;
	v16 =	vld.idx.msk [tilespmem:v30+s13+$0x0], $0xffff;
	s18 =	spop (v2sf);
	[tilespmem:v34+s25+$0x0] =	vst.idx.msk $0xffff, v23  }
0xb2: {  	s24 =	smin.u32 s12, $0x3F;
	s12 =	sadd.s32 $0xFFF0BE00, s18;
	v37 =	vld.idx.msk [tilespmem:v35+s14+$0x0], $0xffff  }
0xb3: {  	s26 =	sand.u32 $0x7F, s10;
	v36 =	vor.u32 s24, v0;
	p0 =	sgt.s32 s12, $0x0;
	v27 =	vld.idx.msk [tilespmem:v27+s19+$0x0], $0xffff;
	s19 =	sor.u32 $0xD, s9  }
0xb4: {  	v38 =	vor.u32 s26, v0;
	s22 =	sand.u32 $0x7F, s18;
	s12 =	simm.s32 @!p0 $0x0;
	v28 =	vor.u32 s19, v0  }
0xb5: {  	v30 =	vor.u32 s22, v0;
	s21 =	smin.u32 s12, $0x3F  }
0xb6: {  	v29 =	vor.u32 s21, v0  }
0xb7: {  	p2 =	sgt.s32 s17, $0xF41FF  }
0xb8: {  	s12 =	sadd.s32 $0xFFF0BE00, s11;
	v15 =	vld.idx.msk [tilespmem:v36+s13+$0x0], $0xffff;
	s4 =	spop (v2sf);
	s21 =	simm.s32 $0x6C00;
	v25 =	vpsel p2, v37, v27  }
0xb9: {  	s24 =	sor.u32 $0xE, s9;
	p1 =	sgt.s32 s12, $0x0;
	v26 =	vld.idx.msk [tilespmem:v38+s21+$0x0], $0xffff;
	s17 =	sadd.s32 $0xFFF0BE00, s4;
	[tilespmem:v28+s25+$0x0] =	vst.idx.msk $0xffff, v25  }
0xba: {  	s23 =	sand.u32 $0x7F, s11;
	s12 =	simm.s32 @!p1 $0x0;
	p0 =	sgt.s32 s17, $0x0;
	v30 =	vld.idx.msk [tilespmem:v30+s20+$0x0], $0xffff  }
0xbb: {  	v40 =	vor.u32 s23, v0;
	s19 =	spop (v2sf);
	s12 =	smin.u32 s12, $0x3F;
	s17 =	simm.s32 @!p0 $0x0;
	v28 =	vld.idx.msk [tilespmem:v29+s14+$0x0], $0xffff  }
0xbc: {  	v31 =	vor.u32 s24, v0;
	v39 =	vor.u32 s12, v0;
	s20 =	sadd.s32 $0xFFF0BE00, s19;
	s26 =	smin.u32 s17, $0x3F  }
0xbd: {  	s23 =	sand.u32 $0x7F, s4;
	p0 =	sgt.s32 s20, $0x0;
	v32 =	vor.u32 s26, v0  }
0xbe: {  	p3 =	sgt.s32 s3, $0xF41FF;
	v33 =	vor.u32 s23, v0;
	s26 =	sand.u32 $0x7F, s19;
	s20 =	simm.s32 @!p0 $0x0  }
0xbf: {  	p4 =	sgt.s32 s18, $0xF41FF;
	s23 =	simm.s32 $0x7400;
	v35 =	vor.u32 s26, v0;
	s24 =	smin.u32 s20, $0x3F  }
0xc0: {  	v9 =	vpsel p3, v59, v60;
	p2 =	sgt.s32 s5, $0xF41FF;
	v42 =	vld.idx.msk [tilespmem:v40+s23+$0x0], $0xffff;
	v34 =	vor.u32 s24, v0;
	v41 =	vpsel p4, v28, v30  }
0xc1: {  	v9 =	vmul.f32 v10, v9;
	p5 =	sgt.s32 s6, $0xF41FF;
	v43 =	vpsel p2, v12, v14;
	v27 =	vld.idx.msk [tilespmem:v39+s13+$0x0], $0xffff;
	[tilespmem:v31+s25+$0x0] =	vst.idx.msk $0xffff, v41  }
0xc2: {  	v45 =	vpsel p5, v17, v19;
	p6 =	sgt.s32 s7, $0xF41FF;
	v10 =	vmul.f32 v13, v43;
	s26 =	simm.s32 $0x7C00;
	v44 =	vld.idx.msk [tilespmem:v32+s13+$0x0], $0xffff  }
0xc3: {  	(xrf2) =	vadd.scan.msk.f32 $0xffff, v9;
	p3 =	sgt.s32 s10, $0xF41FF;
	v9 =	vmul.f32 v18, v45;
	s10 =	simm.s32 $0xFC00;
	v47 =	vpsel p6, v20, v22;
	p2 =	sgt.s32 s8, $0xF41FF;
	v46 =	vld.idx.msk [tilespmem:v33+s26+$0x0], $0xffff  }
0xc4: {  	v14 =	vmul.f32 v21, v47;
	v16 =	vpsel p2, v16, v24;
	(xrf2) =	vadd.scan.msk.f32 $0xffff, v10;
	v49 =	vld.idx.msk [tilespmem:v35+s10+$0x0], $0xffff  }
0xc5: {  	v50 =	vmul.f32 v23, v16;
	v15 =	vpsel p3, v15, v26;
	(xrf2) =	vadd.scan.msk.f32 $0xffff, v9;
	v48 =	vld.idx.msk [tilespmem:v34+s14+$0x0], $0xffff  }
0xc6: {  	v15 =	vmul.f32 v25, v15;
	(xrf2) =	vadd.scan.msk.f32 $0xffff, v14;
	p4 =	sgt.s32 s11, $0xF41FF  }
0xc7: {  	v7 =	vbroadcast v7, $0xF;
	v8 =	vbroadcast v8, $0xF;
	(xrf2) =	vadd.scan.msk.f32 $0xffff, v50;
	v51 =	vpsel p4, v27, v42  }
0xc8: {  	v6 =	vbroadcast v6, $0xF;
	(xrf2) =	vadd.scan.msk.f32 $0xffff, v15;
	v52 =	vmul.f32 v41, v51  }
0xc9: {  	v5 =	vbroadcast v5, $0xF;
	v4 =	vbroadcast v4, $0xF;
	v7 =	vsel vm0, v7, v8;
	p5 =	sgt.s32 s4, $0xF41FF;
	p6 =	sgt.s32 s19, $0xF41FF  }
0xca: {  	v6 =	vsel vm1, v7, v6;
	(xrf2) =	vadd.scan.msk.f32 $0xffff, v52;
	v53 =	vpsel p5, v44, v46;
	v54 =	vpsel p6, v48, v49  }
0xcb: {  	v3 =	vbroadcast v3, $0xF;
	v5 =	vsel vm2, v6, v5;
	v55 =	vmul.f32 v54, v53  }
0xcc: {  	v2 =	vbroadcast v2, $0xF;
	v4 =	vsel vm3, v5, v4  }
0xcd: {  	v1 =	vbroadcast v1, $0xF;
	v3 =	vsel vm4, v4, v3;
	v56, _, _ =	vpop (xrf2);
	(xrf2) =	vadd.scan.msk.f32 $0xffff, v55  }
0xce: {  	v2 =	vsel vm5, v3, v2;
	v3 =	vbroadcast v56, $0xF;
	v57, _, _ =	vpop (xrf2)  }
0xcf: {  	v1 =	vsel vm6, v2, v1;
	v58, _, _ =	vpop (xrf2);
	v2 =	vbroadcast v57, $0xF  }
0xd0: {  	v1 =	vsel vm7, v3, v1;
	v59, _, _ =	vpop (xrf2);
	v3 =	vbroadcast v58, $0xF  }
0xd1: {  	s5 =	sor.u32 $0xF, s9;
	v60, _, _ =	vpop (xrf2);
	v1 =	vsel vm8, v1, v2;
	v2 =	vbroadcast v59, $0xF  }
0xd2: {  	v62 =	vor.u32 s5, v0;
	v61, _, _ =	vpop (xrf2);
	v1 =	vsel vm9, v1, v3  }
0xd3: {  	v3 =	vbroadcast v60, $0xF;
	v1 =	vsel vm10, v1, v2;
	v2 =	vbroadcast v61, $0xF  }
0xd4: {  	v63, _, _ =	vpop (xrf2)  }
0xd5: {  	v1 =	vsel vm11, v1, v3;
	v3 =	vbroadcast v63, $0xF  }
0xd6: {  	s6 =	sand.u32 $0x7, s0;
	v1 =	vsel vm12, v1, v2  }
0xd7: {  	p0 =	sne.s32 s6, $0x7;
	v1 =	vsel vm13, v1, v3;
	v2, _, _ =	vpop (xrf2)  }
0xd8: {  	s4 =	rddreg [dreg:$0xa];
	s3 =	sand.u32 @!p0 $0x180, s29;
	s5 =	simm.s32 @!p0 $0x20000;
	[tilespmem:v62+s25+$0x0] =	vst.idx.msk $0xffff, v54;
	v1 =	vsel vm14, v1, v2  }
0xd9: {  	s6 =	simm.s32 @!p0 $0x10400;
	s3 =	sadd.s32 @!p0 s3, s4;
	s4 =	simm.s32 @!p0 $0x400;
	[tilespmem:s31+$0x0] =	vst v1  }
0xda: {  	[hbm4b:s3+s4] =	stream.strided.scatter @!p0 [tilespmem:s6], [sflag:$0x3], $0x800, s5, s4, $0x38;
	[tilespmem:$0x11E00] =	vst v63  }
0xdb: {  	s3 =	simm.s32 @!p0 $0x3  }
0xdc: {  	_ =	swait.ge @!p0 [sflag:s3], $0x800  }
0xdd: {  	s30 =	sadd.s32 $0x10, s30;
	s0 =	sadd.s32 $0x1, s0;
	[sflag:s3] =	ssyncset.done @!p0 $0x0  }
0xde: {  	s28 =	sadd.s32 $0x10, s28;
	[sflag:s3] =	ssyncadd.s32 @!p0 $0xFFFFF800;
	p0 =	sne.s32 s0, $0x20  }
.Ltmp3:
0xdf: {  	s7 =	simm.s32 $0xC400;
	s18 =	simm.s32 $0xDC00;
	(pc) =	sbr.rel @!p0 .LBB2_5-.Ltmp3, $4  }
0xe0: {  	s22 =	simm.s32 $0xEC00;
	s9 =	simm.s32 $0xCC00;
	s12 =	simm.s32 $0xD400  }
0xe1: {  	s8 =	simm.s32 $0x4C00;
	s17 =	simm.s32 $0x5C00;
	s19 =	simm.s32 $0x6400  }
0xe2: {  	s20 =	simm.s32 $0xE400;
	s29 =	sadd.s32 $0x10, s29;
	s24 =	simm.s32 $0xF400  }
0xe3: {  	s11 =	simm.s32 $0x5400;
	s31 =	sadd.s32 $0x10, s31;
	s6 =	simm.s32 $0x4400  }
.LBB2_2:
0xe4: {  	v1 =	vld [tilespmem:s28+$0x0]  }
0xe5: {  	v2 =	vld [tilespmem:s30+$0x0];
	_ =	sdelay $0x3  }
0xe6: {  	(v2sf) =	vpush v1, $0x8  }
0xe7: {  	(v2sf) =	vpush v2, $0x8;
	_ =	sdelay $0x5  }
0xe8: {  	(v2sf) =	vpush v1, $0x9;
	_ =	sdelay $0x1  }
0xe9: {  	(v2sf) =	vpush v2, $0x9;
	_ =	sdelay $0x5  }
0xea: {  	s3 =	spop (v2sf)  }
0xeb: {  	s4 =	spop (v2sf)  }
0xec: {  	(v2sf) =	vpush v1, $0xA;
	s4 =	sand.u32 $0xFFFFFF80, s4  }
0xed: {  	s3 =	sand.u32 $0xFFFFFF80, s3;
	(v2sf) =	vpush v2, $0xA;
	p0 =	slt.s32 s4, $0xF4180  }
0xee: {  	p1 =	slt.s32 s3, $0xF4180;
	s4 =	simm.s32 @!p0 $0xF4180  }
0xef: {  	s3 =	simm.s32 @!p1 $0xF4180;
	s4 =	sadd.s32 s1, s4  }
0xf0: {  	[tilespmem:s6], [sflag:$0x2] =	stream.strided.gather [hbm4b:s4+s16], $0x800, s15, s16, $0x38;
	[tilespmem:$0x11E00] =	vst v63  }
0xf1: {  	s3 =	sadd.s32 s2, s3;
	s6 =	spop (v2sf)  }
0xf2: {  	[tilespmem:s7], [sflag:$0x2] =	stream.strided.gather [hbm4b:s3+s16], $0x800, s15, s16, $0x38;
	[tilespmem:$0x11E00] =	vst v63  }
0xf3: {  	(v2sf) =	vpush v1, $0xB;
	s7 =	spop (v2sf)  }
0xf4: {  	s4 =	sand.u32 $0xFFFFFF80, s7  }
0xf5: {  	s3 =	sand.u32 $0xFFFFFF80, s6;
	(v2sf) =	vpush v2, $0xB;
	p0 =	slt.s32 s4, $0xF4180  }
0xf6: {  	p1 =	slt.s32 s3, $0xF4180;
	s4 =	simm.s32 @!p0 $0xF4180  }
0xf7: {  	s3 =	simm.s32 @!p1 $0xF4180;
	s4 =	sadd.s32 s1, s4  }
0xf8: {  	[tilespmem:s8], [sflag:$0x2] =	stream.strided.gather [hbm4b:s4+s16], $0x800, s15, s16, $0x38;
	[tilespmem:$0x11E00] =	vst v63  }
0xf9: {  	s3 =	sadd.s32 s2, s3  }
0xfa: {  	[tilespmem:s9], [sflag:$0x2] =	stream.strided.gather [hbm4b:s3+s16], $0x800, s15, s16, $0x38;
	[tilespmem:$0x11E00] =	vst v63  }
0xfb: {  	s9 =	spop (v2sf)  }
0xfc: {  	s5 =	spop (v2sf)  }
0xfd: {  	(v2sf) =	vpush v1, $0xC;
	s4 =	sand.u32 $0xFFFFFF80, s5  }
0xfe: {  	s3 =	sand.u32 $0xFFFFFF80, s9;
	(v2sf) =	vpush v2, $0xC;
	p0 =	slt.s32 s4, $0xF4180  }
0xff: {  	p1 =	slt.s32 s3, $0xF4180;
	s4 =	simm.s32 @!p0 $0xF4180  }
0x100: {  	s3 =	simm.s32 @!p1 $0xF4180;
	s4 =	sadd.s32 s1, s4  }
0x101: {  	[tilespmem:s11], [sflag:$0x2] =	stream.strided.gather [hbm4b:s4+s16], $0x800, s15, s16, $0x38;
	[tilespmem:$0x11E00] =	vst v63  }
0x102: {  	s3 =	sadd.s32 s2, s3;
	s6 =	spop (v2sf)  }
0x103: {  	[tilespmem:s12], [sflag:$0x2] =	stream.strided.gather [hbm4b:s3+s16], $0x800, s15, s16, $0x38;
	[tilespmem:$0x11E00] =	vst v63  }
0x104: {  	(v2sf) =	vpush v1, $0xD;
	s7 =	spop (v2sf)  }
0x105: {  	s4 =	sand.u32 $0xFFFFFF80, s7  }
0x106: {  	s3 =	sand.u32 $0xFFFFFF80, s6;
	(v2sf) =	vpush v2, $0xD;
	p0 =	slt.s32 s4, $0xF4180  }
0x107: {  	p1 =	slt.s32 s3, $0xF4180;
	s4 =	simm.s32 @!p0 $0xF4180  }
0x108: {  	s3 =	simm.s32 @!p1 $0xF4180;
	s4 =	sadd.s32 s1, s4  }
0x109: {  	[tilespmem:s17], [sflag:$0x2] =	stream.strided.gather [hbm4b:s4+s16], $0x800, s15, s16, $0x38;
	[tilespmem:$0x11E00] =	vst v63  }
0x10a: {  	s3 =	sadd.s32 s2, s3  }
0x10b: {  	[tilespmem:s18], [sflag:$0x2] =	stream.strided.gather [hbm4b:s3+s16], $0x800, s15, s16, $0x38;
	[tilespmem:$0x11E00] =	vst v63  }
0x10c: {  	s8 =	spop (v2sf)  }
0x10d: {  	s9 =	spop (v2sf)  }
0x10e: {  	(v2sf) =	vpush v1, $0xE;
	s4 =	sand.u32 $0xFFFFFF80, s9  }
0x10f: {  	s3 =	sand.u32 $0xFFFFFF80, s8;
	(v2sf) =	vpush v2, $0xE;
	p0 =	slt.s32 s4, $0xF4180  }
0x110: {  	p1 =	slt.s32 s3, $0xF4180;
	s4 =	simm.s32 @!p0 $0xF4180  }
0x111: {  	s3 =	simm.s32 @!p1 $0xF4180;
	s4 =	sadd.s32 s1, s4  }
0x112: {  	[tilespmem:s19], [sflag:$0x2] =	stream.strided.gather [hbm4b:s4+s16], $0x800, s15, s16, $0x38;
	[tilespmem:$0x11E00] =	vst v63  }
0x113: {  	s3 =	sadd.s32 s2, s3;
	s11 =	spop (v2sf)  }
0x114: {  	[tilespmem:s20], [sflag:$0x2] =	stream.strided.gather [hbm4b:s3+s16], $0x800, s15, s16, $0x38;
	[tilespmem:$0x11E00] =	vst v63  }
0x115: {  	(v2sf) =	vpush v1, $0xF;
	s12 =	spop (v2sf)  }
0x116: {  	s4 =	sand.u32 $0xFFFFFF80, s12  }
0x117: {  	s3 =	sand.u32 $0xFFFFFF80, s11;
	(v2sf) =	vpush v2, $0xF;
	p0 =	slt.s32 s4, $0xF4180  }
0x118: {  	p1 =	slt.s32 s3, $0xF4180;
	s4 =	simm.s32 @!p0 $0xF4180  }
0x119: {  	s3 =	simm.s32 @!p1 $0xF4180;
	s4 =	sadd.s32 s1, s4  }
0x11a: {  	[tilespmem:s21], [sflag:$0x2] =	stream.strided.gather [hbm4b:s4+s16], $0x800, s15, s16, $0x38;
	[tilespmem:$0x11E00] =	vst v63  }
0x11b: {  	s3 =	sadd.s32 s2, s3  }
0x11c: {  	[tilespmem:s22], [sflag:$0x2] =	stream.strided.gather [hbm4b:s3+s16], $0x800, s15, s16, $0x38;
	[tilespmem:$0x11E00] =	vst v63  }
0x11d: {  	s17 =	spop (v2sf)  }
0x11e: {  	s18 =	spop (v2sf)  }
0x11f: {  	s4 =	sand.u32 $0xFFFFFF80, s18  }
0x120: {  	s3 =	sand.u32 $0xFFFFFF80, s17;
	p0 =	slt.s32 s4, $0xF4180  }
0x121: {  	p1 =	slt.s32 s3, $0xF4180;
	s4 =	simm.s32 @!p0 $0xF4180  }
0x122: {  	s3 =	simm.s32 @!p1 $0xF4180;
	s4 =	sadd.s32 s1, s4  }
0x123: {  	[tilespmem:s23], [sflag:$0x2] =	stream.strided.gather [hbm4b:s4+s16], $0x800, s15, s16, $0x38;
	[tilespmem:$0x11E00] =	vst v63  }
0x124: {  	s3 =	sadd.s32 s2, s3;
	s19 =	spop (v2sf)  }
0x125: {  	[tilespmem:s24], [sflag:$0x2] =	stream.strided.gather [hbm4b:s3+s16], $0x800, s15, s16, $0x38;
	[tilespmem:$0x11E00] =	vst v63  }
0x126: {  	s20 =	spop (v2sf)  }
0x127: {  	s4 =	sand.u32 $0xFFFFFF80, s20  }
0x128: {  	s3 =	sand.u32 $0xFFFFFF80, s19;
	p0 =	slt.s32 s4, $0xF4180  }
0x129: {  	p1 =	slt.s32 s3, $0xF4180;
	s4 =	simm.s32 @!p0 $0xF4180  }
0x12a: {  	s3 =	simm.s32 @!p1 $0xF4180;
	s4 =	sadd.s32 s1, s4  }
0x12b: {  	[tilespmem:s26], [sflag:$0x2] =	stream.strided.gather [hbm4b:s4+s16], $0x800, s15, s16, $0x38;
	[tilespmem:$0x11E00] =	vst v63  }
0x12c: {  	s21 =	simm.s32 $0x1;
	s3 =	sadd.s32 s2, s3  }
0x12d: {  	[tilespmem:s10], [sflag:$0x2] =	stream.strided.gather [hbm4b:s3+s16], $0x800, s15, s16, $0x38;
	[tilespmem:$0x11E00] =	vst v63  }
0x12e: {  	_ =	swait.ge [sflag:s21], $0x4000  }
0x12f: {  	[sflag:s21] =	ssyncset.done $0x0  }
0x130: {  	[sflag:s21] =	ssyncadd.s32 $0xFFFFC000  }
0x131: {  	_ =	swait.ge [sflag:s21], $0x4000  }
0x132: {  	[sflag:s21] =	ssyncset.done $0x0  }
0x133: {  	[sflag:s21] =	ssyncadd.s32 $0xFFFFC000  }
0x134: {  	v8 =	vld [tilespmem:s30+$0x0]  }
0x135: {  	v7 =	vld [tilespmem:s28+$0x0];
	_ =	sdelay $0x3  }
0x136: {  	(v2sf) =	vpush v8, $0x0  }
0x137: {  	(v2sf) =	vpush v7, $0x0;
	_ =	sdelay $0x5  }
0x138: {  	(v2sf) =	vpush v8, $0x1  }
0x139: {  	(v2sf) =	vpush v7, $0x1;
	_ =	sdelay $0x6  }
0x13a: {  	s3 =	spop (v2sf)  }
0x13b: {  	(v2sf) =	vpush v8, $0x2;
	s22 =	spop (v2sf)  }
0x13c: {  	(v2sf) =	vpush v7, $0x2;
	s5 =	sadd.s32 $0xFFF0BE00, s22  }
0x13d: {  	p0 =	sgt.s32 s5, $0x0  }
0x13e: {  	s23 =	sand.u32 $0x7F, s22;
	s5 =	simm.s32 @!p0 $0x0  }
0x13f: {  	v2 =	vor.u32 s23, v0;
	s5 =	smin.u32 s5, $0x3F  }
0x140: {  	v1 =	vor.u32 s5, v0  }
0x141: {  	s6 =	sadd.s32 $0xFFF0BE00, s3;
	s5 =	spop (v2sf)  }
0x142: {  	p0 =	sgt.s32 s6, $0x0;
	(v2sf) =	vpush v8, $0x3;
	s24 =	spop (v2sf)  }
0x143: {  	s9 =	simm.s32 $0x8400;
	s6 =	simm.s32 @!p0 $0x0;
	(v2sf) =	vpush v7, $0x3;
	s8 =	sadd.s32 $0xFFF0BE00, s24  }
0x144: {  	s6 =	smin.u32 s6, $0x3F;
	v2 =	vld.idx.msk [tilespmem:v2+s9+$0x0], $0xffff;
	p0 =	sgt.s32 s8, $0x0  }
0x145: {  	s26 =	sand.u32 $0x7F, s3;
	v3 =	vor.u32 s6, v0;
	s9 =	sand.u32 $0x70, s29;
	s8 =	simm.s32 @!p0 $0x0;
	v4 =	vld.idx.msk [tilespmem:v1+s14+$0x0], $0xffff  }
0x146: {  	v5 =	vor.u32 s26, v0;
	v6 =	vor.u32 s9, v0;
	s10 =	smin.u32 s8, $0x3F  }
0x147: {  	s11 =	sand.u32 $0x7F, s24;
	v9 =	vor.u32 s10, v0  }
0x148: {  	v10 =	vor.u32 s11, v0  }
0x149: {  	p6 =	sgt.s32 s22, $0xF41FF;
	s8 =	sadd.s32 $0xFFF0BE00, s5  }
0x14a: {  	v1 =	vld.idx.msk [tilespmem:v3+s13+$0x0], $0xffff;
	p1 =	sgt.s32 s8, $0x0;
	s6 =	spop (v2sf);
	v2 =	vpsel p6, v4, v2  }
0x14b: {  	v3 =	vld.idx.msk [tilespmem:v5+s16+$0x0], $0xffff;
	s8 =	simm.s32 @!p1 $0x0;
	(v2sf) =	vpush v8, $0x4;
	s4 =	spop (v2sf);
	[tilespmem:v6+s25+$0x0] =	vst.idx.msk $0xffff, v2  }
0x14c: {  	s17 =	simm.s32 $0x8C00;
	s8 =	smin.u32 s8, $0x3F;
	(v2sf) =	vpush v7, $0x4;
	s10 =	sadd.s32 $0xFFF0BE00, s4;
	v5 =	vld.idx.msk [tilespmem:v9+s14+$0x0], $0xffff  }
0x14d: {  	s12 =	sand.u32 $0x7F, s5;
	s18 =	sor.u32 $0x1, s9;
	v4 =	vor.u32 s8, v0;
	p0 =	sgt.s32 s10, $0x0;
	v9 =	vld.idx.msk [tilespmem:v10+s17+$0x0], $0xffff  }
0x14e: {  	v6 =	vor.u32 s12, v0;
	s20 =	sand.u32 $0x7F, s4;
	v10 =	vor.u32 s18, v0;
	s10 =	simm.s32 @!p0 $0x0  }
0x14f: {  	v12 =	vor.u32 s20, v0;
	s19 =	smin.u32 s10, $0x3F  }
0x150: {  	s10 =	sadd.s32 $0xFFF0BE00, s6;
	v11 =	vor.u32 s19, v0  }
0x151: {  	p2 =	sgt.s32 s24, $0xF41FF;
	p1 =	sgt.s32 s10, $0x0;
	s7 =	spop (v2sf)  }
0x152: {  	s21 =	simm.s32 $0xC00;
	v4 =	vld.idx.msk [tilespmem:v4+s13+$0x0], $0xffff;
	(v2sf) =	vpush v8, $0x5;
	s10 =	simm.s32 @!p1 $0x0;
	s11 =	spop (v2sf);
	v5 =	vpsel p2, v5, v9  }
0x153: {  	s24 =	simm.s32 $0x9400;
	v6 =	vld.idx.msk [tilespmem:v6+s21+$0x0], $0xffff;
	(v2sf) =	vpush v7, $0x5;
	s22 =	smin.u32 s10, $0x3F;
	s10 =	sadd.s32 $0xFFF0BE00, s11;
	[tilespmem:v10+s25+$0x0] =	vst.idx.msk $0xffff, v5  }
0x154: {  	p0 =	sgt.s32 s10, $0x0;
	v12 =	vld.idx.msk [tilespmem:v12+s24+$0x0], $0xffff  }
0x155: {  	s26 =	sor.u32 $0x2, s9;
	s23 =	sand.u32 $0x7F, s6;
	v9 =	vor.u32 s22, v0;
	s10 =	simm.s32 @!p0 $0x0;
	v10 =	vld.idx.msk [tilespmem:v11+s14+$0x0], $0xffff  }
0x156: {  	v13 =	vor.u32 s26, v0;
	v11 =	vor.u32 s23, v0;
	s10 =	smin.u32 s10, $0x3F  }
0x157: {  	s12 =	sand.u32 $0x7F, s11;
	v14 =	vor.u32 s10, v0  }
0x158: {  	v15 =	vor.u32 s12, v0  }
0x159: {  	p3 =	sgt.s32 s4, $0xF41FF  }
0x15a: {  	s17 =	simm.s32 $0x1400;
	s10 =	sadd.s32 $0xFFF0BE00, s7;
	v9 =	vld.idx.msk [tilespmem:v9+s13+$0x0], $0xffff;
	s8 =	spop (v2sf);
	v10 =	vpsel p3, v10, v12  }
0x15b: {  	s19 =	simm.s32 $0x9C00;
	p1 =	sgt.s32 s10, $0x0;
	(v2sf) =	vpush v8, $0x6;
	v11 =	vld.idx.msk [tilespmem:v11+s17+$0x0], $0xffff;
	s4 =	spop (v2sf);
	[tilespmem:v13+s25+$0x0] =	vst.idx.msk $0xffff, v10  }
0x15c: {  	s18 =	sand.u32 $0x7F, s7;
	s10 =	simm.s32 @!p1 $0x0;
	(v2sf) =	vpush v7, $0x6;
	s12 =	sadd.s32 $0xFFF0BE00, s4;
	v13 =	vld.idx.msk [tilespmem:v14+s14+$0x0], $0xffff  }
0x15d: {  	s20 =	sor.u32 $0x3, s9;
	v54 =	vor.u32 s18, v0;
	s10 =	smin.u32 s10, $0x3F;
	p0 =	sgt.s32 s12, $0x0;
	v15 =	vld.idx.msk [tilespmem:v15+s19+$0x0], $0xffff  }
0x15e: {  	v16 =	vor.u32 s20, v0;
	v53 =	vor.u32 s10, v0;
	s22 =	sand.u32 $0x7F, s4;
	s12 =	simm.s32 @!p0 $0x0  }
0x15f: {  	v18 =	vor.u32 s22, v0;
	s21 =	smin.u32 s12, $0x3F  }
0x160: {  	p4 =	sgt.s32 s11, $0xF41FF;
	s12 =	sadd.s32 $0xFFF0BE00, s8;
	v17 =	vor.u32 s21, v0  }
0x161: {  	s23 =	simm.s32 $0x1C00;
	p1 =	sgt.s32 s12, $0x0;
	s10 =	spop (v2sf)  }
0x162: {  	v14 =	vld.idx.msk [tilespmem:v54+s23+$0x0], $0xffff;
	s12 =	simm.s32 @!p1 $0x0;
	s17 =	spop (v2sf);
	v13 =	vpsel p4, v13, v15  }
0x163: {  	s18 =	simm.s32 $0xA400;
	v12 =	vld.idx.msk [tilespmem:v53+s13+$0x0], $0xffff;
	(v2sf) =	vpush v8, $0x7;
	s24 =	smin.u32 s12, $0x3F;
	s12 =	sadd.s32 $0xFFF0BE00, s17;
	[tilespmem:v16+s25+$0x0] =	vst.idx.msk $0xffff, v13  }
0x164: {  	s26 =	sand.u32 $0x7F, s8;
	p0 =	sgt.s32 s12, $0x0;
	v57 =	vld.idx.msk [tilespmem:v18+s18+$0x0], $0xffff  }
0x165: {  	v56 =	vor.u32 s26, v0;
	s19 =	sor.u32 $0x4, s9;
	s12 =	simm.s32 @!p0 $0x0;
	v55 =	vld.idx.msk [tilespmem:v17+s14+$0x0], $0xffff  }
0x166: {  	(v2sf) =	vpush v7, $0x7;
	v7 =	vor.u32 s19, v0;
	v8 =	vor.u32 s24, v0;
	s20 =	smin.u32 s12, $0x3F  }
0x167: {  	s21 =	sand.u32 $0x7F, s17;
	v58 =	vor.u32 s20, v0  }
0x168: {  	v19 =	vor.u32 s21, v0  }
0x169: {  	p5 =	sgt.s32 s4, $0xF41FF;
	s22 =	simm.s32 $0x2400  }
0x16a: {  	v16 =	vld.idx.msk [tilespmem:v56+s22+$0x0], $0xffff;
	s12 =	sadd.s32 $0xFFF0BE00, s10;
	s11 =	spop (v2sf);
	v15 =	vpsel p5, v55, v57  }
0x16b: {  	s23 =	sand.u32 $0x7F, s10;
	p1 =	sgt.s32 s12, $0x0;
	v8 =	vld.idx.msk [tilespmem:v8+s13+$0x0], $0xffff;
	s4 =	spop (v2sf);
	[tilespmem:v7+s25+$0x0] =	vst.idx.msk $0xffff, v15  }
0x16c: {  	s24 =	simm.s32 $0xAC00;
	s12 =	simm.s32 @!p1 $0x0;
	s18 =	sadd.s32 $0xFFF0BE00, s4;
	v59 =	vld.idx.msk [tilespmem:v58+s14+$0x0], $0xffff  }
0x16d: {  	s26 =	sor.u32 $0x5, s9;
	v60 =	vor.u32 s23, v0;
	s12 =	smin.u32 s12, $0x3F;
	p0 =	sgt.s32 s18, $0x0;
	v19 =	vld.idx.msk [tilespmem:v19+s24+$0x0], $0xffff  }
0x16e: {  	v20 =	vor.u32 s26, v0;
	v7 =	vor.u32 s12, v0;
	s19 =	sand.u32 $0x7F, s4;
	s18 =	simm.s32 @!p0 $0x0  }
0x16f: {  	v22 =	vor.u32 s19, v0;
	s18 =	smin.u32 s18, $0x3F  }
0x170: {  	v21 =	vor.u32 s18, v0;
	s18 =	sadd.s32 $0xFFF0BE00, s11  }
0x171: {  	p6 =	sgt.s32 s17, $0xF41FF;
	s20 =	simm.s32 $0x2C00;
	p1 =	sgt.s32 s18, $0x0  }
0x172: {  	v18 =	vld.idx.msk [tilespmem:v60+s20+$0x0], $0xffff;
	s12 =	spop (v2sf);
	v17 =	vpsel p6, v59, v19;
	s18 =	simm.s32 @!p1 $0x0  }
0x173: {  	s23 =	simm.s32 $0xB400;
	v7 =	vld.idx.msk [tilespmem:v7+s13+$0x0], $0xffff;
	[tilespmem:v20+s25+$0x0] =	vst.idx.msk $0xffff, v17;
	s21 =	smin.u32 s18, $0x3F;
	s18 =	sadd.s32 $0xFFF0BE00, s12  }
0x174: {  	s22 =	sand.u32 $0x7F, s11;
	p0 =	sgt.s32 s18, $0x0;
	v22 =	vld.idx.msk [tilespmem:v22+s23+$0x0], $0xffff  }
0x175: {  	v62 =	vor.u32 s22, v0;
	s24 =	sor.u32 $0x6, s9;
	s19 =	spop (v2sf);
	v20 =	vld.idx.msk [tilespmem:v21+s14+$0x0], $0xffff;
	s18 =	simm.s32 @!p0 $0x0  }
0x176: {  	v23 =	vor.u32 s24, v0;
	s20 =	sadd.s32 $0xFFF0BE00, s19;
	v61 =	vor.u32 s21, v0;
	s26 =	smin.u32 s18, $0x3F  }
0x177: {  	p0 =	sgt.s32 s20, $0x0;
	s18 =	sand.u32 $0x7F, s12;
	v24 =	vor.u32 s26, v0  }
0x178: {  	s21 =	sand.u32 $0x7F, s19;
	s20 =	simm.s32 @!p0 $0x0;
	v25 =	vor.u32 s18, v0  }
0x179: {  	p2 =	sgt.s32 s4, $0xF41FF;
	s22 =	simm.s32 $0x3400;
	v27 =	vor.u32 s21, v0;
	s20 =	smin.u32 s20, $0x3F  }
0x17a: {  	v21 =	vld.idx.msk [tilespmem:v62+s22+$0x0], $0xffff;
	v26 =	vor.u32 s20, v0;
	v20 =	vpsel p2, v20, v22  }
0x17b: {  	v19 =	vld.idx.msk [tilespmem:v61+s13+$0x0], $0xffff;
	[tilespmem:v23+s25+$0x0] =	vst.idx.msk $0xffff, v20  }
0x17c: {  	p3 =	sgt.s32 s3, $0xF41FF;
	s23 =	simm.s32 $0x3C00;
	v63 =	vld.idx.msk [tilespmem:v24+s13+$0x0], $0xffff  }
0x17d: {  	v1 =	vpsel p3, v1, v3;
	p4 =	sgt.s32 s5, $0xF41FF;
	s24 =	simm.s32 $0xBC00;
	v3 =	vld.idx.msk [tilespmem:v25+s23+$0x0], $0xffff  }
0x17e: {  	v1 =	vmul.f32 v2, v1;
	v2 =	vpsel p4, v4, v6;
	p5 =	sgt.s32 s6, $0xF41FF;
	v6 =	vld.idx.msk [tilespmem:v27+s24+$0x0], $0xffff  }
0x17f: {  	v2 =	vmul.f32 v5, v2;
	v5 =	vpsel p5, v9, v11;
	p6 =	sgt.s32 s7, $0xF41FF;
	v4 =	vld.idx.msk [tilespmem:v26+s14+$0x0], $0xffff  }
0x180: {  	(xrf2) =	vadd.scan.msk.f32 $0xffff, v1;
	v1 =	vmul.f32 v10, v5;
	v5 =	vpsel p6, v12, v14;
	p2 =	sgt.s32 s8, $0xF41FF  }
0x181: {  	p3 =	sgt.s32 s10, $0xF41FF;
	(xrf2) =	vadd.scan.msk.f32 $0xffff, v2;
	v2 =	vmul.f32 v13, v5;
	v5 =	vpsel p2, v8, v16  }
0x182: {  	p4 =	sgt.s32 s11, $0xF41FF;
	(xrf2) =	vadd.scan.msk.f32 $0xffff, v1;
	v1 =	vmul.f32 v15, v5;
	v5 =	vpsel p3, v7, v18  }
0x183: {  	p5 =	sgt.s32 s12, $0xF41FF;
	p6 =	sgt.s32 s19, $0xF41FF;
	(xrf2) =	vadd.scan.msk.f32 $0xffff, v2;
	v2 =	vmul.f32 v17, v5;
	v5 =	vpsel p4, v19, v21  }
0x184: {  	(xrf2) =	vadd.scan.msk.f32 $0xffff, v1;
	v1 =	vmul.f32 v20, v5;
	v3 =	vpsel p5, v63, v3;
	v9 =	vpsel p6, v4, v6  }
0x185: {  	(xrf2) =	vadd.scan.msk.f32 $0xffff, v2;
	v2 =	vmul.f32 v9, v3  }
0x186: {  	(xrf2) =	vadd.scan.msk.f32 $0xffff, v1  }
0x187: {  	(xrf2) =	vadd.scan.msk.f32 $0xffff, v2;
	_ =	sdelay $0x2  }
0x188: {  	v7, _, _ =	vpop (xrf2)  }
0x189: {  	s26 =	sor.u32 $0x7, s9;
	v8, _, _ =	vpop (xrf2)  }
0x18a: {  	p0 =	seq.s32 s0, $0x1F;
	v1 =	vor.u32 s26, v0;
	v6, _, _ =	vpop (xrf2)  }
.Ltmp4:
0x18b: {  	v5, _, _ =	vpop (xrf2);
	(pc) =	sbr.rel @p0 .LBB2_4-.Ltmp4, $4  }
0x18c: {  	v4, _, _ =	vpop (xrf2)  }
0x18d: {  	v3, _, _ =	vpop (xrf2)  }
0x18e: {  	v2, _, _ =	vpop (xrf2)  }
0x18f: {  	s19 =	simm.s32 $0xEC00;
	s20 =	simm.s32 $0xF400;
	[tilespmem:v1+s25+$0x0] =	vst.idx.msk $0xffff, v9;
	v1, _, _ =	vpop (xrf2)  }
0x190: {  	v9 =	vld [tilespmem:s28+$0x10]  }
0x191: {  	v10 =	vld [tilespmem:s30+$0x10];
	_ =	sdelay $0x3  }
0x192: {  	(v2sf) =	vpush v9, $0x0  }
0x193: {  	(v2sf) =	vpush v10, $0x0;
	_ =	sdelay $0x2  }
0x194: {  	(v2sf) =	vpush v9, $0x1  }
0x195: {  	(v2sf) =	vpush v10, $0x1;
	_ =	sdelay $0x9  }
0x196: {  	s3 =	spop (v2sf);
	(v2sf) =	vpush v9, $0x2  }
0x197: {  	s4 =	spop (v2sf);
	(v2sf) =	vpush v10, $0x2  }
0x198: {  	s4 =	sand.u32 $0xFFFFFF80, s4  }
0x199: {  	s3 =	sand.u32 $0xFFFFFF80, s3;
	p0 =	slt.s32 s4, $0xF4180  }
0x19a: {  	s5 =	spop (v2sf);
	(v2sf) =	vpush v9, $0x3;
	s4 =	simm.s32 @!p0 $0xF4180;
	p0 =	slt.s32 s3, $0xF4180  }
0x19b: {  	s6 =	spop (v2sf);
	(v2sf) =	vpush v10, $0x3;
	s3 =	simm.s32 @!p0 $0xF4180;
	s4 =	sadd.s32 s1, s4  }
0x19c: {  	[tilespmem:s16], [sflag:$0x1] =	stream.strided.gather [hbm4b:s4+s16], $0x800, s15, s16, $0x38;
	[tilespmem:$0x11E00] =	vst v63  }
0x19d: {  	s26 =	simm.s32 $0x8400;
	s3 =	sadd.s32 s2, s3;
	s4 =	sand.u32 $0xFFFFFF80, s6  }
0x19e: {  	[tilespmem:s26], [sflag:$0x1] =	stream.strided.gather [hbm4b:s3+s16], $0x800, s15, s16, $0x38;
	[tilespmem:$0x11E00] =	vst v63  }
0x19f: {  	p0 =	slt.s32 s4, $0xF4180;
	s3 =	sand.u32 $0xFFFFFF80, s5  }
0x1a0: {  	s4 =	simm.s32 @!p0 $0xF4180;
	p0 =	slt.s32 s3, $0xF4180  }
0x1a1: {  	s5 =	simm.s32 $0xC00;
	s4 =	sadd.s32 s1, s4;
	s3 =	simm.s32 @!p0 $0xF4180  }
0x1a2: {  	[tilespmem:s5], [sflag:$0x1] =	stream.strided.gather [hbm4b:s4+s16], $0x800, s15, s16, $0x38;
	[tilespmem:$0x11E00] =	vst v63  }
0x1a3: {  	s7 =	simm.s32 $0x8C00;
	s3 =	sadd.s32 s2, s3  }
0x1a4: {  	[tilespmem:s7], [sflag:$0x1] =	stream.strided.gather [hbm4b:s3+s16], $0x800, s15, s16, $0x38;
	[tilespmem:$0x11E00] =	vst v63  }
0x1a5: {  	s8 =	spop (v2sf);
	(v2sf) =	vpush v9, $0x4  }
0x1a6: {  	s10 =	spop (v2sf);
	(v2sf) =	vpush v10, $0x4  }
0x1a7: {  	s4 =	sand.u32 $0xFFFFFF80, s10  }
0x1a8: {  	s11 =	simm.s32 $0x1400;
	s3 =	sand.u32 $0xFFFFFF80, s8;
	p0 =	slt.s32 s4, $0xF4180  }
0x1a9: {  	s17 =	spop (v2sf);
	(v2sf) =	vpush v9, $0x5;
	s4 =	simm.s32 @!p0 $0xF4180;
	p0 =	slt.s32 s3, $0xF4180  }
0x1aa: {  	s18 =	spop (v2sf);
	(v2sf) =	vpush v10, $0x5;
	s3 =	simm.s32 @!p0 $0xF4180;
	s4 =	sadd.s32 s1, s4  }
0x1ab: {  	[tilespmem:s11], [sflag:$0x1] =	stream.strided.gather [hbm4b:s4+s16], $0x800, s15, s16, $0x38;
	[tilespmem:$0x11E00] =	vst v63  }
0x1ac: {  	s12 =	simm.s32 $0x9400;
	s3 =	sadd.s32 s2, s3;
	s4 =	sand.u32 $0xFFFFFF80, s18  }
0x1ad: {  	[tilespmem:s12], [sflag:$0x1] =	stream.strided.gather [hbm4b:s3+s16], $0x800, s15, s16, $0x38;
	[tilespmem:$0x11E00] =	vst v63  }
0x1ae: {  	p0 =	slt.s32 s4, $0xF4180;
	s3 =	sand.u32 $0xFFFFFF80, s17  }
0x1af: {  	s4 =	simm.s32 @!p0 $0xF4180;
	p0 =	slt.s32 s3, $0xF4180  }
0x1b0: {  	s21 =	simm.s32 $0x1C00;
	s4 =	sadd.s32 s1, s4;
	s3 =	simm.s32 @!p0 $0xF4180  }
0x1b1: {  	[tilespmem:s21], [sflag:$0x1] =	stream.strided.gather [hbm4b:s4+s16], $0x800, s15, s16, $0x38;
	[tilespmem:$0x11E00] =	vst v63  }
0x1b2: {  	s22 =	simm.s32 $0x9C00;
	s3 =	sadd.s32 s2, s3  }
0x1b3: {  	[tilespmem:s22], [sflag:$0x1] =	stream.strided.gather [hbm4b:s3+s16], $0x800, s15, s16, $0x38;
	[tilespmem:$0x11E00] =	vst v63  }
0x1b4: {  	s23 =	spop (v2sf);
	(v2sf) =	vpush v9, $0x6  }
0x1b5: {  	s24 =	spop (v2sf);
	(v2sf) =	vpush v10, $0x6  }
0x1b6: {  	s4 =	sand.u32 $0xFFFFFF80, s24  }
0x1b7: {  	s26 =	simm.s32 $0x2400;
	s3 =	sand.u32 $0xFFFFFF80, s23;
	p0 =	slt.s32 s4, $0xF4180  }
0x1b8: {  	s7 =	spop (v2sf);
	s4 =	simm.s32 @!p0 $0xF4180;
	p0 =	slt.s32 s3, $0xF4180  }
0x1b9: {  	(v2sf) =	vpush v9, $0x7;
	s8 =	spop (v2sf);
	s3 =	simm.s32 @!p0 $0xF4180;
	s4 =	sadd.s32 s1, s4  }
0x1ba: {  	[tilespmem:s26], [sflag:$0x1] =	stream.strided.gather [hbm4b:s4+s16], $0x800, s15, s16, $0x38;
	[tilespmem:$0x11E00] =	vst v63  }
0x1bb: {  	s6 =	simm.s32 $0xA400;
	(v2sf) =	vpush v10, $0x7;
	s3 =	sadd.s32 s2, s3;
	s4 =	sand.u32 $0xFFFFFF80, s8  }
0x1bc: {  	[tilespmem:s6], [sflag:$0x1] =	stream.strided.gather [hbm4b:s3+s16], $0x800, s15, s16, $0x38;
	[tilespmem:$0x11E00] =	vst v63  }
0x1bd: {  	p0 =	slt.s32 s4, $0xF4180;
	s3 =	sand.u32 $0xFFFFFF80, s7  }
0x1be: {  	s4 =	simm.s32 @!p0 $0xF4180;
	p0 =	slt.s32 s3, $0xF4180  }
0x1bf: {  	s10 =	simm.s32 $0x2C00;
	s4 =	sadd.s32 s1, s4;
	s3 =	simm.s32 @!p0 $0xF4180  }
0x1c0: {  	[tilespmem:s10], [sflag:$0x1] =	stream.strided.gather [hbm4b:s4+s16], $0x800, s15, s16, $0x38;
	[tilespmem:$0x11E00] =	vst v63  }
0x1c1: {  	s12 =	simm.s32 $0xAC00;
	s3 =	sadd.s32 s2, s3  }
0x1c2: {  	[tilespmem:s12], [sflag:$0x1] =	stream.strided.gather [hbm4b:s3+s16], $0x800, s15, s16, $0x38;
	[tilespmem:$0x11E00] =	vst v63  }
0x1c3: {  	s11 =	spop (v2sf)  }
0x1c4: {  	s17 =	spop (v2sf)  }
0x1c5: {  	s3 =	sand.u32 $0xFFFFFF80, s17  }
0x1c6: {  	s4 =	sand.u32 $0xFFFFFF80, s11;
	p0 =	slt.s32 s3, $0xF4180  }
0x1c7: {  	s18 =	simm.s32 $0x3400;
	s3 =	simm.s32 @!p0 $0xF4180;
	p0 =	slt.s32 s4, $0xF4180  }
0x1c8: {  	s21 =	spop (v2sf);
	s4 =	simm.s32 @!p0 $0xF4180;
	s3 =	sadd.s32 s1, s3  }
0x1c9: {  	[tilespmem:s18], [sflag:$0x1] =	stream.strided.gather [hbm4b:s3+s16], $0x800, s15, s16, $0x38;
	[tilespmem:$0x11E00] =	vst v63  }
0x1ca: {  	s22 =	simm.s32 $0xB400;
	s23 =	spop (v2sf);
	s4 =	sadd.s32 s2, s4  }
0x1cb: {  	[tilespmem:s22], [sflag:$0x1] =	stream.strided.gather [hbm4b:s4+s16], $0x800, s15, s16, $0x38;
	[tilespmem:$0x11E00] =	vst v63  }
0x1cc: {  	s4 =	sand.u32 $0xFFFFFF80, s23  }
0x1cd: {  	s3 =	sand.u32 $0xFFFFFF80, s21;
	p0 =	slt.s32 s4, $0xF4180  }
.Ltmp5:
0x1ce: {  	s4 =	simm.s32 @!p0 $0xF4180;
	p0 =	slt.s32 s3, $0xF4180;
	(pc) =	sbr.rel .LBB2_4-.Ltmp5, $4  }
0x1cf: {  	s24 =	simm.s32 $0x3C00;
	s3 =	simm.s32 @!p0 $0xF4180;
	s4 =	sadd.s32 s1, s4  }
0x1d0: {  	[tilespmem:s24], [sflag:$0x1] =	stream.strided.gather [hbm4b:s4+s16], $0x800, s15, s16, $0x38;
	[tilespmem:$0x11E00] =	vst v63  }
0x1d1: {  	s26 =	simm.s32 $0xBC00;
	s3 =	sadd.s32 s2, s3  }
0x1d2: {  	[tilespmem:s26], [sflag:$0x1] =	stream.strided.gather [hbm4b:s3+s16], $0x800, s15, s16, $0x38;
	[tilespmem:$0x11E00] =	vst v63  }
.LBB2_6:
0x1d3: {  	_ =	sfence.sel $0x180000  }
0x1d4: {  	[bflag:$0x0] =	sbarrier.arrive $0xFFFF  }
0x1d5: {  	_ =	strace $0x90000047  }
0x1d6: {  	s0 =	stileid.u32;
	[bflag:$0x2] =	sbarrier.arrive $0xFFFF  }
0x1d7: {  	p0 =	sne.s32 s0, $0x0;
	s0 =	rddreg [dreg:$0x5]  }
0x1d8: {  	s0 =	sadd.s32 @!p0 $0x100000, s0  }
0x1d9: {  	[sflag:s0] =	ssyncadd.tile.s32 @!p0 $0x1;
	_ =	shalt  }
.Lfunc_end2:
_tile_overlayer_lowered:
.L_overlay_start_2:
0x1da: {  	(tag) =	ssettag $0x2  }
0x1db: {  	s0 =	rddreg [dreg:$0x0];
	s2 =	stileid.u32  }
0x1dc: {  	s1 =	rddreg [dreg:$0x1];
	p0 =	sne.s32 s2, $0x0  }
0x1dd: {  	s3 =	rddreg [dreg:$0x2];
	[bflag:$0x3] =	sbarrier.arrive $0xFFFF;
	s2 =	simm.s32 @!p0 $0x1C03  }
0x1de: {  	[timem:s3], [sflag:s2] =	dma.local @!p0 [hbm:s0], s1  }
0x1df: {  	s0 =	simm.s32 @!p0 $0x3  }
0x1e0: {  	_ =	swait.ge @!p0 [sflag:s0], s1  }
0x1e1: {  	s1 =	ssub.s32 @!p0 $0x0, s1;
	[sflag:s0] =	ssyncset.done @!p0 $0x0  }
0x1e2: {  	[sflag:s0] =	ssyncadd.s32 @!p0 s1  }
0x1e3: {  	[bflag:$0x3] =	sbarrier.arrive $0xFFFF  }
0x1e4: {  	_ =	shalt  }

</sc_bundles>
